<compile_context>
chip_gen: v7x
topology: tpu7x:2x2x1
jax: 0.10.2.dev20260603
libtpu: 0.0.44.dev20260713+nightly
codegen_flags: <defaults>
</compile_context>

<pallas_src>
import jax
import jax.numpy as jnp
from jax import lax
from jax.experimental import pallas as pl
from jax.experimental.pallas import tpu as pltpu
from jax.experimental.pallas import tpu_sc as plsc

NC = 2
NS = 16
NW = NC * NS
CHUNK = 128
NBUF = 4



def _sum_parts(ref):
    tot = ref[0]
    for k in range(1, ref.shape[0]):
        tot = tot + ref[k]
    return tot


def _mm2_body(x_ref, ws_ref, wn_ref, b_ref, s_ref, z_ref):
    x = x_ref[...]
    s_ref[...] = (
        jnp.dot(x, ws_ref[...], preferred_element_type=jnp.float32) + b_ref[...]
    )
    z_ref[...] = jnp.dot(
        x, wn_ref[...], preferred_element_type=jnp.float32
    ).astype(jnp.bfloat16)


def _combine_mm_body(s_ref, acc_ref, deg_ref, ws_ref, wn_ref, b_ref,
                     s_out_ref, z_out_ref):
    deg = _sum_parts(deg_ref)[:, 0:1]
    rdeg = 1.0 / jnp.maximum(deg, 1.0)
    acc = _sum_parts(acc_ref).astype(jnp.float32)
    h = jnp.maximum(s_ref[...] + acc * rdeg, 0.0)
    s_out_ref[...] = (
        jnp.dot(h, ws_ref[...], preferred_element_type=jnp.float32) + b_ref[...]
    )
    z_out_ref[...] = jnp.dot(
        h, wn_ref[...], preferred_element_type=jnp.float32
    ).astype(jnp.bfloat16)


def _combine_body(s_ref, acc_ref, deg_ref, o_ref):
    deg = _sum_parts(deg_ref)[:, 0:1]
    rdeg = 1.0 / jnp.maximum(deg, 1.0)
    acc = _sum_parts(acc_ref).astype(jnp.float32)
    o_ref[...] = jnp.maximum(s_ref[...] + acc * rdeg, 0.0)


def _mm2(x, np_, w_self, w_neigh, b, blk):
    d = x.shape[1]
    grid = np_ // blk
    return pl.pallas_call(
        _mm2_body,
        grid=(grid,),
        in_specs=[
            pl.BlockSpec((blk, d), lambda i: (i, 0)),
            pl.BlockSpec((d, d), lambda i: (0, 0)),
            pl.BlockSpec((d, d), lambda i: (0, 0)),
            pl.BlockSpec((1, d), lambda i: (0, 0)),
        ],
        out_specs=[
            pl.BlockSpec((blk, d), lambda i: (i, 0)),
            pl.BlockSpec((blk, d), lambda i: (i, 0)),
        ],
        out_shape=[
            jax.ShapeDtypeStruct((np_, d), jnp.float32),
            jax.ShapeDtypeStruct((np_, d), jnp.bfloat16),
        ],
    )(x, w_self, w_neigh, b.reshape(1, d))


def _combine_mm(s, acc, deg, w_self, w_neigh, b, blk):
    n, d = s.shape
    grid = n // blk
    na = acc.shape[0]
    return pl.pallas_call(
        _combine_mm_body,
        grid=(grid,),
        in_specs=[
            pl.BlockSpec((blk, d), lambda i: (i, 0)),
            pl.BlockSpec((na, blk, d), lambda i: (0, i, 0)),
            pl.BlockSpec((na, blk, 8), lambda i: (0, i, 0)),
            pl.BlockSpec((d, d), lambda i: (0, 0)),
            pl.BlockSpec((d, d), lambda i: (0, 0)),
            pl.BlockSpec((1, d), lambda i: (0, 0)),
        ],
        out_specs=[
            pl.BlockSpec((blk, d), lambda i: (i, 0)),
            pl.BlockSpec((blk, d), lambda i: (i, 0)),
        ],
        out_shape=[
            jax.ShapeDtypeStruct((n, d), jnp.float32),
            jax.ShapeDtypeStruct((n, d), jnp.bfloat16),
        ],
    )(s, acc, deg, w_self, w_neigh, b.reshape(1, d))


def _combine(s, acc, deg, n_out, blk):
    d = s.shape[1]
    grid = n_out // blk
    na = acc.shape[0]
    return pl.pallas_call(
        _combine_body,
        grid=(grid,),
        in_specs=[
            pl.BlockSpec((blk, d), lambda i: (i, 0)),
            pl.BlockSpec((na, blk, d), lambda i: (0, i, 0)),
            pl.BlockSpec((na, blk, 8), lambda i: (0, i, 0)),
        ],
        out_specs=pl.BlockSpec((blk, d), lambda i: (i, 0)),
        out_shape=jax.ShapeDtypeStruct((n_out, d), jnp.float32),
    )(s, acc, deg)



def _make_edge_pass(np_, d, nch, with_deg):
    rows_per_tile = np_ // NS
    assert nch % NBUF == 0 and nch // NBUF >= 2
    assert rows_per_tile % CHUNK == 0
    n_stage = rows_per_tile // CHUNK
    mesh = plsc.VectorSubcoreMesh(core_axis_name="c", subcore_axis_name="s")

    out_type = [jax.ShapeDtypeStruct((NC, np_, d), jnp.bfloat16)]
    scratch = [
        pltpu.VMEM((nch, CHUNK), jnp.int32),
        pltpu.VMEM((nch, CHUNK), jnp.int32),
    ]
    scratch += [pltpu.VMEM((CHUNK, d), jnp.bfloat16) for _ in range(NBUF)]
    scratch += [pltpu.VMEM_SHARED((np_, d), jnp.bfloat16)]
    scratch += [pltpu.SemaphoreType.DMA for _ in range(2 * NBUF)]
    if with_deg:
        out_type.append(jax.ShapeDtypeStruct((NC, np_, 8), jnp.float32))
        scratch += [
            pltpu.VMEM((CHUNK, 8), jnp.float32),
            pltpu.VMEM_SHARED((np_, 8), jnp.float32),
            pltpu.VMEM((CHUNK, 8), jnp.float32),
        ]

    def body(z_hbm, srcs_hbm, dsts_hbm, zrow_hbm, zdeg_hbm, ones_hbm,
             acc_out, *rest):
        if with_deg:
            deg_out = rest[0]
            rest = rest[1:]
            ones_v, deg_sh, deg_st = rest[-3:]
            rest = rest[:-3]
        src_v, dst_v = rest[0], rest[1]
        bufs = rest[2:2 + NBUF]
        acc_sh = rest[2 + NBUF]
        gs = rest[3 + NBUF:3 + 2 * NBUF]
        ss = rest[3 + 2 * NBUF:3 + 3 * NBUF]
        c = lax.axis_index("c")
        s = lax.axis_index("s")
        w = c * NS + s
        r0 = s * rows_per_tile

        pltpu.sync_copy(zrow_hbm.at[pl.ds(0, CHUNK)], bufs[0])
        if with_deg:
            pltpu.sync_copy(zdeg_hbm.at[pl.ds(0, CHUNK)], deg_st)
        zs = []
        for k in range(n_stage):
            blk_rows = pl.ds(r0 + k * CHUNK, CHUNK)
            zs.append(pltpu.async_copy(bufs[0], acc_sh.at[blk_rows], gs[0]))
            if with_deg:
                zs.append(pltpu.async_copy(deg_st, deg_sh.at[blk_rows], gs[1]))
        if with_deg:
            pltpu.sync_copy(ones_hbm, ones_v)
        pltpu.sync_copy(srcs_hbm.at[pl.ds(w * nch, nch)], src_v)
        pltpu.sync_copy(dsts_hbm.at[pl.ds(w * nch, nch)], dst_v)
        for h in zs:
            h.wait()
        plsc.subcore_barrier()

        def gather(k, j):
            return pltpu.async_copy(z_hbm.at[src_v.at[k]], bufs[j], gs[j])

        def wait_gather(j):
            pltpu.make_async_copy(z_hbm.at[src_v.at[0]], bufs[j],
                                  gs[j]).wait()

        def process(k, j):
            wait_gather(j)
            h = pltpu.async_copy(bufs[j], acc_sh.at[dst_v.at[k]], ss[j],
                                 add=True)
            if with_deg:
                pltpu.sync_copy(ones_v, deg_sh.at[dst_v.at[k]], add=True)
            return h

        for j in range(NBUF):
            gather(j, j)

        def quad_body(q, carry):
            a = q * NBUF
            h0 = process(a + 0, 0)
            h1 = process(a + 1, 1)
            h0.wait()
            gather(a + NBUF + 0, 0)
            h2 = process(a + 2, 2)
            h1.wait()
            gather(a + NBUF + 1, 1)
            h3 = process(a + 3, 3)
            h2.wait()
            gather(a + NBUF + 2, 2)
            h3.wait()
            gather(a + NBUF + 3, 3)
            return carry

        lax.fori_loop(0, nch // NBUF - 1, quad_body, 0)
        a0 = nch - NBUF
        tails = [process(a0 + j, j) for j in range(NBUF)]
        for h in tails:
            h.wait()
        plsc.subcore_barrier()

        wr = [None, None]
        for k in range(n_stage):
            b = k % 2
            if wr[b] is not None:
                wr[b].wait()
            blk_rows = pl.ds(r0 + k * CHUNK, CHUNK)
            pltpu.sync_copy(acc_sh.at[blk_rows], bufs[b])
            wr[b] = pltpu.async_copy(bufs[b], acc_out.at[c, blk_rows], gs[b])
            if with_deg:
                pltpu.sync_copy(deg_sh.at[blk_rows], deg_st)
                pltpu.sync_copy(deg_st, deg_out.at[c, blk_rows])
        for h in wr:
            if h is not None:
                h.wait()

    return pl.kernel(
        body, out_type=out_type, mesh=mesh, scratch_types=scratch,
        compiler_params=pltpu.CompilerParams(use_tc_tiling_on_sc=False),
    )



def kernel(x, edge_index, W_self0, W_neigh0, b0, W_self1, W_neigh1, b1):
    n, d = x.shape
    e = edge_index.shape[1]
    blk = 2560

    np_ = ((n + 1 + NW * 8 - 1) // (NW * 8)) * (NW * 8)
    nch = -(-e // (NW * CHUNK))
    nch = -(-nch // (2 * NBUF)) * (2 * NBUF)
    epad = NW * nch * CHUNK

    pad_idx = n + (jnp.arange(epad - e, dtype=jnp.int32) % (np_ - n))
    src = edge_index[0].astype(jnp.int32)
    dst = edge_index[1].astype(jnp.int32)
    srcs = jnp.concatenate([src, pad_idx]).reshape(NW * nch, CHUNK)
    dsts = jnp.concatenate([dst, pad_idx]).reshape(NW * nch, CHUNK)
    zrow = jnp.zeros((np_, d), jnp.bfloat16)
    zdeg = jnp.zeros((np_, 8), jnp.float32)
    ones8 = jnp.ones((CHUNK, 8), jnp.float32)

    edge_pass0 = _make_edge_pass(np_, d, nch, with_deg=True)
    edge_pass1 = _make_edge_pass(np_, d, nch, with_deg=False)

    s0, z0 = _mm2(x, np_, W_self0, W_neigh0, b0, blk)
    acc0, deg = edge_pass0(z0, srcs, dsts, zrow, zdeg, ones8)
    s1, z1 = _combine_mm(s0, acc0, deg, W_self1, W_neigh1, b1, blk)
    acc1 = edge_pass1(z1, srcs, dsts, zrow, zdeg, ones8)
    if isinstance(acc1, (list, tuple)):
        acc1 = acc1[0]
    return _combine(s1, acc1, deg, n, 2000)

# --- scband reference (transcript-rebuilt; emitter-appended) ---
"""Pipeline reference for scband-convolution-module-79259326480930 (READ-ONLY COPY).

The authoritative reference and input builder live on the scoring server;
editing this copy changes nothing except your own understanding.
"""

import jax, jax.numpy as jnp
import numpy as np

N_NODES = 10000
N_EDGES = 320000
D = 128

def setup_inputs(seed: int = 0) -> dict:
    key = jax.random.key(seed)
    ks = jax.random.split(key, 8)
    x = jax.random.normal(ks[0], (N_NODES, D), dtype=jnp.float32)
    edge_index = jax.random.randint(ks[1], (2, N_EDGES), 0, N_NODES, dtype=jnp.int64)
    s = 1.0 / np.sqrt(D)
    W_self0 = jax.random.uniform(ks[2], (D, D), minval=-s, maxval=s, dtype=jnp.float32)
    W_neigh0 = jax.random.uniform(ks[3], (D, D), minval=-s, maxval=s, dtype=jnp.float32)
    b0 = jnp.zeros((D,), dtype=jnp.float32)
    W_self1 = jax.random.uniform(ks[4], (D, D), minval=-s, maxval=s, dtype=jnp.float32)
    W_neigh1 = jax.random.uniform(ks[5], (D, D), minval=-s, maxval=s, dtype=jnp.float32)
    b1 = jnp.zeros((D,), dtype=jnp.float32)
    return {"x": x, "edge_index": edge_index,
            "W_self0": W_self0, "W_neigh0": W_neigh0, "b0": b0,
            "W_self1": W_self1, "W_neigh1": W_neigh1, "b1": b1}

def _sage_conv(h, src, dst, n, W_self, W_neigh, b):
    # DGL SAGEConv, aggregator_type='mean':
    #   h_neigh = mean_{j in N(i)} h_j ; out = fc_self(h_i) + fc_neigh(h_neigh)
    msg = jnp.take(h, src, axis=0)                              # gather src features [E, D]
    agg = jax.ops.segment_sum(msg, dst, num_segments=n)         # scatter-add by dst [N, D]
    deg = jax.ops.segment_sum(jnp.ones((src.shape[0], 1), h.dtype), dst, num_segments=n)
    h_neigh = agg / jnp.maximum(deg, 1.0)
    return h @ W_self + h_neigh @ W_neigh + b

def reference(x, edge_index, W_self0, W_neigh0, b0, W_self1, W_neigh1, b1):
    src = edge_index[0]
    dst = edge_index[1]
    n = x.shape[0]
    h = _sage_conv(x, src, dst, n, W_self0, W_neigh0, b0)
    h = jax.nn.relu(h)  # stack default activation between layers
    h = _sage_conv(h, src, dst, n, W_self1, W_neigh1, b1)
    h = jax.nn.relu(h)
    return h

if __name__ == "__main__":
    import jax
    _d = setup_inputs()
    print(jax.jit(kernel)(*tuple(_d.values())))

</pallas_src>

<mosaic_0001>
#map = affine_map<(d0, d1) -> (0, 0)>
#map1 = affine_map<(d0, d1) -> (0, 0, 0)>
module attributes {stable_mosaic.version = 14 : i64} {
  func.func @body(%arg0: i32, %arg1: i32, %arg2: memref<10240x128xbf16, #tpu.memory_space<hbm>>, %arg3: memref<2560x128xi32, #tpu.memory_space<hbm>>, %arg4: memref<2560x128xi32, #tpu.memory_space<hbm>>, %arg5: memref<10240x128xbf16, #tpu.memory_space<hbm>>, %arg6: memref<10240x8xf32, #tpu.memory_space<hbm>>, %arg7: memref<128x8xf32, #tpu.memory_space<hbm>>, %arg8: memref<2x10240x128xbf16, #tpu.memory_space<hbm>>, %arg9: memref<80x128xi32, #tpu.memory_space<vmem>>, %arg10: memref<80x128xi32, #tpu.memory_space<vmem>>, %arg11: memref<128x128xbf16, #tpu.memory_space<vmem>>, %arg12: memref<128x128xbf16, #tpu.memory_space<vmem>>, %arg13: memref<128x128xbf16, #tpu.memory_space<vmem>>, %arg14: memref<128x128xbf16, #tpu.memory_space<vmem>>, %arg15: memref<10240x128xbf16, #tpu.memory_space<vmem_shared>>, %arg16: memref<!tpu.dma_semaphore, #tpu.memory_space<semaphore_mem>>, %arg17: memref<!tpu.dma_semaphore, #tpu.memory_space<semaphore_mem>>, %arg18: memref<!tpu.dma_semaphore, #tpu.memory_space<semaphore_mem>>, %arg19: memref<!tpu.dma_semaphore, #tpu.memory_space<semaphore_mem>>, %arg20: memref<!tpu.dma_semaphore, #tpu.memory_space<semaphore_mem>>, %arg21: memref<!tpu.dma_semaphore, #tpu.memory_space<semaphore_mem>>, %arg22: memref<!tpu.dma_semaphore, #tpu.memory_space<semaphore_mem>>, %arg23: memref<!tpu.dma_semaphore, #tpu.memory_space<semaphore_mem>>) attributes {dimension_semantics = [#tpu.dimension_semantics<core_parallel>, #tpu.dimension_semantics<subcore_parallel>], iteration_bounds = array<i64: 2, 16>, scalar_prefetch = 0 : i64, scratch_operands = 15 : i64, tpu.core_type = #tpu.core_type<sc_vector_subcore>, window_params = [{transform_indices = #map}, {transform_indices = #map}, {transform_indices = #map}, {transform_indices = #map}, {transform_indices = #map}, {transform_indices = #map}, {transform_indices = #map1}]} {
    %mul3A = arith.constant 16 : i32
    %mul3A_0 = arith.muli %arg0, %mul3A : i32
    %add3A = arith.addi %mul3A_0, %arg1 : i32
    %mul3A_1 = arith.constant 640 : i32
    %mul3A_2 = arith.muli %arg1, %mul3A_1 : i32
    "tpu.region"() ({
      %run_scoped3A = tpu.sem_alloc : memref<!tpu.dma_semaphore, #tpu.memory_space<semaphore_mem>>
      %dma_start3A_243 = arith.constant 0 : i32
      %dma_start3A_244 = arith.constant 0 : i32
      %dma_start3A_245 = tpu.memref_slice %arg5[%dma_start3A_243, %dma_start3A_244] : memref<10240x128xbf16, #tpu.memory_space<hbm>> -> memref<128x128xbf16, #tpu.memory_space<hbm>>
      %dma_start3A_246 = arith.constant 0 : i32
      %dma_start3A_247 = arith.constant 0 : i32
      %dma_start3A_248 = tpu.memref_slice %arg5[%dma_start3A_246, %dma_start3A_247] : memref<10240x128xbf16, #tpu.memory_space<hbm>> -> memref<128x128xbf16, #tpu.memory_space<hbm>>
      tpu.enqueue_dma source(%dma_start3A_248 : memref<128x128xbf16, #tpu.memory_space<hbm>>) target(%arg11 : memref<128x128xbf16, #tpu.memory_space<vmem>>) target_semaphore(%run_scoped3A : memref<!tpu.dma_semaphore, #tpu.memory_space<semaphore_mem>>)
      %dma_wait3A_249 = arith.constant 0 : i32
      %dma_wait3A_250 = arith.constant 0 : i32
      %dma_wait3A_251 = tpu.memref_slice %arg5[%dma_wait3A_249, %dma_wait3A_250] : memref<10240x128xbf16, #tpu.memory_space<hbm>> -> memref<128x128xbf16, #tpu.memory_space<hbm>>
      %dma_wait3A_252 = arith.constant 0 : i32
      %dma_wait3A_253 = arith.constant 0 : i32
      %dma_wait3A_254 = tpu.memref_slice %arg5[%dma_wait3A_252, %dma_wait3A_253] : memref<10240x128xbf16, #tpu.memory_space<hbm>> -> memref<128x128xbf16, #tpu.memory_space<hbm>>
      tpu.wait_dma2 semaphore(%run_scoped3A : memref<!tpu.dma_semaphore, #tpu.memory_space<semaphore_mem>>) src(%dma_wait3A_254 : memref<128x128xbf16, #tpu.memory_space<hbm>>) dst(%arg11 : memref<128x128xbf16, #tpu.memory_space<vmem>>)
      tpu.yield
    }) : () -> ()
    %add3A_3 = arith.constant 0 : i32
    %add3A_4 = arith.addi %mul3A_2, %add3A_3 : i32
    %dma_start3A = arith.constant 0 : i32
    %dma_start3A_5 = tpu.memref_slice %arg15[%add3A_4, %dma_start3A] : memref<10240x128xbf16, #tpu.memory_space<vmem_shared>> -> memref<128x128xbf16, #tpu.memory_space<vmem_shared>>
    %dma_start3A_6 = arith.constant 0 : i32
    %dma_start3A_7 = tpu.memref_slice %arg15[%add3A_4, %dma_start3A_6] : memref<10240x128xbf16, #tpu.memory_space<vmem_shared>> -> memref<128x128xbf16, #tpu.memory_space<vmem_shared>>
    tpu.enqueue_dma source(%arg11 : memref<128x128xbf16, #tpu.memory_space<vmem>>) target(%dma_start3A_7 : memref<128x128xbf16, #tpu.memory_space<vmem_shared>>) target_semaphore(%arg16 : memref<!tpu.dma_semaphore, #tpu.memory_space<semaphore_mem>>)
    %add3A_8 = arith.constant 128 : i32
    %add3A_9 = arith.addi %mul3A_2, %add3A_8 : i32
    %dma_start3A_10 = arith.constant 0 : i32
    %dma_start3A_11 = tpu.memref_slice %arg15[%add3A_9, %dma_start3A_10] : memref<10240x128xbf16, #tpu.memory_space<vmem_shared>> -> memref<128x128xbf16, #tpu.memory_space<vmem_shared>>
    %dma_start3A_12 = arith.constant 0 : i32
    %dma_start3A_13 = tpu.memref_slice %arg15[%add3A_9, %dma_start3A_12] : memref<10240x128xbf16, #tpu.memory_space<vmem_shared>> -> memref<128x128xbf16, #tpu.memory_space<vmem_shared>>
    tpu.enqueue_dma source(%arg11 : memref<128x128xbf16, #tpu.memory_space<vmem>>) target(%dma_start3A_13 : memref<128x128xbf16, #tpu.memory_space<vmem_shared>>) target_semaphore(%arg16 : memref<!tpu.dma_semaphore, #tpu.memory_space<semaphore_mem>>)
    %add3A_14 = arith.constant 256 : i32
    %add3A_15 = arith.addi %mul3A_2, %add3A_14 : i32
    %dma_start3A_16 = arith.constant 0 : i32
    %dma_start3A_17 = tpu.memref_slice %arg15[%add3A_15, %dma_start3A_16] : memref<10240x128xbf16, #tpu.memory_space<vmem_shared>> -> memref<128x128xbf16, #tpu.memory_space<vmem_shared>>
    %dma_start3A_18 = arith.constant 0 : i32
    %dma_start3A_19 = tpu.memref_slice %arg15[%add3A_15, %dma_start3A_18] : memref<10240x128xbf16, #tpu.memory_space<vmem_shared>> -> memref<128x128xbf16, #tpu.memory_space<vmem_shared>>
    tpu.enqueue_dma source(%arg11 : memref<128x128xbf16, #tpu.memory_space<vmem>>) target(%dma_start3A_19 : memref<128x128xbf16, #tpu.memory_space<vmem_shared>>) target_semaphore(%arg16 : memref<!tpu.dma_semaphore, #tpu.memory_space<semaphore_mem>>)
    %add3A_20 = arith.constant 384 : i32
    %add3A_21 = arith.addi %mul3A_2, %add3A_20 : i32
    %dma_start3A_22 = arith.constant 0 : i32
    %dma_start3A_23 = tpu.memref_slice %arg15[%add3A_21, %dma_start3A_22] : memref<10240x128xbf16, #tpu.memory_space<vmem_shared>> -> memref<128x128xbf16, #tpu.memory_space<vmem_shared>>
    %dma_start3A_24 = arith.constant 0 : i32
    %dma_start3A_25 = tpu.memref_slice %arg15[%add3A_21, %dma_start3A_24] : memref<10240x128xbf16, #tpu.memory_space<vmem_shared>> -> memref<128x128xbf16, #tpu.memory_space<vmem_shared>>
    tpu.enqueue_dma source(%arg11 : memref<128x128xbf16, #tpu.memory_space<vmem>>) target(%dma_start3A_25 : memref<128x128xbf16, #tpu.memory_space<vmem_shared>>) target_semaphore(%arg16 : memref<!tpu.dma_semaphore, #tpu.memory_space<semaphore_mem>>)
    %add3A_26 = arith.constant 512 : i32
    %add3A_27 = arith.addi %mul3A_2, %add3A_26 : i32
    %dma_start3A_28 = arith.constant 0 : i32
    %dma_start3A_29 = tpu.memref_slice %arg15[%add3A_27, %dma_start3A_28] : memref<10240x128xbf16, #tpu.memory_space<vmem_shared>> -> memref<128x128xbf16, #tpu.memory_space<vmem_shared>>
    %dma_start3A_30 = arith.constant 0 : i32
    %dma_start3A_31 = tpu.memref_slice %arg15[%add3A_27, %dma_start3A_30] : memref<10240x128xbf16, #tpu.memory_space<vmem_shared>> -> memref<128x128xbf16, #tpu.memory_space<vmem_shared>>
    tpu.enqueue_dma source(%arg11 : memref<128x128xbf16, #tpu.memory_space<vmem>>) target(%dma_start3A_31 : memref<128x128xbf16, #tpu.memory_space<vmem_shared>>) target_semaphore(%arg16 : memref<!tpu.dma_semaphore, #tpu.memory_space<semaphore_mem>>)
    %mul3A_32 = arith.constant 80 : i32
    %mul3A_33 = arith.muli %add3A, %mul3A_32 : i32
    "tpu.region"() ({
      %run_scoped3A = tpu.sem_alloc : memref<!tpu.dma_semaphore, #tpu.memory_space<semaphore_mem>>
      %dma_start3A_243 = arith.constant 0 : i32
      %dma_start3A_244 = tpu.memref_slice %arg3[%mul3A_33, %dma_start3A_243] : memref<2560x128xi32, #tpu.memory_space<hbm>> -> memref<80x128xi32, #tpu.memory_space<hbm>>
      %dma_start3A_245 = arith.constant 0 : i32
      %dma_start3A_246 = tpu.memref_slice %arg3[%mul3A_33, %dma_start3A_245] : memref<2560x128xi32, #tpu.memory_space<hbm>> -> memref<80x128xi32, #tpu.memory_space<hbm>>
      tpu.enqueue_dma source(%dma_start3A_246 : memref<80x128xi32, #tpu.memory_space<hbm>>) target(%arg9 : memref<80x128xi32, #tpu.memory_space<vmem>>) target_semaphore(%run_scoped3A : memref<!tpu.dma_semaphore, #tpu.memory_space<semaphore_mem>>)
      %dma_wait3A_247 = arith.constant 0 : i32
      %dma_wait3A_248 = tpu.memref_slice %arg3[%mul3A_33, %dma_wait3A_247] : memref<2560x128xi32, #tpu.memory_space<hbm>> -> memref<80x128xi32, #tpu.memory_space<hbm>>
      %dma_wait3A_249 = arith.constant 0 : i32
      %dma_wait3A_250 = tpu.memref_slice %arg3[%mul3A_33, %dma_wait3A_249] : memref<2560x128xi32, #tpu.memory_space<hbm>> -> memref<80x128xi32, #tpu.memory_space<hbm>>
      tpu.wait_dma2 semaphore(%run_scoped3A : memref<!tpu.dma_semaphore, #tpu.memory_space<semaphore_mem>>) src(%dma_wait3A_250 : memref<80x128xi32, #tpu.memory_space<hbm>>) dst(%arg9 : memref<80x128xi32, #tpu.memory_space<vmem>>)
      tpu.yield
    }) : () -> ()
    %mul3A_34 = arith.constant 80 : i32
    %mul3A_35 = arith.muli %add3A, %mul3A_34 : i32
    "tpu.region"() ({
      %run_scoped3A = tpu.sem_alloc : memref<!tpu.dma_semaphore, #tpu.memory_space<semaphore_mem>>
      %dma_start3A_243 = arith.constant 0 : i32
      %dma_start3A_244 = tpu.memref_slice %arg4[%mul3A_35, %dma_start3A_243] : memref<2560x128xi32, #tpu.memory_space<hbm>> -> memref<80x128xi32, #tpu.memory_space<hbm>>
      %dma_start3A_245 = arith.constant 0 : i32
      %dma_start3A_246 = tpu.memref_slice %arg4[%mul3A_35, %dma_start3A_245] : memref<2560x128xi32, #tpu.memory_space<hbm>> -> memref<80x128xi32, #tpu.memory_space<hbm>>
      tpu.enqueue_dma source(%dma_start3A_246 : memref<80x128xi32, #tpu.memory_space<hbm>>) target(%arg10 : memref<80x128xi32, #tpu.memory_space<vmem>>) target_semaphore(%run_scoped3A : memref<!tpu.dma_semaphore, #tpu.memory_space<semaphore_mem>>)
      %dma_wait3A_247 = arith.constant 0 : i32
      %dma_wait3A_248 = tpu.memref_slice %arg4[%mul3A_35, %dma_wait3A_247] : memref<2560x128xi32, #tpu.memory_space<hbm>> -> memref<80x128xi32, #tpu.memory_space<hbm>>
      %dma_wait3A_249 = arith.constant 0 : i32
      %dma_wait3A_250 = tpu.memref_slice %arg4[%mul3A_35, %dma_wait3A_249] : memref<2560x128xi32, #tpu.memory_space<hbm>> -> memref<80x128xi32, #tpu.memory_space<hbm>>
      tpu.wait_dma2 semaphore(%run_scoped3A : memref<!tpu.dma_semaphore, #tpu.memory_space<semaphore_mem>>) src(%dma_wait3A_250 : memref<80x128xi32, #tpu.memory_space<hbm>>) dst(%arg10 : memref<80x128xi32, #tpu.memory_space<vmem>>)
      tpu.yield
    }) : () -> ()
    %dma_wait3A = arith.constant 0 : i32
    %dma_wait3A_36 = tpu.memref_slice %arg15[%add3A_4, %dma_wait3A] : memref<10240x128xbf16, #tpu.memory_space<vmem_shared>> -> memref<128x128xbf16, #tpu.memory_space<vmem_shared>>
    %dma_wait3A_37 = arith.constant 0 : i32
    %dma_wait3A_38 = tpu.memref_slice %arg15[%add3A_4, %dma_wait3A_37] : memref<10240x128xbf16, #tpu.memory_space<vmem_shared>> -> memref<128x128xbf16, #tpu.memory_space<vmem_shared>>
    tpu.wait_dma2 semaphore(%arg16 : memref<!tpu.dma_semaphore, #tpu.memory_space<semaphore_mem>>) src(%arg11 : memref<128x128xbf16, #tpu.memory_space<vmem>>) dst(%dma_wait3A_38 : memref<128x128xbf16, #tpu.memory_space<vmem_shared>>)
    %dma_wait3A_39 = arith.constant 0 : i32
    %dma_wait3A_40 = tpu.memref_slice %arg15[%add3A_9, %dma_wait3A_39] : memref<10240x128xbf16, #tpu.memory_space<vmem_shared>> -> memref<128x128xbf16, #tpu.memory_space<vmem_shared>>
    %dma_wait3A_41 = arith.constant 0 : i32
    %dma_wait3A_42 = tpu.memref_slice %arg15[%add3A_9, %dma_wait3A_41] : memref<10240x128xbf16, #tpu.memory_space<vmem_shared>> -> memref<128x128xbf16, #tpu.memory_space<vmem_shared>>
    tpu.wait_dma2 semaphore(%arg16 : memref<!tpu.dma_semaphore, #tpu.memory_space<semaphore_mem>>) src(%arg11 : memref<128x128xbf16, #tpu.memory_space<vmem>>) dst(%dma_wait3A_42 : memref<128x128xbf16, #tpu.memory_space<vmem_shared>>)
    %dma_wait3A_43 = arith.constant 0 : i32
    %dma_wait3A_44 = tpu.memref_slice %arg15[%add3A_15, %dma_wait3A_43] : memref<10240x128xbf16, #tpu.memory_space<vmem_shared>> -> memref<128x128xbf16, #tpu.memory_space<vmem_shared>>
    %dma_wait3A_45 = arith.constant 0 : i32
    %dma_wait3A_46 = tpu.memref_slice %arg15[%add3A_15, %dma_wait3A_45] : memref<10240x128xbf16, #tpu.memory_space<vmem_shared>> -> memref<128x128xbf16, #tpu.memory_space<vmem_shared>>
    tpu.wait_dma2 semaphore(%arg16 : memref<!tpu.dma_semaphore, #tpu.memory_space<semaphore_mem>>) src(%arg11 : memref<128x128xbf16, #tpu.memory_space<vmem>>) dst(%dma_wait3A_46 : memref<128x128xbf16, #tpu.memory_space<vmem_shared>>)
    %dma_wait3A_47 = arith.constant 0 : i32
    %dma_wait3A_48 = tpu.memref_slice %arg15[%add3A_21, %dma_wait3A_47] : memref<10240x128xbf16, #tpu.memory_space<vmem_shared>> -> memref<128x128xbf16, #tpu.memory_space<vmem_shared>>
    %dma_wait3A_49 = arith.constant 0 : i32
    %dma_wait3A_50 = tpu.memref_slice %arg15[%add3A_21, %dma_wait3A_49] : memref<10240x128xbf16, #tpu.memory_space<vmem_shared>> -> memref<128x128xbf16, #tpu.memory_space<vmem_shared>>
    tpu.wait_dma2 semaphore(%arg16 : memref<!tpu.dma_semaphore, #tpu.memory_space<semaphore_mem>>) src(%arg11 : memref<128x128xbf16, #tpu.memory_space<vmem>>) dst(%dma_wait3A_50 : memref<128x128xbf16, #tpu.memory_space<vmem_shared>>)
    %dma_wait3A_51 = arith.constant 0 : i32
    %dma_wait3A_52 = tpu.memref_slice %arg15[%add3A_27, %dma_wait3A_51] : memref<10240x128xbf16, #tpu.memory_space<vmem_shared>> -> memref<128x128xbf16, #tpu.memory_space<vmem_shared>>
    %dma_wait3A_53 = arith.constant 0 : i32
    %dma_wait3A_54 = tpu.memref_slice %arg15[%add3A_27, %dma_wait3A_53] : memref<10240x128xbf16, #tpu.memory_space<vmem_shared>> -> memref<128x128xbf16, #tpu.memory_space<vmem_shared>>
    tpu.wait_dma2 semaphore(%arg16 : memref<!tpu.dma_semaphore, #tpu.memory_space<semaphore_mem>>) src(%arg11 : memref<128x128xbf16, #tpu.memory_space<vmem>>) dst(%dma_wait3A_54 : memref<128x128xbf16, #tpu.memory_space<vmem_shared>>)
    %barrier3A = arith.constant 0 : index
    tpu.barrier barrier_id(%barrier3A)
    %dma_start3A_55 = arith.constant 0 : i32
    %dma_start3A_56 = arith.constant 0 : i32
    %dma_start3A_57 = tpu.memref_slice %arg9[%dma_start3A_55, %dma_start3A_56] : memref<80x128xi32, #tpu.memory_space<vmem>> -> memref<1x128xi32, #tpu.memory_space<vmem>>
    %dma_start3A_58 = tpu.memref_squeeze %dma_start3A_57 : memref<1x128xi32, #tpu.memory_space<vmem>> -> memref<128xi32, #tpu.memory_space<vmem>>
    %dma_start3A_59 = arith.constant 0 : i32
    %dma_start3A_60 = arith.constant 0 : i32
    %dma_start3A_61 = tpu.memref_slice %arg2[%dma_start3A_59, %dma_start3A_60] : memref<10240x128xbf16, #tpu.memory_space<hbm>> -> memref<10240x128xbf16, #tpu.memory_space<hbm>>
    tpu.enqueue_indirect_dma source(%dma_start3A_61 : memref<10240x128xbf16, #tpu.memory_space<hbm>>) target(%arg11 : memref<128x128xbf16, #tpu.memory_space<vmem>>) offsets(%dma_start3A_58 : memref<128xi32, #tpu.memory_space<vmem>>) semaphore(%arg16 : memref<!tpu.dma_semaphore, #tpu.memory_space<semaphore_mem>>)
    %dma_start3A_62 = arith.constant 1 : i32
    %dma_start3A_63 = arith.constant 0 : i32
    %dma_start3A_64 = tpu.memref_slice %arg9[%dma_start3A_62, %dma_start3A_63] : memref<80x128xi32, #tpu.memory_space<vmem>> -> memref<1x128xi32, #tpu.memory_space<vmem>>
    %dma_start3A_65 = tpu.memref_squeeze %dma_start3A_64 : memref<1x128xi32, #tpu.memory_space<vmem>> -> memref<128xi32, #tpu.memory_space<vmem>>
    %dma_start3A_66 = arith.constant 0 : i32
    %dma_start3A_67 = arith.constant 0 : i32
    %dma_start3A_68 = tpu.memref_slice %arg2[%dma_start3A_66, %dma_start3A_67] : memref<10240x128xbf16, #tpu.memory_space<hbm>> -> memref<10240x128xbf16, #tpu.memory_space<hbm>>
    tpu.enqueue_indirect_dma source(%dma_start3A_68 : memref<10240x128xbf16, #tpu.memory_space<hbm>>) target(%arg12 : memref<128x128xbf16, #tpu.memory_space<vmem>>) offsets(%dma_start3A_65 : memref<128xi32, #tpu.memory_space<vmem>>) semaphore(%arg17 : memref<!tpu.dma_semaphore, #tpu.memory_space<semaphore_mem>>)
    %dma_start3A_69 = arith.constant 2 : i32
    %dma_start3A_70 = arith.constant 0 : i32
    %dma_start3A_71 = tpu.memref_slice %arg9[%dma_start3A_69, %dma_start3A_70] : memref<80x128xi32, #tpu.memory_space<vmem>> -> memref<1x128xi32, #tpu.memory_space<vmem>>
    %dma_start3A_72 = tpu.memref_squeeze %dma_start3A_71 : memref<1x128xi32, #tpu.memory_space<vmem>> -> memref<128xi32, #tpu.memory_space<vmem>>
    %dma_start3A_73 = arith.constant 0 : i32
    %dma_start3A_74 = arith.constant 0 : i32
    %dma_start3A_75 = tpu.memref_slice %arg2[%dma_start3A_73, %dma_start3A_74] : memref<10240x128xbf16, #tpu.memory_space<hbm>> -> memref<10240x128xbf16, #tpu.memory_space<hbm>>
    tpu.enqueue_indirect_dma source(%dma_start3A_75 : memref<10240x128xbf16, #tpu.memory_space<hbm>>) target(%arg13 : memref<128x128xbf16, #tpu.memory_space<vmem>>) offsets(%dma_start3A_72 : memref<128xi32, #tpu.memory_space<vmem>>) semaphore(%arg18 : memref<!tpu.dma_semaphore, #tpu.memory_space<semaphore_mem>>)
    %dma_start3A_76 = arith.constant 3 : i32
    %dma_start3A_77 = arith.constant 0 : i32
    %dma_start3A_78 = tpu.memref_slice %arg9[%dma_start3A_76, %dma_start3A_77] : memref<80x128xi32, #tpu.memory_space<vmem>> -> memref<1x128xi32, #tpu.memory_space<vmem>>
    %dma_start3A_79 = tpu.memref_squeeze %dma_start3A_78 : memref<1x128xi32, #tpu.memory_space<vmem>> -> memref<128xi32, #tpu.memory_space<vmem>>
    %dma_start3A_80 = arith.constant 0 : i32
    %dma_start3A_81 = arith.constant 0 : i32
    %dma_start3A_82 = tpu.memref_slice %arg2[%dma_start3A_80, %dma_start3A_81] : memref<10240x128xbf16, #tpu.memory_space<hbm>> -> memref<10240x128xbf16, #tpu.memory_space<hbm>>
    tpu.enqueue_indirect_dma source(%dma_start3A_82 : memref<10240x128xbf16, #tpu.memory_space<hbm>>) target(%arg14 : memref<128x128xbf16, #tpu.memory_space<vmem>>) offsets(%dma_start3A_79 : memref<128xi32, #tpu.memory_space<vmem>>) semaphore(%arg19 : memref<!tpu.dma_semaphore, #tpu.memory_space<semaphore_mem>>)
    %scan3A = arith.constant 0 : i32
    %scan3A_83 = arith.constant 0 : i32
    %scan3A_84 = arith.constant 19 : i32
    %scan3A_85 = arith.addi %scan3A_83, %scan3A_84 : i32
    %scan3A_86 = arith.constant 1 : i32
    scf.for %scan3A_243 = %scan3A_83 to %scan3A_85 step %scan3A_86  : i32 {
      %mul3A_244 = arith.constant 4 : i32
      %mul3A_245 = arith.muli %scan3A_243, %mul3A_244 : i32
      %add3A_246 = arith.constant 0 : i32
      %add3A_247 = arith.addi %mul3A_245, %add3A_246 : i32
      %dma_wait3A_248 = arith.constant 0 : i32
      %dma_wait3A_249 = arith.constant 0 : i32
      %dma_wait3A_250 = tpu.memref_slice %arg9[%dma_wait3A_248, %dma_wait3A_249] : memref<80x128xi32, #tpu.memory_space<vmem>> -> memref<1x128xi32, #tpu.memory_space<vmem>>
      %dma_wait3A_251 = tpu.memref_squeeze %dma_wait3A_250 : memref<1x128xi32, #tpu.memory_space<vmem>> -> memref<128xi32, #tpu.memory_space<vmem>>
      %dma_wait3A_252 = arith.constant 0 : i32
      %dma_wait3A_253 = arith.constant 0 : i32
      %dma_wait3A_254 = tpu.memref_slice %arg2[%dma_wait3A_252, %dma_wait3A_253] : memref<10240x128xbf16, #tpu.memory_space<hbm>> -> memref<10240x128xbf16, #tpu.memory_space<hbm>>
      tpu.wait_indirect_dma semaphore(%arg16 : memref<!tpu.dma_semaphore, #tpu.memory_space<semaphore_mem>>) src(%dma_wait3A_254 : memref<10240x128xbf16, #tpu.memory_space<hbm>>) dst(%arg11 : memref<128x128xbf16, #tpu.memory_space<vmem>>)
      %dma_start3A_255 = arith.constant 0 : i32
      %dma_start3A_256 = tpu.memref_slice %arg10[%add3A_247, %dma_start3A_255] : memref<80x128xi32, #tpu.memory_space<vmem>> -> memref<1x128xi32, #tpu.memory_space<vmem>>
      %dma_start3A_257 = tpu.memref_squeeze %dma_start3A_256 : memref<1x128xi32, #tpu.memory_space<vmem>> -> memref<128xi32, #tpu.memory_space<vmem>>
      %dma_start3A_258 = arith.constant 0 : i32
      %dma_start3A_259 = arith.constant 0 : i32
      %dma_start3A_260 = tpu.memref_slice %arg15[%dma_start3A_258, %dma_start3A_259] : memref<10240x128xbf16, #tpu.memory_space<vmem_shared>> -> memref<10240x128xbf16, #tpu.memory_space<vmem_shared>>
      tpu.enqueue_indirect_dma source(%arg11 : memref<128x128xbf16, #tpu.memory_space<vmem>>) target(%dma_start3A_260 : memref<10240x128xbf16, #tpu.memory_space<vmem_shared>>) offsets(%dma_start3A_257 : memref<128xi32, #tpu.memory_space<vmem>>) semaphore(%arg20 : memref<!tpu.dma_semaphore, #tpu.memory_space<semaphore_mem>>) {add = true}
      %add3A_261 = arith.constant 1 : i32
      %add3A_262 = arith.addi %mul3A_245, %add3A_261 : i32
      %dma_wait3A_263 = arith.constant 0 : i32
      %dma_wait3A_264 = arith.constant 0 : i32
      %dma_wait3A_265 = tpu.memref_slice %arg9[%dma_wait3A_263, %dma_wait3A_264] : memref<80x128xi32, #tpu.memory_space<vmem>> -> memref<1x128xi32, #tpu.memory_space<vmem>>
      %dma_wait3A_266 = tpu.memref_squeeze %dma_wait3A_265 : memref<1x128xi32, #tpu.memory_space<vmem>> -> memref<128xi32, #tpu.memory_space<vmem>>
      %dma_wait3A_267 = arith.constant 0 : i32
      %dma_wait3A_268 = arith.constant 0 : i32
      %dma_wait3A_269 = tpu.memref_slice %arg2[%dma_wait3A_267, %dma_wait3A_268] : memref<10240x128xbf16, #tpu.memory_space<hbm>> -> memref<10240x128xbf16, #tpu.memory_space<hbm>>
      tpu.wait_indirect_dma semaphore(%arg17 : memref<!tpu.dma_semaphore, #tpu.memory_space<semaphore_mem>>) src(%dma_wait3A_269 : memref<10240x128xbf16, #tpu.memory_space<hbm>>) dst(%arg12 : memref<128x128xbf16, #tpu.memory_space<vmem>>)
      %dma_start3A_270 = arith.constant 0 : i32
      %dma_start3A_271 = tpu.memref_slice %arg10[%add3A_262, %dma_start3A_270] : memref<80x128xi32, #tpu.memory_space<vmem>> -> memref<1x128xi32, #tpu.memory_space<vmem>>
      %dma_start3A_272 = tpu.memref_squeeze %dma_start3A_271 : memref<1x128xi32, #tpu.memory_space<vmem>> -> memref<128xi32, #tpu.memory_space<vmem>>
      %dma_start3A_273 = arith.constant 0 : i32
      %dma_start3A_274 = arith.constant 0 : i32
      %dma_start3A_275 = tpu.memref_slice %arg15[%dma_start3A_273, %dma_start3A_274] : memref<10240x128xbf16, #tpu.memory_space<vmem_shared>> -> memref<10240x128xbf16, #tpu.memory_space<vmem_shared>>
      tpu.enqueue_indirect_dma source(%arg12 : memref<128x128xbf16, #tpu.memory_space<vmem>>) target(%dma_start3A_275 : memref<10240x128xbf16, #tpu.memory_space<vmem_shared>>) offsets(%dma_start3A_272 : memref<128xi32, #tpu.memory_space<vmem>>) semaphore(%arg21 : memref<!tpu.dma_semaphore, #tpu.memory_space<semaphore_mem>>) {add = true}
      %dma_wait3A_276 = arith.constant 0 : i32
      %dma_wait3A_277 = tpu.memref_slice %arg10[%add3A_247, %dma_wait3A_276] : memref<80x128xi32, #tpu.memory_space<vmem>> -> memref<1x128xi32, #tpu.memory_space<vmem>>
      %dma_wait3A_278 = tpu.memref_squeeze %dma_wait3A_277 : memref<1x128xi32, #tpu.memory_space<vmem>> -> memref<128xi32, #tpu.memory_space<vmem>>
      %dma_wait3A_279 = arith.constant 0 : i32
      %dma_wait3A_280 = arith.constant 0 : i32
      %dma_wait3A_281 = tpu.memref_slice %arg15[%dma_wait3A_279, %dma_wait3A_280] : memref<10240x128xbf16, #tpu.memory_space<vmem_shared>> -> memref<10240x128xbf16, #tpu.memory_space<vmem_shared>>
      tpu.wait_indirect_dma semaphore(%arg20 : memref<!tpu.dma_semaphore, #tpu.memory_space<semaphore_mem>>) src(%arg11 : memref<128x128xbf16, #tpu.memory_space<vmem>>) dst(%dma_wait3A_281 : memref<10240x128xbf16, #tpu.memory_space<vmem_shared>>)
      %add3A_282 = arith.constant 4 : i32
      %add3A_283 = arith.addi %mul3A_245, %add3A_282 : i32
      %add3A_284 = arith.constant 0 : i32
      %add3A_285 = arith.addi %add3A_283, %add3A_284 : i32
      %dma_start3A_286 = arith.constant 0 : i32
      %dma_start3A_287 = tpu.memref_slice %arg9[%add3A_285, %dma_start3A_286] : memref<80x128xi32, #tpu.memory_space<vmem>> -> memref<1x128xi32, #tpu.memory_space<vmem>>
      %dma_start3A_288 = tpu.memref_squeeze %dma_start3A_287 : memref<1x128xi32, #tpu.memory_space<vmem>> -> memref<128xi32, #tpu.memory_space<vmem>>
      %dma_start3A_289 = arith.constant 0 : i32
      %dma_start3A_290 = arith.constant 0 : i32
      %dma_start3A_291 = tpu.memref_slice %arg2[%dma_start3A_289, %dma_start3A_290] : memref<10240x128xbf16, #tpu.memory_space<hbm>> -> memref<10240x128xbf16, #tpu.memory_space<hbm>>
      tpu.enqueue_indirect_dma source(%dma_start3A_291 : memref<10240x128xbf16, #tpu.memory_space<hbm>>) target(%arg11 : memref<128x128xbf16, #tpu.memory_space<vmem>>) offsets(%dma_start3A_288 : memref<128xi32, #tpu.memory_space<vmem>>) semaphore(%arg16 : memref<!tpu.dma_semaphore, #tpu.memory_space<semaphore_mem>>)
      %add3A_292 = arith.constant 2 : i32
      %add3A_293 = arith.addi %mul3A_245, %add3A_292 : i32
      %dma_wait3A_294 = arith.constant 0 : i32
      %dma_wait3A_295 = arith.constant 0 : i32
      %dma_wait3A_296 = tpu.memref_slice %arg9[%dma_wait3A_294, %dma_wait3A_295] : memref<80x128xi32, #tpu.memory_space<vmem>> -> memref<1x128xi32, #tpu.memory_space<vmem>>
      %dma_wait3A_297 = tpu.memref_squeeze %dma_wait3A_296 : memref<1x128xi32, #tpu.memory_space<vmem>> -> memref<128xi32, #tpu.memory_space<vmem>>
      %dma_wait3A_298 = arith.constant 0 : i32
      %dma_wait3A_299 = arith.constant 0 : i32
      %dma_wait3A_300 = tpu.memref_slice %arg2[%dma_wait3A_298, %dma_wait3A_299] : memref<10240x128xbf16, #tpu.memory_space<hbm>> -> memref<10240x128xbf16, #tpu.memory_space<hbm>>
      tpu.wait_indirect_dma semaphore(%arg18 : memref<!tpu.dma_semaphore, #tpu.memory_space<semaphore_mem>>) src(%dma_wait3A_300 : memref<10240x128xbf16, #tpu.memory_space<hbm>>) dst(%arg13 : memref<128x128xbf16, #tpu.memory_space<vmem>>)
      %dma_start3A_301 = arith.constant 0 : i32
      %dma_start3A_302 = tpu.memref_slice %arg10[%add3A_293, %dma_start3A_301] : memref<80x128xi32, #tpu.memory_space<vmem>> -> memref<1x128xi32, #tpu.memory_space<vmem>>
      %dma_start3A_303 = tpu.memref_squeeze %dma_start3A_302 : memref<1x128xi32, #tpu.memory_space<vmem>> -> memref<128xi32, #tpu.memory_space<vmem>>
      %dma_start3A_304 = arith.constant 0 : i32
      %dma_start3A_305 = arith.constant 0 : i32
      %dma_start3A_306 = tpu.memref_slice %arg15[%dma_start3A_304, %dma_start3A_305] : memref<10240x128xbf16, #tpu.memory_space<vmem_shared>> -> memref<10240x128xbf16, #tpu.memory_space<vmem_shared>>
      tpu.enqueue_indirect_dma source(%arg13 : memref<128x128xbf16, #tpu.memory_space<vmem>>) target(%dma_start3A_306 : memref<10240x128xbf16, #tpu.memory_space<vmem_shared>>) offsets(%dma_start3A_303 : memref<128xi32, #tpu.memory_space<vmem>>) semaphore(%arg22 : memref<!tpu.dma_semaphore, #tpu.memory_space<semaphore_mem>>) {add = true}
      %dma_wait3A_307 = arith.constant 0 : i32
      %dma_wait3A_308 = tpu.memref_slice %arg10[%add3A_262, %dma_wait3A_307] : memref<80x128xi32, #tpu.memory_space<vmem>> -> memref<1x128xi32, #tpu.memory_space<vmem>>
      %dma_wait3A_309 = tpu.memref_squeeze %dma_wait3A_308 : memref<1x128xi32, #tpu.memory_space<vmem>> -> memref<128xi32, #tpu.memory_space<vmem>>
      %dma_wait3A_310 = arith.constant 0 : i32
      %dma_wait3A_311 = arith.constant 0 : i32
      %dma_wait3A_312 = tpu.memref_slice %arg15[%dma_wait3A_310, %dma_wait3A_311] : memref<10240x128xbf16, #tpu.memory_space<vmem_shared>> -> memref<10240x128xbf16, #tpu.memory_space<vmem_shared>>
      tpu.wait_indirect_dma semaphore(%arg21 : memref<!tpu.dma_semaphore, #tpu.memory_space<semaphore_mem>>) src(%arg12 : memref<128x128xbf16, #tpu.memory_space<vmem>>) dst(%dma_wait3A_312 : memref<10240x128xbf16, #tpu.memory_space<vmem_shared>>)
      %add3A_313 = arith.constant 4 : i32
      %add3A_314 = arith.addi %mul3A_245, %add3A_313 : i32
      %add3A_315 = arith.constant 1 : i32
      %add3A_316 = arith.addi %add3A_314, %add3A_315 : i32
      %dma_start3A_317 = arith.constant 0 : i32
      %dma_start3A_318 = tpu.memref_slice %arg9[%add3A_316, %dma_start3A_317] : memref<80x128xi32, #tpu.memory_space<vmem>> -> memref<1x128xi32, #tpu.memory_space<vmem>>
      %dma_start3A_319 = tpu.memref_squeeze %dma_start3A_318 : memref<1x128xi32, #tpu.memory_space<vmem>> -> memref<128xi32, #tpu.memory_space<vmem>>
      %dma_start3A_320 = arith.constant 0 : i32
      %dma_start3A_321 = arith.constant 0 : i32
      %dma_start3A_322 = tpu.memref_slice %arg2[%dma_start3A_320, %dma_start3A_321] : memref<10240x128xbf16, #tpu.memory_space<hbm>> -> memref<10240x128xbf16, #tpu.memory_space<hbm>>
      tpu.enqueue_indirect_dma source(%dma_start3A_322 : memref<10240x128xbf16, #tpu.memory_space<hbm>>) target(%arg12 : memref<128x128xbf16, #tpu.memory_space<vmem>>) offsets(%dma_start3A_319 : memref<128xi32, #tpu.memory_space<vmem>>) semaphore(%arg17 : memref<!tpu.dma_semaphore, #tpu.memory_space<semaphore_mem>>)
      %add3A_323 = arith.constant 3 : i32
      %add3A_324 = arith.addi %mul3A_245, %add3A_323 : i32
      %dma_wait3A_325 = arith.constant 0 : i32
      %dma_wait3A_326 = arith.constant 0 : i32
      %dma_wait3A_327 = tpu.memref_slice %arg9[%dma_wait3A_325, %dma_wait3A_326] : memref<80x128xi32, #tpu.memory_space<vmem>> -> memref<1x128xi32, #tpu.memory_space<vmem>>
      %dma_wait3A_328 = tpu.memref_squeeze %dma_wait3A_327 : memref<1x128xi32, #tpu.memory_space<vmem>> -> memref<128xi32, #tpu.memory_space<vmem>>
      %dma_wait3A_329 = arith.constant 0 : i32
      %dma_wait3A_330 = arith.constant 0 : i32
      %dma_wait3A_331 = tpu.memref_slice %arg2[%dma_wait3A_329, %dma_wait3A_330] : memref<10240x128xbf16, #tpu.memory_space<hbm>> -> memref<10240x128xbf16, #tpu.memory_space<hbm>>
      tpu.wait_indirect_dma semaphore(%arg19 : memref<!tpu.dma_semaphore, #tpu.memory_space<semaphore_mem>>) src(%dma_wait3A_331 : memref<10240x128xbf16, #tpu.memory_space<hbm>>) dst(%arg14 : memref<128x128xbf16, #tpu.memory_space<vmem>>)
      %dma_start3A_332 = arith.constant 0 : i32
      %dma_start3A_333 = tpu.memref_slice %arg10[%add3A_324, %dma_start3A_332] : memref<80x128xi32, #tpu.memory_space<vmem>> -> memref<1x128xi32, #tpu.memory_space<vmem>>
      %dma_start3A_334 = tpu.memref_squeeze %dma_start3A_333 : memref<1x128xi32, #tpu.memory_space<vmem>> -> memref<128xi32, #tpu.memory_space<vmem>>
      %dma_start3A_335 = arith.constant 0 : i32
      %dma_start3A_336 = arith.constant 0 : i32
      %dma_start3A_337 = tpu.memref_slice %arg15[%dma_start3A_335, %dma_start3A_336] : memref<10240x128xbf16, #tpu.memory_space<vmem_shared>> -> memref<10240x128xbf16, #tpu.memory_space<vmem_shared>>
      tpu.enqueue_indirect_dma source(%arg14 : memref<128x128xbf16, #tpu.memory_space<vmem>>) target(%dma_start3A_337 : memref<10240x128xbf16, #tpu.memory_space<vmem_shared>>) offsets(%dma_start3A_334 : memref<128xi32, #tpu.memory_space<vmem>>) semaphore(%arg23 : memref<!tpu.dma_semaphore, #tpu.memory_space<semaphore_mem>>) {add = true}
      %dma_wait3A_338 = arith.constant 0 : i32
      %dma_wait3A_339 = tpu.memref_slice %arg10[%add3A_293, %dma_wait3A_338] : memref<80x128xi32, #tpu.memory_space<vmem>> -> memref<1x128xi32, #tpu.memory_space<vmem>>
      %dma_wait3A_340 = tpu.memref_squeeze %dma_wait3A_339 : memref<1x128xi32, #tpu.memory_space<vmem>> -> memref<128xi32, #tpu.memory_space<vmem>>
      %dma_wait3A_341 = arith.constant 0 : i32
      %dma_wait3A_342 = arith.constant 0 : i32
      %dma_wait3A_343 = tpu.memref_slice %arg15[%dma_wait3A_341, %dma_wait3A_342] : memref<10240x128xbf16, #tpu.memory_space<vmem_shared>> -> memref<10240x128xbf16, #tpu.memory_space<vmem_shared>>
      tpu.wait_indirect_dma semaphore(%arg22 : memref<!tpu.dma_semaphore, #tpu.memory_space<semaphore_mem>>) src(%arg13 : memref<128x128xbf16, #tpu.memory_space<vmem>>) dst(%dma_wait3A_343 : memref<10240x128xbf16, #tpu.memory_space<vmem_shared>>)
      %add3A_344 = arith.constant 4 : i32
      %add3A_345 = arith.addi %mul3A_245, %add3A_344 : i32
      %add3A_346 = arith.constant 2 : i32
      %add3A_347 = arith.addi %add3A_345, %add3A_346 : i32
      %dma_start3A_348 = arith.constant 0 : i32
      %dma_start3A_349 = tpu.memref_slice %arg9[%add3A_347, %dma_start3A_348] : memref<80x128xi32, #tpu.memory_space<vmem>> -> memref<1x128xi32, #tpu.memory_space<vmem>>
      %dma_start3A_350 = tpu.memref_squeeze %dma_start3A_349 : memref<1x128xi32, #tpu.memory_space<vmem>> -> memref<128xi32, #tpu.memory_space<vmem>>
      %dma_start3A_351 = arith.constant 0 : i32
      %dma_start3A_352 = arith.constant 0 : i32
      %dma_start3A_353 = tpu.memref_slice %arg2[%dma_start3A_351, %dma_start3A_352] : memref<10240x128xbf16, #tpu.memory_space<hbm>> -> memref<10240x128xbf16, #tpu.memory_space<hbm>>
      tpu.enqueue_indirect_dma source(%dma_start3A_353 : memref<10240x128xbf16, #tpu.memory_space<hbm>>) target(%arg13 : memref<128x128xbf16, #tpu.memory_space<vmem>>) offsets(%dma_start3A_350 : memref<128xi32, #tpu.memory_space<vmem>>) semaphore(%arg18 : memref<!tpu.dma_semaphore, #tpu.memory_space<semaphore_mem>>)
      %dma_wait3A_354 = arith.constant 0 : i32
      %dma_wait3A_355 = tpu.memref_slice %arg10[%add3A_324, %dma_wait3A_354] : memref<80x128xi32, #tpu.memory_space<vmem>> -> memref<1x128xi32, #tpu.memory_space<vmem>>
      %dma_wait3A_356 = tpu.memref_squeeze %dma_wait3A_355 : memref<1x128xi32, #tpu.memory_space<vmem>> -> memref<128xi32, #tpu.memory_space<vmem>>
      %dma_wait3A_357 = arith.constant 0 : i32
      %dma_wait3A_358 = arith.constant 0 : i32
      %dma_wait3A_359 = tpu.memref_slice %arg15[%dma_wait3A_357, %dma_wait3A_358] : memref<10240x128xbf16, #tpu.memory_space<vmem_shared>> -> memref<10240x128xbf16, #tpu.memory_space<vmem_shared>>
      tpu.wait_indirect_dma semaphore(%arg23 : memref<!tpu.dma_semaphore, #tpu.memory_space<semaphore_mem>>) src(%arg14 : memref<128x128xbf16, #tpu.memory_space<vmem>>) dst(%dma_wait3A_359 : memref<10240x128xbf16, #tpu.memory_space<vmem_shared>>)
      %add3A_360 = arith.constant 4 : i32
      %add3A_361 = arith.addi %mul3A_245, %add3A_360 : i32
      %add3A_362 = arith.constant 3 : i32
      %add3A_363 = arith.addi %add3A_361, %add3A_362 : i32
      %dma_start3A_364 = arith.constant 0 : i32
      %dma_start3A_365 = tpu.memref_slice %arg9[%add3A_363, %dma_start3A_364] : memref<80x128xi32, #tpu.memory_space<vmem>> -> memref<1x128xi32, #tpu.memory_space<vmem>>
      %dma_start3A_366 = tpu.memref_squeeze %dma_start3A_365 : memref<1x128xi32, #tpu.memory_space<vmem>> -> memref<128xi32, #tpu.memory_space<vmem>>
      %dma_start3A_367 = arith.constant 0 : i32
      %dma_start3A_368 = arith.constant 0 : i32
      %dma_start3A_369 = tpu.memref_slice %arg2[%dma_start3A_367, %dma_start3A_368] : memref<10240x128xbf16, #tpu.memory_space<hbm>> -> memref<10240x128xbf16, #tpu.memory_space<hbm>>
      tpu.enqueue_indirect_dma source(%dma_start3A_369 : memref<10240x128xbf16, #tpu.memory_space<hbm>>) target(%arg14 : memref<128x128xbf16, #tpu.memory_space<vmem>>) offsets(%dma_start3A_366 : memref<128xi32, #tpu.memory_space<vmem>>) semaphore(%arg19 : memref<!tpu.dma_semaphore, #tpu.memory_space<semaphore_mem>>)
    }
    %scan3A_87 = arith.constant 19 : i32
    %dma_wait3A_88 = arith.constant 0 : i32
    %dma_wait3A_89 = arith.constant 0 : i32
    %dma_wait3A_90 = tpu.memref_slice %arg9[%dma_wait3A_88, %dma_wait3A_89] : memref<80x128xi32, #tpu.memory_space<vmem>> -> memref<1x128xi32, #tpu.memory_space<vmem>>
    %dma_wait3A_91 = tpu.memref_squeeze %dma_wait3A_90 : memref<1x128xi32, #tpu.memory_space<vmem>> -> memref<128xi32, #tpu.memory_space<vmem>>
    %dma_wait3A_92 = arith.constant 0 : i32
    %dma_wait3A_93 = arith.constant 0 : i32
    %dma_wait3A_94 = tpu.memref_slice %arg2[%dma_wait3A_92, %dma_wait3A_93] : memref<10240x128xbf16, #tpu.memory_space<hbm>> -> memref<10240x128xbf16, #tpu.memory_space<hbm>>
    tpu.wait_indirect_dma semaphore(%arg16 : memref<!tpu.dma_semaphore, #tpu.memory_space<semaphore_mem>>) src(%dma_wait3A_94 : memref<10240x128xbf16, #tpu.memory_space<hbm>>) dst(%arg11 : memref<128x128xbf16, #tpu.memory_space<vmem>>)
    %dma_start3A_95 = arith.constant 76 : i32
    %dma_start3A_96 = arith.constant 0 : i32
    %dma_start3A_97 = tpu.memref_slice %arg10[%dma_start3A_95, %dma_start3A_96] : memref<80x128xi32, #tpu.memory_space<vmem>> -> memref<1x128xi32, #tpu.memory_space<vmem>>
    %dma_start3A_98 = tpu.memref_squeeze %dma_start3A_97 : memref<1x128xi32, #tpu.memory_space<vmem>> -> memref<128xi32, #tpu.memory_space<vmem>>
    %dma_start3A_99 = arith.constant 0 : i32
    %dma_start3A_100 = arith.constant 0 : i32
    %dma_start3A_101 = tpu.memref_slice %arg15[%dma_start3A_99, %dma_start3A_100] : memref<10240x128xbf16, #tpu.memory_space<vmem_shared>> -> memref<10240x128xbf16, #tpu.memory_space<vmem_shared>>
    tpu.enqueue_indirect_dma source(%arg11 : memref<128x128xbf16, #tpu.memory_space<vmem>>) target(%dma_start3A_101 : memref<10240x128xbf16, #tpu.memory_space<vmem_shared>>) offsets(%dma_start3A_98 : memref<128xi32, #tpu.memory_space<vmem>>) semaphore(%arg20 : memref<!tpu.dma_semaphore, #tpu.memory_space<semaphore_mem>>) {add = true}
    %dma_wait3A_102 = arith.constant 0 : i32
    %dma_wait3A_103 = arith.constant 0 : i32
    %dma_wait3A_104 = tpu.memref_slice %arg9[%dma_wait3A_102, %dma_wait3A_103] : memref<80x128xi32, #tpu.memory_space<vmem>> -> memref<1x128xi32, #tpu.memory_space<vmem>>
    %dma_wait3A_105 = tpu.memref_squeeze %dma_wait3A_104 : memref<1x128xi32, #tpu.memory_space<vmem>> -> memref<128xi32, #tpu.memory_space<vmem>>
    %dma_wait3A_106 = arith.constant 0 : i32
    %dma_wait3A_107 = arith.constant 0 : i32
    %dma_wait3A_108 = tpu.memref_slice %arg2[%dma_wait3A_106, %dma_wait3A_107] : memref<10240x128xbf16, #tpu.memory_space<hbm>> -> memref<10240x128xbf16, #tpu.memory_space<hbm>>
    tpu.wait_indirect_dma semaphore(%arg17 : memref<!tpu.dma_semaphore, #tpu.memory_space<semaphore_mem>>) src(%dma_wait3A_108 : memref<10240x128xbf16, #tpu.memory_space<hbm>>) dst(%arg12 : memref<128x128xbf16, #tpu.memory_space<vmem>>)
    %dma_start3A_109 = arith.constant 77 : i32
    %dma_start3A_110 = arith.constant 0 : i32
    %dma_start3A_111 = tpu.memref_slice %arg10[%dma_start3A_109, %dma_start3A_110] : memref<80x128xi32, #tpu.memory_space<vmem>> -> memref<1x128xi32, #tpu.memory_space<vmem>>
    %dma_start3A_112 = tpu.memref_squeeze %dma_start3A_111 : memref<1x128xi32, #tpu.memory_space<vmem>> -> memref<128xi32, #tpu.memory_space<vmem>>
    %dma_start3A_113 = arith.constant 0 : i32
    %dma_start3A_114 = arith.constant 0 : i32
    %dma_start3A_115 = tpu.memref_slice %arg15[%dma_start3A_113, %dma_start3A_114] : memref<10240x128xbf16, #tpu.memory_space<vmem_shared>> -> memref<10240x128xbf16, #tpu.memory_space<vmem_shared>>
    tpu.enqueue_indirect_dma source(%arg12 : memref<128x128xbf16, #tpu.memory_space<vmem>>) target(%dma_start3A_115 : memref<10240x128xbf16, #tpu.memory_space<vmem_shared>>) offsets(%dma_start3A_112 : memref<128xi32, #tpu.memory_space<vmem>>) semaphore(%arg21 : memref<!tpu.dma_semaphore, #tpu.memory_space<semaphore_mem>>) {add = true}
    %dma_wait3A_116 = arith.constant 0 : i32
    %dma_wait3A_117 = arith.constant 0 : i32
    %dma_wait3A_118 = tpu.memref_slice %arg9[%dma_wait3A_116, %dma_wait3A_117] : memref<80x128xi32, #tpu.memory_space<vmem>> -> memref<1x128xi32, #tpu.memory_space<vmem>>
    %dma_wait3A_119 = tpu.memref_squeeze %dma_wait3A_118 : memref<1x128xi32, #tpu.memory_space<vmem>> -> memref<128xi32, #tpu.memory_space<vmem>>
    %dma_wait3A_120 = arith.constant 0 : i32
    %dma_wait3A_121 = arith.constant 0 : i32
    %dma_wait3A_122 = tpu.memref_slice %arg2[%dma_wait3A_120, %dma_wait3A_121] : memref<10240x128xbf16, #tpu.memory_space<hbm>> -> memref<10240x128xbf16, #tpu.memory_space<hbm>>
    tpu.wait_indirect_dma semaphore(%arg18 : memref<!tpu.dma_semaphore, #tpu.memory_space<semaphore_mem>>) src(%dma_wait3A_122 : memref<10240x128xbf16, #tpu.memory_space<hbm>>) dst(%arg13 : memref<128x128xbf16, #tpu.memory_space<vmem>>)
    %dma_start3A_123 = arith.constant 78 : i32
    %dma_start3A_124 = arith.constant 0 : i32
    %dma_start3A_125 = tpu.memref_slice %arg10[%dma_start3A_123, %dma_start3A_124] : memref<80x128xi32, #tpu.memory_space<vmem>> -> memref<1x128xi32, #tpu.memory_space<vmem>>
    %dma_start3A_126 = tpu.memref_squeeze %dma_start3A_125 : memref<1x128xi32, #tpu.memory_space<vmem>> -> memref<128xi32, #tpu.memory_space<vmem>>
    %dma_start3A_127 = arith.constant 0 : i32
    %dma_start3A_128 = arith.constant 0 : i32
    %dma_start3A_129 = tpu.memref_slice %arg15[%dma_start3A_127, %dma_start3A_128] : memref<10240x128xbf16, #tpu.memory_space<vmem_shared>> -> memref<10240x128xbf16, #tpu.memory_space<vmem_shared>>
    tpu.enqueue_indirect_dma source(%arg13 : memref<128x128xbf16, #tpu.memory_space<vmem>>) target(%dma_start3A_129 : memref<10240x128xbf16, #tpu.memory_space<vmem_shared>>) offsets(%dma_start3A_126 : memref<128xi32, #tpu.memory_space<vmem>>) semaphore(%arg22 : memref<!tpu.dma_semaphore, #tpu.memory_space<semaphore_mem>>) {add = true}
    %dma_wait3A_130 = arith.constant 0 : i32
    %dma_wait3A_131 = arith.constant 0 : i32
    %dma_wait3A_132 = tpu.memref_slice %arg9[%dma_wait3A_130, %dma_wait3A_131] : memref<80x128xi32, #tpu.memory_space<vmem>> -> memref<1x128xi32, #tpu.memory_space<vmem>>
    %dma_wait3A_133 = tpu.memref_squeeze %dma_wait3A_132 : memref<1x128xi32, #tpu.memory_space<vmem>> -> memref<128xi32, #tpu.memory_space<vmem>>
    %dma_wait3A_134 = arith.constant 0 : i32
    %dma_wait3A_135 = arith.constant 0 : i32
    %dma_wait3A_136 = tpu.memref_slice %arg2[%dma_wait3A_134, %dma_wait3A_135] : memref<10240x128xbf16, #tpu.memory_space<hbm>> -> memref<10240x128xbf16, #tpu.memory_space<hbm>>
    tpu.wait_indirect_dma semaphore(%arg19 : memref<!tpu.dma_semaphore, #tpu.memory_space<semaphore_mem>>) src(%dma_wait3A_136 : memref<10240x128xbf16, #tpu.memory_space<hbm>>) dst(%arg14 : memref<128x128xbf16, #tpu.memory_space<vmem>>)
    %dma_start3A_137 = arith.constant 79 : i32
    %dma_start3A_138 = arith.constant 0 : i32
    %dma_start3A_139 = tpu.memref_slice %arg10[%dma_start3A_137, %dma_start3A_138] : memref<80x128xi32, #tpu.memory_space<vmem>> -> memref<1x128xi32, #tpu.memory_space<vmem>>
    %dma_start3A_140 = tpu.memref_squeeze %dma_start3A_139 : memref<1x128xi32, #tpu.memory_space<vmem>> -> memref<128xi32, #tpu.memory_space<vmem>>
    %dma_start3A_141 = arith.constant 0 : i32
    %dma_start3A_142 = arith.constant 0 : i32
    %dma_start3A_143 = tpu.memref_slice %arg15[%dma_start3A_141, %dma_start3A_142] : memref<10240x128xbf16, #tpu.memory_space<vmem_shared>> -> memref<10240x128xbf16, #tpu.memory_space<vmem_shared>>
    tpu.enqueue_indirect_dma source(%arg14 : memref<128x128xbf16, #tpu.memory_space<vmem>>) target(%dma_start3A_143 : memref<10240x128xbf16, #tpu.memory_space<vmem_shared>>) offsets(%dma_start3A_140 : memref<128xi32, #tpu.memory_space<vmem>>) semaphore(%arg23 : memref<!tpu.dma_semaphore, #tpu.memory_space<semaphore_mem>>) {add = true}
    %dma_wait3A_144 = arith.constant 76 : i32
    %dma_wait3A_145 = arith.constant 0 : i32
    %dma_wait3A_146 = tpu.memref_slice %arg10[%dma_wait3A_144, %dma_wait3A_145] : memref<80x128xi32, #tpu.memory_space<vmem>> -> memref<1x128xi32, #tpu.memory_space<vmem>>
    %dma_wait3A_147 = tpu.memref_squeeze %dma_wait3A_146 : memref<1x128xi32, #tpu.memory_space<vmem>> -> memref<128xi32, #tpu.memory_space<vmem>>
    %dma_wait3A_148 = arith.constant 0 : i32
    %dma_wait3A_149 = arith.constant 0 : i32
    %dma_wait3A_150 = tpu.memref_slice %arg15[%dma_wait3A_148, %dma_wait3A_149] : memref<10240x128xbf16, #tpu.memory_space<vmem_shared>> -> memref<10240x128xbf16, #tpu.memory_space<vmem_shared>>
    tpu.wait_indirect_dma semaphore(%arg20 : memref<!tpu.dma_semaphore, #tpu.memory_space<semaphore_mem>>) src(%arg11 : memref<128x128xbf16, #tpu.memory_space<vmem>>) dst(%dma_wait3A_150 : memref<10240x128xbf16, #tpu.memory_space<vmem_shared>>)
    %dma_wait3A_151 = arith.constant 77 : i32
    %dma_wait3A_152 = arith.constant 0 : i32
    %dma_wait3A_153 = tpu.memref_slice %arg10[%dma_wait3A_151, %dma_wait3A_152] : memref<80x128xi32, #tpu.memory_space<vmem>> -> memref<1x128xi32, #tpu.memory_space<vmem>>
    %dma_wait3A_154 = tpu.memref_squeeze %dma_wait3A_153 : memref<1x128xi32, #tpu.memory_space<vmem>> -> memref<128xi32, #tpu.memory_space<vmem>>
    %dma_wait3A_155 = arith.constant 0 : i32
    %dma_wait3A_156 = arith.constant 0 : i32
    %dma_wait3A_157 = tpu.memref_slice %arg15[%dma_wait3A_155, %dma_wait3A_156] : memref<10240x128xbf16, #tpu.memory_space<vmem_shared>> -> memref<10240x128xbf16, #tpu.memory_space<vmem_shared>>
    tpu.wait_indirect_dma semaphore(%arg21 : memref<!tpu.dma_semaphore, #tpu.memory_space<semaphore_mem>>) src(%arg12 : memref<128x128xbf16, #tpu.memory_space<vmem>>) dst(%dma_wait3A_157 : memref<10240x128xbf16, #tpu.memory_space<vmem_shared>>)
    %dma_wait3A_158 = arith.constant 78 : i32
    %dma_wait3A_159 = arith.constant 0 : i32
    %dma_wait3A_160 = tpu.memref_slice %arg10[%dma_wait3A_158, %dma_wait3A_159] : memref<80x128xi32, #tpu.memory_space<vmem>> -> memref<1x128xi32, #tpu.memory_space<vmem>>
    %dma_wait3A_161 = tpu.memref_squeeze %dma_wait3A_160 : memref<1x128xi32, #tpu.memory_space<vmem>> -> memref<128xi32, #tpu.memory_space<vmem>>
    %dma_wait3A_162 = arith.constant 0 : i32
    %dma_wait3A_163 = arith.constant 0 : i32
    %dma_wait3A_164 = tpu.memref_slice %arg15[%dma_wait3A_162, %dma_wait3A_163] : memref<10240x128xbf16, #tpu.memory_space<vmem_shared>> -> memref<10240x128xbf16, #tpu.memory_space<vmem_shared>>
    tpu.wait_indirect_dma semaphore(%arg22 : memref<!tpu.dma_semaphore, #tpu.memory_space<semaphore_mem>>) src(%arg13 : memref<128x128xbf16, #tpu.memory_space<vmem>>) dst(%dma_wait3A_164 : memref<10240x128xbf16, #tpu.memory_space<vmem_shared>>)
    %dma_wait3A_165 = arith.constant 79 : i32
    %dma_wait3A_166 = arith.constant 0 : i32
    %dma_wait3A_167 = tpu.memref_slice %arg10[%dma_wait3A_165, %dma_wait3A_166] : memref<80x128xi32, #tpu.memory_space<vmem>> -> memref<1x128xi32, #tpu.memory_space<vmem>>
    %dma_wait3A_168 = tpu.memref_squeeze %dma_wait3A_167 : memref<1x128xi32, #tpu.memory_space<vmem>> -> memref<128xi32, #tpu.memory_space<vmem>>
    %dma_wait3A_169 = arith.constant 0 : i32
    %dma_wait3A_170 = arith.constant 0 : i32
    %dma_wait3A_171 = tpu.memref_slice %arg15[%dma_wait3A_169, %dma_wait3A_170] : memref<10240x128xbf16, #tpu.memory_space<vmem_shared>> -> memref<10240x128xbf16, #tpu.memory_space<vmem_shared>>
    tpu.wait_indirect_dma semaphore(%arg23 : memref<!tpu.dma_semaphore, #tpu.memory_space<semaphore_mem>>) src(%arg14 : memref<128x128xbf16, #tpu.memory_space<vmem>>) dst(%dma_wait3A_171 : memref<10240x128xbf16, #tpu.memory_space<vmem_shared>>)
    %barrier3A_172 = arith.constant 0 : index
    tpu.barrier barrier_id(%barrier3A_172)
    %add3A_173 = arith.constant 0 : i32
    %add3A_174 = arith.addi %mul3A_2, %add3A_173 : i32
    "tpu.region"() ({
      %run_scoped3A = tpu.sem_alloc : memref<!tpu.dma_semaphore, #tpu.memory_space<semaphore_mem>>
      %dma_start3A_243 = arith.constant 0 : i32
      %dma_start3A_244 = tpu.memref_slice %arg15[%add3A_174, %dma_start3A_243] : memref<10240x128xbf16, #tpu.memory_space<vmem_shared>> -> memref<128x128xbf16, #tpu.memory_space<vmem_shared>>
      %dma_start3A_245 = arith.constant 0 : i32
      %dma_start3A_246 = tpu.memref_slice %arg15[%add3A_174, %dma_start3A_245] : memref<10240x128xbf16, #tpu.memory_space<vmem_shared>> -> memref<128x128xbf16, #tpu.memory_space<vmem_shared>>
      tpu.enqueue_dma source(%dma_start3A_246 : memref<128x128xbf16, #tpu.memory_space<vmem_shared>>) target(%arg11 : memref<128x128xbf16, #tpu.memory_space<vmem>>) target_semaphore(%run_scoped3A : memref<!tpu.dma_semaphore, #tpu.memory_space<semaphore_mem>>)
      %dma_wait3A_247 = arith.constant 0 : i32
      %dma_wait3A_248 = tpu.memref_slice %arg15[%add3A_174, %dma_wait3A_247] : memref<10240x128xbf16, #tpu.memory_space<vmem_shared>> -> memref<128x128xbf16, #tpu.memory_space<vmem_shared>>
      %dma_wait3A_249 = arith.constant 0 : i32
      %dma_wait3A_250 = tpu.memref_slice %arg15[%add3A_174, %dma_wait3A_249] : memref<10240x128xbf16, #tpu.memory_space<vmem_shared>> -> memref<128x128xbf16, #tpu.memory_space<vmem_shared>>
      tpu.wait_dma2 semaphore(%run_scoped3A : memref<!tpu.dma_semaphore, #tpu.memory_space<semaphore_mem>>) src(%dma_wait3A_250 : memref<128x128xbf16, #tpu.memory_space<vmem_shared>>) dst(%arg11 : memref<128x128xbf16, #tpu.memory_space<vmem>>)
      tpu.yield
    }) : () -> ()
    %dma_start3A_175 = arith.constant 0 : i32
    %dma_start3A_176 = tpu.memref_slice %arg8[%arg0, %add3A_174, %dma_start3A_175] : memref<2x10240x128xbf16, #tpu.memory_space<hbm>> -> memref<1x128x128xbf16, #tpu.memory_space<hbm>>
    %dma_start3A_177 = tpu.memref_squeeze %dma_start3A_176 : memref<1x128x128xbf16, #tpu.memory_space<hbm>> -> memref<128x128xbf16, #tpu.memory_space<hbm>>
    %dma_start3A_178 = arith.constant 0 : i32
    %dma_start3A_179 = tpu.memref_slice %arg8[%arg0, %add3A_174, %dma_start3A_178] : memref<2x10240x128xbf16, #tpu.memory_space<hbm>> -> memref<1x128x128xbf16, #tpu.memory_space<hbm>>
    %dma_start3A_180 = tpu.memref_squeeze %dma_start3A_179 : memref<1x128x128xbf16, #tpu.memory_space<hbm>> -> memref<128x128xbf16, #tpu.memory_space<hbm>>
    tpu.enqueue_dma source(%arg11 : memref<128x128xbf16, #tpu.memory_space<vmem>>) target(%dma_start3A_180 : memref<128x128xbf16, #tpu.memory_space<hbm>>) target_semaphore(%arg16 : memref<!tpu.dma_semaphore, #tpu.memory_space<semaphore_mem>>)
    %add3A_181 = arith.constant 128 : i32
    %add3A_182 = arith.addi %mul3A_2, %add3A_181 : i32
    "tpu.region"() ({
      %run_scoped3A = tpu.sem_alloc : memref<!tpu.dma_semaphore, #tpu.memory_space<semaphore_mem>>
      %dma_start3A_243 = arith.constant 0 : i32
      %dma_start3A_244 = tpu.memref_slice %arg15[%add3A_182, %dma_start3A_243] : memref<10240x128xbf16, #tpu.memory_space<vmem_shared>> -> memref<128x128xbf16, #tpu.memory_space<vmem_shared>>
      %dma_start3A_245 = arith.constant 0 : i32
      %dma_start3A_246 = tpu.memref_slice %arg15[%add3A_182, %dma_start3A_245] : memref<10240x128xbf16, #tpu.memory_space<vmem_shared>> -> memref<128x128xbf16, #tpu.memory_space<vmem_shared>>
      tpu.enqueue_dma source(%dma_start3A_246 : memref<128x128xbf16, #tpu.memory_space<vmem_shared>>) target(%arg12 : memref<128x128xbf16, #tpu.memory_space<vmem>>) target_semaphore(%run_scoped3A : memref<!tpu.dma_semaphore, #tpu.memory_space<semaphore_mem>>)
      %dma_wait3A_247 = arith.constant 0 : i32
      %dma_wait3A_248 = tpu.memref_slice %arg15[%add3A_182, %dma_wait3A_247] : memref<10240x128xbf16, #tpu.memory_space<vmem_shared>> -> memref<128x128xbf16, #tpu.memory_space<vmem_shared>>
      %dma_wait3A_249 = arith.constant 0 : i32
      %dma_wait3A_250 = tpu.memref_slice %arg15[%add3A_182, %dma_wait3A_249] : memref<10240x128xbf16, #tpu.memory_space<vmem_shared>> -> memref<128x128xbf16, #tpu.memory_space<vmem_shared>>
      tpu.wait_dma2 semaphore(%run_scoped3A : memref<!tpu.dma_semaphore, #tpu.memory_space<semaphore_mem>>) src(%dma_wait3A_250 : memref<128x128xbf16, #tpu.memory_space<vmem_shared>>) dst(%arg12 : memref<128x128xbf16, #tpu.memory_space<vmem>>)
      tpu.yield
    }) : () -> ()
    %dma_start3A_183 = arith.constant 0 : i32
    %dma_start3A_184 = tpu.memref_slice %arg8[%arg0, %add3A_182, %dma_start3A_183] : memref<2x10240x128xbf16, #tpu.memory_space<hbm>> -> memref<1x128x128xbf16, #tpu.memory_space<hbm>>
    %dma_start3A_185 = tpu.memref_squeeze %dma_start3A_184 : memref<1x128x128xbf16, #tpu.memory_space<hbm>> -> memref<128x128xbf16, #tpu.memory_space<hbm>>
    %dma_start3A_186 = arith.constant 0 : i32
    %dma_start3A_187 = tpu.memref_slice %arg8[%arg0, %add3A_182, %dma_start3A_186] : memref<2x10240x128xbf16, #tpu.memory_space<hbm>> -> memref<1x128x128xbf16, #tpu.memory_space<hbm>>
    %dma_start3A_188 = tpu.memref_squeeze %dma_start3A_187 : memref<1x128x128xbf16, #tpu.memory_space<hbm>> -> memref<128x128xbf16, #tpu.memory_space<hbm>>
    tpu.enqueue_dma source(%arg12 : memref<128x128xbf16, #tpu.memory_space<vmem>>) target(%dma_start3A_188 : memref<128x128xbf16, #tpu.memory_space<hbm>>) target_semaphore(%arg17 : memref<!tpu.dma_semaphore, #tpu.memory_space<semaphore_mem>>)
    %dma_wait3A_189 = arith.constant 0 : i32
    %dma_wait3A_190 = tpu.memref_slice %arg8[%arg0, %add3A_174, %dma_wait3A_189] : memref<2x10240x128xbf16, #tpu.memory_space<hbm>> -> memref<1x128x128xbf16, #tpu.memory_space<hbm>>
    %dma_wait3A_191 = tpu.memref_squeeze %dma_wait3A_190 : memref<1x128x128xbf16, #tpu.memory_space<hbm>> -> memref<128x128xbf16, #tpu.memory_space<hbm>>
    %dma_wait3A_192 = arith.constant 0 : i32
    %dma_wait3A_193 = tpu.memref_slice %arg8[%arg0, %add3A_174, %dma_wait3A_192] : memref<2x10240x128xbf16, #tpu.memory_space<hbm>> -> memref<1x128x128xbf16, #tpu.memory_space<hbm>>
    %dma_wait3A_194 = tpu.memref_squeeze %dma_wait3A_193 : memref<1x128x128xbf16, #tpu.memory_space<hbm>> -> memref<128x128xbf16, #tpu.memory_space<hbm>>
    tpu.wait_dma2 semaphore(%arg16 : memref<!tpu.dma_semaphore, #tpu.memory_space<semaphore_mem>>) src(%arg11 : memref<128x128xbf16, #tpu.memory_space<vmem>>) dst(%dma_wait3A_194 : memref<128x128xbf16, #tpu.memory_space<hbm>>)
    %add3A_195 = arith.constant 256 : i32
    %add3A_196 = arith.addi %mul3A_2, %add3A_195 : i32
    "tpu.region"() ({
      %run_scoped3A = tpu.sem_alloc : memref<!tpu.dma_semaphore, #tpu.memory_space<semaphore_mem>>
      %dma_start3A_243 = arith.constant 0 : i32
      %dma_start3A_244 = tpu.memref_slice %arg15[%add3A_196, %dma_start3A_243] : memref<10240x128xbf16, #tpu.memory_space<vmem_shared>> -> memref<128x128xbf16, #tpu.memory_space<vmem_shared>>
      %dma_start3A_245 = arith.constant 0 : i32
      %dma_start3A_246 = tpu.memref_slice %arg15[%add3A_196, %dma_start3A_245] : memref<10240x128xbf16, #tpu.memory_space<vmem_shared>> -> memref<128x128xbf16, #tpu.memory_space<vmem_shared>>
      tpu.enqueue_dma source(%dma_start3A_246 : memref<128x128xbf16, #tpu.memory_space<vmem_shared>>) target(%arg11 : memref<128x128xbf16, #tpu.memory_space<vmem>>) target_semaphore(%run_scoped3A : memref<!tpu.dma_semaphore, #tpu.memory_space<semaphore_mem>>)
      %dma_wait3A_247 = arith.constant 0 : i32
      %dma_wait3A_248 = tpu.memref_slice %arg15[%add3A_196, %dma_wait3A_247] : memref<10240x128xbf16, #tpu.memory_space<vmem_shared>> -> memref<128x128xbf16, #tpu.memory_space<vmem_shared>>
      %dma_wait3A_249 = arith.constant 0 : i32
      %dma_wait3A_250 = tpu.memref_slice %arg15[%add3A_196, %dma_wait3A_249] : memref<10240x128xbf16, #tpu.memory_space<vmem_shared>> -> memref<128x128xbf16, #tpu.memory_space<vmem_shared>>
      tpu.wait_dma2 semaphore(%run_scoped3A : memref<!tpu.dma_semaphore, #tpu.memory_space<semaphore_mem>>) src(%dma_wait3A_250 : memref<128x128xbf16, #tpu.memory_space<vmem_shared>>) dst(%arg11 : memref<128x128xbf16, #tpu.memory_space<vmem>>)
      tpu.yield
    }) : () -> ()
    %dma_start3A_197 = arith.constant 0 : i32
    %dma_start3A_198 = tpu.memref_slice %arg8[%arg0, %add3A_196, %dma_start3A_197] : memref<2x10240x128xbf16, #tpu.memory_space<hbm>> -> memref<1x128x128xbf16, #tpu.memory_space<hbm>>
    %dma_start3A_199 = tpu.memref_squeeze %dma_start3A_198 : memref<1x128x128xbf16, #tpu.memory_space<hbm>> -> memref<128x128xbf16, #tpu.memory_space<hbm>>
    %dma_start3A_200 = arith.constant 0 : i32
    %dma_start3A_201 = tpu.memref_slice %arg8[%arg0, %add3A_196, %dma_start3A_200] : memref<2x10240x128xbf16, #tpu.memory_space<hbm>> -> memref<1x128x128xbf16, #tpu.memory_space<hbm>>
    %dma_start3A_202 = tpu.memref_squeeze %dma_start3A_201 : memref<1x128x128xbf16, #tpu.memory_space<hbm>> -> memref<128x128xbf16, #tpu.memory_space<hbm>>
    tpu.enqueue_dma source(%arg11 : memref<128x128xbf16, #tpu.memory_space<vmem>>) target(%dma_start3A_202 : memref<128x128xbf16, #tpu.memory_space<hbm>>) target_semaphore(%arg16 : memref<!tpu.dma_semaphore, #tpu.memory_space<semaphore_mem>>)
    %dma_wait3A_203 = arith.constant 0 : i32
    %dma_wait3A_204 = tpu.memref_slice %arg8[%arg0, %add3A_182, %dma_wait3A_203] : memref<2x10240x128xbf16, #tpu.memory_space<hbm>> -> memref<1x128x128xbf16, #tpu.memory_space<hbm>>
    %dma_wait3A_205 = tpu.memref_squeeze %dma_wait3A_204 : memref<1x128x128xbf16, #tpu.memory_space<hbm>> -> memref<128x128xbf16, #tpu.memory_space<hbm>>
    %dma_wait3A_206 = arith.constant 0 : i32
    %dma_wait3A_207 = tpu.memref_slice %arg8[%arg0, %add3A_182, %dma_wait3A_206] : memref<2x10240x128xbf16, #tpu.memory_space<hbm>> -> memref<1x128x128xbf16, #tpu.memory_space<hbm>>
    %dma_wait3A_208 = tpu.memref_squeeze %dma_wait3A_207 : memref<1x128x128xbf16, #tpu.memory_space<hbm>> -> memref<128x128xbf16, #tpu.memory_space<hbm>>
    tpu.wait_dma2 semaphore(%arg17 : memref<!tpu.dma_semaphore, #tpu.memory_space<semaphore_mem>>) src(%arg12 : memref<128x128xbf16, #tpu.memory_space<vmem>>) dst(%dma_wait3A_208 : memref<128x128xbf16, #tpu.memory_space<hbm>>)
    %add3A_209 = arith.constant 384 : i32
    %add3A_210 = arith.addi %mul3A_2, %add3A_209 : i32
    "tpu.region"() ({
      %run_scoped3A = tpu.sem_alloc : memref<!tpu.dma_semaphore, #tpu.memory_space<semaphore_mem>>
      %dma_start3A_243 = arith.constant 0 : i32
      %dma_start3A_244 = tpu.memref_slice %arg15[%add3A_210, %dma_start3A_243] : memref<10240x128xbf16, #tpu.memory_space<vmem_shared>> -> memref<128x128xbf16, #tpu.memory_space<vmem_shared>>
      %dma_start3A_245 = arith.constant 0 : i32
      %dma_start3A_246 = tpu.memref_slice %arg15[%add3A_210, %dma_start3A_245] : memref<10240x128xbf16, #tpu.memory_space<vmem_shared>> -> memref<128x128xbf16, #tpu.memory_space<vmem_shared>>
      tpu.enqueue_dma source(%dma_start3A_246 : memref<128x128xbf16, #tpu.memory_space<vmem_shared>>) target(%arg12 : memref<128x128xbf16, #tpu.memory_space<vmem>>) target_semaphore(%run_scoped3A : memref<!tpu.dma_semaphore, #tpu.memory_space<semaphore_mem>>)
      %dma_wait3A_247 = arith.constant 0 : i32
      %dma_wait3A_248 = tpu.memref_slice %arg15[%add3A_210, %dma_wait3A_247] : memref<10240x128xbf16, #tpu.memory_space<vmem_shared>> -> memref<128x128xbf16, #tpu.memory_space<vmem_shared>>
      %dma_wait3A_249 = arith.constant 0 : i32
      %dma_wait3A_250 = tpu.memref_slice %arg15[%add3A_210, %dma_wait3A_249] : memref<10240x128xbf16, #tpu.memory_space<vmem_shared>> -> memref<128x128xbf16, #tpu.memory_space<vmem_shared>>
      tpu.wait_dma2 semaphore(%run_scoped3A : memref<!tpu.dma_semaphore, #tpu.memory_space<semaphore_mem>>) src(%dma_wait3A_250 : memref<128x128xbf16, #tpu.memory_space<vmem_shared>>) dst(%arg12 : memref<128x128xbf16, #tpu.memory_space<vmem>>)
      tpu.yield
    }) : () -> ()
    %dma_start3A_211 = arith.constant 0 : i32
    %dma_start3A_212 = tpu.memref_slice %arg8[%arg0, %add3A_210, %dma_start3A_211] : memref<2x10240x128xbf16, #tpu.memory_space<hbm>> -> memref<1x128x128xbf16, #tpu.memory_space<hbm>>
    %dma_start3A_213 = tpu.memref_squeeze %dma_start3A_212 : memref<1x128x128xbf16, #tpu.memory_space<hbm>> -> memref<128x128xbf16, #tpu.memory_space<hbm>>
    %dma_start3A_214 = arith.constant 0 : i32
    %dma_start3A_215 = tpu.memref_slice %arg8[%arg0, %add3A_210, %dma_start3A_214] : memref<2x10240x128xbf16, #tpu.memory_space<hbm>> -> memref<1x128x128xbf16, #tpu.memory_space<hbm>>
    %dma_start3A_216 = tpu.memref_squeeze %dma_start3A_215 : memref<1x128x128xbf16, #tpu.memory_space<hbm>> -> memref<128x128xbf16, #tpu.memory_space<hbm>>
    tpu.enqueue_dma source(%arg12 : memref<128x128xbf16, #tpu.memory_space<vmem>>) target(%dma_start3A_216 : memref<128x128xbf16, #tpu.memory_space<hbm>>) target_semaphore(%arg17 : memref<!tpu.dma_semaphore, #tpu.memory_space<semaphore_mem>>)
    %dma_wait3A_217 = arith.constant 0 : i32
    %dma_wait3A_218 = tpu.memref_slice %arg8[%arg0, %add3A_196, %dma_wait3A_217] : memref<2x10240x128xbf16, #tpu.memory_space<hbm>> -> memref<1x128x128xbf16, #tpu.memory_space<hbm>>
    %dma_wait3A_219 = tpu.memref_squeeze %dma_wait3A_218 : memref<1x128x128xbf16, #tpu.memory_space<hbm>> -> memref<128x128xbf16, #tpu.memory_space<hbm>>
    %dma_wait3A_220 = arith.constant 0 : i32
    %dma_wait3A_221 = tpu.memref_slice %arg8[%arg0, %add3A_196, %dma_wait3A_220] : memref<2x10240x128xbf16, #tpu.memory_space<hbm>> -> memref<1x128x128xbf16, #tpu.memory_space<hbm>>
    %dma_wait3A_222 = tpu.memref_squeeze %dma_wait3A_221 : memref<1x128x128xbf16, #tpu.memory_space<hbm>> -> memref<128x128xbf16, #tpu.memory_space<hbm>>
    tpu.wait_dma2 semaphore(%arg16 : memref<!tpu.dma_semaphore, #tpu.memory_space<semaphore_mem>>) src(%arg11 : memref<128x128xbf16, #tpu.memory_space<vmem>>) dst(%dma_wait3A_222 : memref<128x128xbf16, #tpu.memory_space<hbm>>)
    %add3A_223 = arith.constant 512 : i32
    %add3A_224 = arith.addi %mul3A_2, %add3A_223 : i32
    "tpu.region"() ({
      %run_scoped3A = tpu.sem_alloc : memref<!tpu.dma_semaphore, #tpu.memory_space<semaphore_mem>>
      %dma_start3A_243 = arith.constant 0 : i32
      %dma_start3A_244 = tpu.memref_slice %arg15[%add3A_224, %dma_start3A_243] : memref<10240x128xbf16, #tpu.memory_space<vmem_shared>> -> memref<128x128xbf16, #tpu.memory_space<vmem_shared>>
      %dma_start3A_245 = arith.constant 0 : i32
      %dma_start3A_246 = tpu.memref_slice %arg15[%add3A_224, %dma_start3A_245] : memref<10240x128xbf16, #tpu.memory_space<vmem_shared>> -> memref<128x128xbf16, #tpu.memory_space<vmem_shared>>
      tpu.enqueue_dma source(%dma_start3A_246 : memref<128x128xbf16, #tpu.memory_space<vmem_shared>>) target(%arg11 : memref<128x128xbf16, #tpu.memory_space<vmem>>) target_semaphore(%run_scoped3A : memref<!tpu.dma_semaphore, #tpu.memory_space<semaphore_mem>>)
      %dma_wait3A_247 = arith.constant 0 : i32
      %dma_wait3A_248 = tpu.memref_slice %arg15[%add3A_224, %dma_wait3A_247] : memref<10240x128xbf16, #tpu.memory_space<vmem_shared>> -> memref<128x128xbf16, #tpu.memory_space<vmem_shared>>
      %dma_wait3A_249 = arith.constant 0 : i32
      %dma_wait3A_250 = tpu.memref_slice %arg15[%add3A_224, %dma_wait3A_249] : memref<10240x128xbf16, #tpu.memory_space<vmem_shared>> -> memref<128x128xbf16, #tpu.memory_space<vmem_shared>>
      tpu.wait_dma2 semaphore(%run_scoped3A : memref<!tpu.dma_semaphore, #tpu.memory_space<semaphore_mem>>) src(%dma_wait3A_250 : memref<128x128xbf16, #tpu.memory_space<vmem_shared>>) dst(%arg11 : memref<128x128xbf16, #tpu.memory_space<vmem>>)
      tpu.yield
    }) : () -> ()
    %dma_start3A_225 = arith.constant 0 : i32
    %dma_start3A_226 = tpu.memref_slice %arg8[%arg0, %add3A_224, %dma_start3A_225] : memref<2x10240x128xbf16, #tpu.memory_space<hbm>> -> memref<1x128x128xbf16, #tpu.memory_space<hbm>>
    %dma_start3A_227 = tpu.memref_squeeze %dma_start3A_226 : memref<1x128x128xbf16, #tpu.memory_space<hbm>> -> memref<128x128xbf16, #tpu.memory_space<hbm>>
    %dma_start3A_228 = arith.constant 0 : i32
    %dma_start3A_229 = tpu.memref_slice %arg8[%arg0, %add3A_224, %dma_start3A_228] : memref<2x10240x128xbf16, #tpu.memory_space<hbm>> -> memref<1x128x128xbf16, #tpu.memory_space<hbm>>
    %dma_start3A_230 = tpu.memref_squeeze %dma_start3A_229 : memref<1x128x128xbf16, #tpu.memory_space<hbm>> -> memref<128x128xbf16, #tpu.memory_space<hbm>>
    tpu.enqueue_dma source(%arg11 : memref<128x128xbf16, #tpu.memory_space<vmem>>) target(%dma_start3A_230 : memref<128x128xbf16, #tpu.memory_space<hbm>>) target_semaphore(%arg16 : memref<!tpu.dma_semaphore, #tpu.memory_space<semaphore_mem>>)
    %dma_wait3A_231 = arith.constant 0 : i32
    %dma_wait3A_232 = tpu.memref_slice %arg8[%arg0, %add3A_224, %dma_wait3A_231] : memref<2x10240x128xbf16, #tpu.memory_space<hbm>> -> memref<1x128x128xbf16, #tpu.memory_space<hbm>>
    %dma_wait3A_233 = tpu.memref_squeeze %dma_wait3A_232 : memref<1x128x128xbf16, #tpu.memory_space<hbm>> -> memref<128x128xbf16, #tpu.memory_space<hbm>>
    %dma_wait3A_234 = arith.constant 0 : i32
    %dma_wait3A_235 = tpu.memref_slice %arg8[%arg0, %add3A_224, %dma_wait3A_234] : memref<2x10240x128xbf16, #tpu.memory_space<hbm>> -> memref<1x128x128xbf16, #tpu.memory_space<hbm>>
    %dma_wait3A_236 = tpu.memref_squeeze %dma_wait3A_235 : memref<1x128x128xbf16, #tpu.memory_space<hbm>> -> memref<128x128xbf16, #tpu.memory_space<hbm>>
    tpu.wait_dma2 semaphore(%arg16 : memref<!tpu.dma_semaphore, #tpu.memory_space<semaphore_mem>>) src(%arg11 : memref<128x128xbf16, #tpu.memory_space<vmem>>) dst(%dma_wait3A_236 : memref<128x128xbf16, #tpu.memory_space<hbm>>)
    %dma_wait3A_237 = arith.constant 0 : i32
    %dma_wait3A_238 = tpu.memref_slice %arg8[%arg0, %add3A_210, %dma_wait3A_237] : memref<2x10240x128xbf16, #tpu.memory_space<hbm>> -> memref<1x128x128xbf16, #tpu.memory_space<hbm>>
    %dma_wait3A_239 = tpu.memref_squeeze %dma_wait3A_238 : memref<1x128x128xbf16, #tpu.memory_space<hbm>> -> memref<128x128xbf16, #tpu.memory_space<hbm>>
    %dma_wait3A_240 = arith.constant 0 : i32
    %dma_wait3A_241 = tpu.memref_slice %arg8[%arg0, %add3A_210, %dma_wait3A_240] : memref<2x10240x128xbf16, #tpu.memory_space<hbm>> -> memref<1x128x128xbf16, #tpu.memory_space<hbm>>
    %dma_wait3A_242 = tpu.memref_squeeze %dma_wait3A_241 : memref<1x128x128xbf16, #tpu.memory_space<hbm>> -> memref<128x128xbf16, #tpu.memory_space<hbm>>
    tpu.wait_dma2 semaphore(%arg17 : memref<!tpu.dma_semaphore, #tpu.memory_space<semaphore_mem>>) src(%arg12 : memref<128x128xbf16, #tpu.memory_space<vmem>>) dst(%dma_wait3A_242 : memref<128x128xbf16, #tpu.memory_space<hbm>>)
    return
  }
}

#map = affine_map<(d0, d1) -> (0, 0)>
#map1 = affine_map<(d0, d1) -> (0, 0, 0)>
module attributes {stable_mosaic.version = 14 : i64} {
  func.func @body(%arg0: i32, %arg1: i32, %arg2: memref<10240x128xbf16, #tpu.memory_space<hbm>>, %arg3: memref<2560x128xi32, #tpu.memory_space<hbm>>, %arg4: memref<2560x128xi32, #tpu.memory_space<hbm>>, %arg5: memref<10240x128xbf16, #tpu.memory_space<hbm>>, %arg6: memref<10240x8xf32, #tpu.memory_space<hbm>>, %arg7: memref<128x8xf32, #tpu.memory_space<hbm>>, %arg8: memref<2x10240x128xbf16, #tpu.memory_space<hbm>>, %arg9: memref<2x10240x8xf32, #tpu.memory_space<hbm>>, %arg10: memref<80x128xi32, #tpu.memory_space<vmem>>, %arg11: memref<80x128xi32, #tpu.memory_space<vmem>>, %arg12: memref<128x128xbf16, #tpu.memory_space<vmem>>, %arg13: memref<128x128xbf16, #tpu.memory_space<vmem>>, %arg14: memref<128x128xbf16, #tpu.memory_space<vmem>>, %arg15: memref<128x128xbf16, #tpu.memory_space<vmem>>, %arg16: memref<10240x128xbf16, #tpu.memory_space<vmem_shared>>, %arg17: memref<!tpu.dma_semaphore, #tpu.memory_space<semaphore_mem>>, %arg18: memref<!tpu.dma_semaphore, #tpu.memory_space<semaphore_mem>>, %arg19: memref<!tpu.dma_semaphore, #tpu.memory_space<semaphore_mem>>, %arg20: memref<!tpu.dma_semaphore, #tpu.memory_space<semaphore_mem>>, %arg21: memref<!tpu.dma_semaphore, #tpu.memory_space<semaphore_mem>>, %arg22: memref<!tpu.dma_semaphore, #tpu.memory_space<semaphore_mem>>, %arg23: memref<!tpu.dma_semaphore, #tpu.memory_space<semaphore_mem>>, %arg24: memref<!tpu.dma_semaphore, #tpu.memory_space<semaphore_mem>>, %arg25: memref<128x8xf32, #tpu.memory_space<vmem>>, %arg26: memref<10240x8xf32, #tpu.memory_space<vmem_shared>>, %arg27: memref<128x8xf32, #tpu.memory_space<vmem>>) attributes {dimension_semantics = [#tpu.dimension_semantics<core_parallel>, #tpu.dimension_semantics<subcore_parallel>], iteration_bounds = array<i64: 2, 16>, scalar_prefetch = 0 : i64, scratch_operands = 18 : i64, tpu.core_type = #tpu.core_type<sc_vector_subcore>, window_params = [{transform_indices = #map}, {transform_indices = #map}, {transform_indices = #map}, {transform_indices = #map}, {transform_indices = #map}, {transform_indices = #map}, {transform_indices = #map1}, {transform_indices = #map1}]} {
    %mul3A = arith.constant 16 : i32
    %mul3A_0 = arith.muli %arg0, %mul3A : i32
    %add3A = arith.addi %mul3A_0, %arg1 : i32
    %mul3A_1 = arith.constant 640 : i32
    %mul3A_2 = arith.muli %arg1, %mul3A_1 : i32
    "tpu.region"() ({
      %run_scoped3A_286 = tpu.sem_alloc : memref<!tpu.dma_semaphore, #tpu.memory_space<semaphore_mem>>
      %dma_start3A_287 = arith.constant 0 : i32
      %dma_start3A_288 = arith.constant 0 : i32
      %dma_start3A_289 = tpu.memref_slice %arg5[%dma_start3A_287, %dma_start3A_288] : memref<10240x128xbf16, #tpu.memory_space<hbm>> -> memref<128x128xbf16, #tpu.memory_space<hbm>>
      %dma_start3A_290 = arith.constant 0 : i32
      %dma_start3A_291 = arith.constant 0 : i32
      %dma_start3A_292 = tpu.memref_slice %arg5[%dma_start3A_290, %dma_start3A_291] : memref<10240x128xbf16, #tpu.memory_space<hbm>> -> memref<128x128xbf16, #tpu.memory_space<hbm>>
      tpu.enqueue_dma source(%dma_start3A_292 : memref<128x128xbf16, #tpu.memory_space<hbm>>) target(%arg12 : memref<128x128xbf16, #tpu.memory_space<vmem>>) target_semaphore(%run_scoped3A_286 : memref<!tpu.dma_semaphore, #tpu.memory_space<semaphore_mem>>)
      %dma_wait3A_293 = arith.constant 0 : i32
      %dma_wait3A_294 = arith.constant 0 : i32
      %dma_wait3A_295 = tpu.memref_slice %arg5[%dma_wait3A_293, %dma_wait3A_294] : memref<10240x128xbf16, #tpu.memory_space<hbm>> -> memref<128x128xbf16, #tpu.memory_space<hbm>>
      %dma_wait3A_296 = arith.constant 0 : i32
      %dma_wait3A_297 = arith.constant 0 : i32
      %dma_wait3A_298 = tpu.memref_slice %arg5[%dma_wait3A_296, %dma_wait3A_297] : memref<10240x128xbf16, #tpu.memory_space<hbm>> -> memref<128x128xbf16, #tpu.memory_space<hbm>>
      tpu.wait_dma2 semaphore(%run_scoped3A_286 : memref<!tpu.dma_semaphore, #tpu.memory_space<semaphore_mem>>) src(%dma_wait3A_298 : memref<128x128xbf16, #tpu.memory_space<hbm>>) dst(%arg12 : memref<128x128xbf16, #tpu.memory_space<vmem>>)
      tpu.yield
    }) : () -> ()
    "tpu.region"() ({
      %run_scoped3A_286 = tpu.sem_alloc : memref<!tpu.dma_semaphore, #tpu.memory_space<semaphore_mem>>
      %dma_start3A_287 = arith.constant 0 : i32
      %dma_start3A_288 = arith.constant 0 : i32
      %dma_start3A_289 = tpu.memref_slice %arg6[%dma_start3A_287, %dma_start3A_288] : memref<10240x8xf32, #tpu.memory_space<hbm>> -> memref<128x8xf32, #tpu.memory_space<hbm>>
      %dma_start3A_290 = arith.constant 0 : i32
      %dma_start3A_291 = arith.constant 0 : i32
      %dma_start3A_292 = tpu.memref_slice %arg6[%dma_start3A_290, %dma_start3A_291] : memref<10240x8xf32, #tpu.memory_space<hbm>> -> memref<128x8xf32, #tpu.memory_space<hbm>>
      tpu.enqueue_dma source(%dma_start3A_292 : memref<128x8xf32, #tpu.memory_space<hbm>>) target(%arg27 : memref<128x8xf32, #tpu.memory_space<vmem>>) target_semaphore(%run_scoped3A_286 : memref<!tpu.dma_semaphore, #tpu.memory_space<semaphore_mem>>)
      %dma_wait3A_293 = arith.constant 0 : i32
      %dma_wait3A_294 = arith.constant 0 : i32
      %dma_wait3A_295 = tpu.memref_slice %arg6[%dma_wait3A_293, %dma_wait3A_294] : memref<10240x8xf32, #tpu.memory_space<hbm>> -> memref<128x8xf32, #tpu.memory_space<hbm>>
      %dma_wait3A_296 = arith.constant 0 : i32
      %dma_wait3A_297 = arith.constant 0 : i32
      %dma_wait3A_298 = tpu.memref_slice %arg6[%dma_wait3A_296, %dma_wait3A_297] : memref<10240x8xf32, #tpu.memory_space<hbm>> -> memref<128x8xf32, #tpu.memory_space<hbm>>
      tpu.wait_dma2 semaphore(%run_scoped3A_286 : memref<!tpu.dma_semaphore, #tpu.memory_space<semaphore_mem>>) src(%dma_wait3A_298 : memref<128x8xf32, #tpu.memory_space<hbm>>) dst(%arg27 : memref<128x8xf32, #tpu.memory_space<vmem>>)
      tpu.yield
    }) : () -> ()
    %add3A_3 = arith.constant 0 : i32
    %add3A_4 = arith.addi %mul3A_2, %add3A_3 : i32
    %dma_start3A = arith.constant 0 : i32
    %dma_start3A_5 = tpu.memref_slice %arg16[%add3A_4, %dma_start3A] : memref<10240x128xbf16, #tpu.memory_space<vmem_shared>> -> memref<128x128xbf16, #tpu.memory_space<vmem_shared>>
    %dma_start3A_6 = arith.constant 0 : i32
    %dma_start3A_7 = tpu.memref_slice %arg16[%add3A_4, %dma_start3A_6] : memref<10240x128xbf16, #tpu.memory_space<vmem_shared>> -> memref<128x128xbf16, #tpu.memory_space<vmem_shared>>
    tpu.enqueue_dma source(%arg12 : memref<128x128xbf16, #tpu.memory_space<vmem>>) target(%dma_start3A_7 : memref<128x128xbf16, #tpu.memory_space<vmem_shared>>) target_semaphore(%arg17 : memref<!tpu.dma_semaphore, #tpu.memory_space<semaphore_mem>>)
    %dma_start3A_8 = arith.constant 0 : i32
    %dma_start3A_9 = tpu.memref_slice %arg26[%add3A_4, %dma_start3A_8] : memref<10240x8xf32, #tpu.memory_space<vmem_shared>> -> memref<128x8xf32, #tpu.memory_space<vmem_shared>>
    %dma_start3A_10 = arith.constant 0 : i32
    %dma_start3A_11 = tpu.memref_slice %arg26[%add3A_4, %dma_start3A_10] : memref<10240x8xf32, #tpu.memory_space<vmem_shared>> -> memref<128x8xf32, #tpu.memory_space<vmem_shared>>
    tpu.enqueue_dma source(%arg27 : memref<128x8xf32, #tpu.memory_space<vmem>>) target(%dma_start3A_11 : memref<128x8xf32, #tpu.memory_space<vmem_shared>>) target_semaphore(%arg18 : memref<!tpu.dma_semaphore, #tpu.memory_space<semaphore_mem>>)
    %add3A_12 = arith.constant 128 : i32
    %add3A_13 = arith.addi %mul3A_2, %add3A_12 : i32
    %dma_start3A_14 = arith.constant 0 : i32
    %dma_start3A_15 = tpu.memref_slice %arg16[%add3A_13, %dma_start3A_14] : memref<10240x128xbf16, #tpu.memory_space<vmem_shared>> -> memref<128x128xbf16, #tpu.memory_space<vmem_shared>>
    %dma_start3A_16 = arith.constant 0 : i32
    %dma_start3A_17 = tpu.memref_slice %arg16[%add3A_13, %dma_start3A_16] : memref<10240x128xbf16, #tpu.memory_space<vmem_shared>> -> memref<128x128xbf16, #tpu.memory_space<vmem_shared>>
    tpu.enqueue_dma source(%arg12 : memref<128x128xbf16, #tpu.memory_space<vmem>>) target(%dma_start3A_17 : memref<128x128xbf16, #tpu.memory_space<vmem_shared>>) target_semaphore(%arg17 : memref<!tpu.dma_semaphore, #tpu.memory_space<semaphore_mem>>)
    %dma_start3A_18 = arith.constant 0 : i32
    %dma_start3A_19 = tpu.memref_slice %arg26[%add3A_13, %dma_start3A_18] : memref<10240x8xf32, #tpu.memory_space<vmem_shared>> -> memref<128x8xf32, #tpu.memory_space<vmem_shared>>
    %dma_start3A_20 = arith.constant 0 : i32
    %dma_start3A_21 = tpu.memref_slice %arg26[%add3A_13, %dma_start3A_20] : memref<10240x8xf32, #tpu.memory_space<vmem_shared>> -> memref<128x8xf32, #tpu.memory_space<vmem_shared>>
    tpu.enqueue_dma source(%arg27 : memref<128x8xf32, #tpu.memory_space<vmem>>) target(%dma_start3A_21 : memref<128x8xf32, #tpu.memory_space<vmem_shared>>) target_semaphore(%arg18 : memref<!tpu.dma_semaphore, #tpu.memory_space<semaphore_mem>>)
    %add3A_22 = arith.constant 256 : i32
    %add3A_23 = arith.addi %mul3A_2, %add3A_22 : i32
    %dma_start3A_24 = arith.constant 0 : i32
    %dma_start3A_25 = tpu.memref_slice %arg16[%add3A_23, %dma_start3A_24] : memref<10240x128xbf16, #tpu.memory_space<vmem_shared>> -> memref<128x128xbf16, #tpu.memory_space<vmem_shared>>
    %dma_start3A_26 = arith.constant 0 : i32
    %dma_start3A_27 = tpu.memref_slice %arg16[%add3A_23, %dma_start3A_26] : memref<10240x128xbf16, #tpu.memory_space<vmem_shared>> -> memref<128x128xbf16, #tpu.memory_space<vmem_shared>>
    tpu.enqueue_dma source(%arg12 : memref<128x128xbf16, #tpu.memory_space<vmem>>) target(%dma_start3A_27 : memref<128x128xbf16, #tpu.memory_space<vmem_shared>>) target_semaphore(%arg17 : memref<!tpu.dma_semaphore, #tpu.memory_space<semaphore_mem>>)
    %dma_start3A_28 = arith.constant 0 : i32
    %dma_start3A_29 = tpu.memref_slice %arg26[%add3A_23, %dma_start3A_28] : memref<10240x8xf32, #tpu.memory_space<vmem_shared>> -> memref<128x8xf32, #tpu.memory_space<vmem_shared>>
    %dma_start3A_30 = arith.constant 0 : i32
    %dma_start3A_31 = tpu.memref_slice %arg26[%add3A_23, %dma_start3A_30] : memref<10240x8xf32, #tpu.memory_space<vmem_shared>> -> memref<128x8xf32, #tpu.memory_space<vmem_shared>>
    tpu.enqueue_dma source(%arg27 : memref<128x8xf32, #tpu.memory_space<vmem>>) target(%dma_start3A_31 : memref<128x8xf32, #tpu.memory_space<vmem_shared>>) target_semaphore(%arg18 : memref<!tpu.dma_semaphore, #tpu.memory_space<semaphore_mem>>)
    %add3A_32 = arith.constant 384 : i32
    %add3A_33 = arith.addi %mul3A_2, %add3A_32 : i32
    %dma_start3A_34 = arith.constant 0 : i32
    %dma_start3A_35 = tpu.memref_slice %arg16[%add3A_33, %dma_start3A_34] : memref<10240x128xbf16, #tpu.memory_space<vmem_shared>> -> memref<128x128xbf16, #tpu.memory_space<vmem_shared>>
    %dma_start3A_36 = arith.constant 0 : i32
    %dma_start3A_37 = tpu.memref_slice %arg16[%add3A_33, %dma_start3A_36] : memref<10240x128xbf16, #tpu.memory_space<vmem_shared>> -> memref<128x128xbf16, #tpu.memory_space<vmem_shared>>
    tpu.enqueue_dma source(%arg12 : memref<128x128xbf16, #tpu.memory_space<vmem>>) target(%dma_start3A_37 : memref<128x128xbf16, #tpu.memory_space<vmem_shared>>) target_semaphore(%arg17 : memref<!tpu.dma_semaphore, #tpu.memory_space<semaphore_mem>>)
    %dma_start3A_38 = arith.constant 0 : i32
    %dma_start3A_39 = tpu.memref_slice %arg26[%add3A_33, %dma_start3A_38] : memref<10240x8xf32, #tpu.memory_space<vmem_shared>> -> memref<128x8xf32, #tpu.memory_space<vmem_shared>>
    %dma_start3A_40 = arith.constant 0 : i32
    %dma_start3A_41 = tpu.memref_slice %arg26[%add3A_33, %dma_start3A_40] : memref<10240x8xf32, #tpu.memory_space<vmem_shared>> -> memref<128x8xf32, #tpu.memory_space<vmem_shared>>
    tpu.enqueue_dma source(%arg27 : memref<128x8xf32, #tpu.memory_space<vmem>>) target(%dma_start3A_41 : memref<128x8xf32, #tpu.memory_space<vmem_shared>>) target_semaphore(%arg18 : memref<!tpu.dma_semaphore, #tpu.memory_space<semaphore_mem>>)
    %add3A_42 = arith.constant 512 : i32
    %add3A_43 = arith.addi %mul3A_2, %add3A_42 : i32
    %dma_start3A_44 = arith.constant 0 : i32
    %dma_start3A_45 = tpu.memref_slice %arg16[%add3A_43, %dma_start3A_44] : memref<10240x128xbf16, #tpu.memory_space<vmem_shared>> -> memref<128x128xbf16, #tpu.memory_space<vmem_shared>>
    %dma_start3A_46 = arith.constant 0 : i32
    %dma_start3A_47 = tpu.memref_slice %arg16[%add3A_43, %dma_start3A_46] : memref<10240x128xbf16, #tpu.memory_space<vmem_shared>> -> memref<128x128xbf16, #tpu.memory_space<vmem_shared>>
    tpu.enqueue_dma source(%arg12 : memref<128x128xbf16, #tpu.memory_space<vmem>>) target(%dma_start3A_47 : memref<128x128xbf16, #tpu.memory_space<vmem_shared>>) target_semaphore(%arg17 : memref<!tpu.dma_semaphore, #tpu.memory_space<semaphore_mem>>)
    %dma_start3A_48 = arith.constant 0 : i32
    %dma_start3A_49 = tpu.memref_slice %arg26[%add3A_43, %dma_start3A_48] : memref<10240x8xf32, #tpu.memory_space<vmem_shared>> -> memref<128x8xf32, #tpu.memory_space<vmem_shared>>
    %dma_start3A_50 = arith.constant 0 : i32
    %dma_start3A_51 = tpu.memref_slice %arg26[%add3A_43, %dma_start3A_50] : memref<10240x8xf32, #tpu.memory_space<vmem_shared>> -> memref<128x8xf32, #tpu.memory_space<vmem_shared>>
    tpu.enqueue_dma source(%arg27 : memref<128x8xf32, #tpu.memory_space<vmem>>) target(%dma_start3A_51 : memref<128x8xf32, #tpu.memory_space<vmem_shared>>) target_semaphore(%arg18 : memref<!tpu.dma_semaphore, #tpu.memory_space<semaphore_mem>>)
    "tpu.region"() ({
      %run_scoped3A_286 = tpu.sem_alloc : memref<!tpu.dma_semaphore, #tpu.memory_space<semaphore_mem>>
      tpu.enqueue_dma source(%arg7 : memref<128x8xf32, #tpu.memory_space<hbm>>) target(%arg25 : memref<128x8xf32, #tpu.memory_space<vmem>>) target_semaphore(%run_scoped3A_286 : memref<!tpu.dma_semaphore, #tpu.memory_space<semaphore_mem>>)
      tpu.wait_dma2 semaphore(%run_scoped3A_286 : memref<!tpu.dma_semaphore, #tpu.memory_space<semaphore_mem>>) src(%arg7 : memref<128x8xf32, #tpu.memory_space<hbm>>) dst(%arg25 : memref<128x8xf32, #tpu.memory_space<vmem>>)
      tpu.yield
    }) : () -> ()
    %mul3A_52 = arith.constant 80 : i32
    %mul3A_53 = arith.muli %add3A, %mul3A_52 : i32
    "tpu.region"() ({
      %run_scoped3A_286 = tpu.sem_alloc : memref<!tpu.dma_semaphore, #tpu.memory_space<semaphore_mem>>
      %dma_start3A_287 = arith.constant 0 : i32
      %dma_start3A_288 = tpu.memref_slice %arg3[%mul3A_53, %dma_start3A_287] : memref<2560x128xi32, #tpu.memory_space<hbm>> -> memref<80x128xi32, #tpu.memory_space<hbm>>
      %dma_start3A_289 = arith.constant 0 : i32
      %dma_start3A_290 = tpu.memref_slice %arg3[%mul3A_53, %dma_start3A_289] : memref<2560x128xi32, #tpu.memory_space<hbm>> -> memref<80x128xi32, #tpu.memory_space<hbm>>
      tpu.enqueue_dma source(%dma_start3A_290 : memref<80x128xi32, #tpu.memory_space<hbm>>) target(%arg10 : memref<80x128xi32, #tpu.memory_space<vmem>>) target_semaphore(%run_scoped3A_286 : memref<!tpu.dma_semaphore, #tpu.memory_space<semaphore_mem>>)
      %dma_wait3A_291 = arith.constant 0 : i32
      %dma_wait3A_292 = tpu.memref_slice %arg3[%mul3A_53, %dma_wait3A_291] : memref<2560x128xi32, #tpu.memory_space<hbm>> -> memref<80x128xi32, #tpu.memory_space<hbm>>
      %dma_wait3A_293 = arith.constant 0 : i32
      %dma_wait3A_294 = tpu.memref_slice %arg3[%mul3A_53, %dma_wait3A_293] : memref<2560x128xi32, #tpu.memory_space<hbm>> -> memref<80x128xi32, #tpu.memory_space<hbm>>
      tpu.wait_dma2 semaphore(%run_scoped3A_286 : memref<!tpu.dma_semaphore, #tpu.memory_space<semaphore_mem>>) src(%dma_wait3A_294 : memref<80x128xi32, #tpu.memory_space<hbm>>) dst(%arg10 : memref<80x128xi32, #tpu.memory_space<vmem>>)
      tpu.yield
    }) : () -> ()
    %mul3A_54 = arith.constant 80 : i32
    %mul3A_55 = arith.muli %add3A, %mul3A_54 : i32
    "tpu.region"() ({
      %run_scoped3A_286 = tpu.sem_alloc : memref<!tpu.dma_semaphore, #tpu.memory_space<semaphore_mem>>
      %dma_start3A_287 = arith.constant 0 : i32
      %dma_start3A_288 = tpu.memref_slice %arg4[%mul3A_55, %dma_start3A_287] : memref<2560x128xi32, #tpu.memory_space<hbm>> -> memref<80x128xi32, #tpu.memory_space<hbm>>
      %dma_start3A_289 = arith.constant 0 : i32
      %dma_start3A_290 = tpu.memref_slice %arg4[%mul3A_55, %dma_start3A_289] : memref<2560x128xi32, #tpu.memory_space<hbm>> -> memref<80x128xi32, #tpu.memory_space<hbm>>
      tpu.enqueue_dma source(%dma_start3A_290 : memref<80x128xi32, #tpu.memory_space<hbm>>) target(%arg11 : memref<80x128xi32, #tpu.memory_space<vmem>>) target_semaphore(%run_scoped3A_286 : memref<!tpu.dma_semaphore, #tpu.memory_space<semaphore_mem>>)
      %dma_wait3A_291 = arith.constant 0 : i32
      %dma_wait3A_292 = tpu.memref_slice %arg4[%mul3A_55, %dma_wait3A_291] : memref<2560x128xi32, #tpu.memory_space<hbm>> -> memref<80x128xi32, #tpu.memory_space<hbm>>
      %dma_wait3A_293 = arith.constant 0 : i32
      %dma_wait3A_294 = tpu.memref_slice %arg4[%mul3A_55, %dma_wait3A_293] : memref<2560x128xi32, #tpu.memory_space<hbm>> -> memref<80x128xi32, #tpu.memory_space<hbm>>
      tpu.wait_dma2 semaphore(%run_scoped3A_286 : memref<!tpu.dma_semaphore, #tpu.memory_space<semaphore_mem>>) src(%dma_wait3A_294 : memref<80x128xi32, #tpu.memory_space<hbm>>) dst(%arg11 : memref<80x128xi32, #tpu.memory_space<vmem>>)
      tpu.yield
    }) : () -> ()
    %dma_wait3A = arith.constant 0 : i32
    %dma_wait3A_56 = tpu.memref_slice %arg16[%add3A_4, %dma_wait3A] : memref<10240x128xbf16, #tpu.memory_space<vmem_shared>> -> memref<128x128xbf16, #tpu.memory_space<vmem_shared>>
    %dma_wait3A_57 = arith.constant 0 : i32
    %dma_wait3A_58 = tpu.memref_slice %arg16[%add3A_4, %dma_wait3A_57] : memref<10240x128xbf16, #tpu.memory_space<vmem_shared>> -> memref<128x128xbf16, #tpu.memory_space<vmem_shared>>
    tpu.wait_dma2 semaphore(%arg17 : memref<!tpu.dma_semaphore, #tpu.memory_space<semaphore_mem>>) src(%arg12 : memref<128x128xbf16, #tpu.memory_space<vmem>>) dst(%dma_wait3A_58 : memref<128x128xbf16, #tpu.memory_space<vmem_shared>>)
    %dma_wait3A_59 = arith.constant 0 : i32
    %dma_wait3A_60 = tpu.memref_slice %arg26[%add3A_4, %dma_wait3A_59] : memref<10240x8xf32, #tpu.memory_space<vmem_shared>> -> memref<128x8xf32, #tpu.memory_space<vmem_shared>>
    %dma_wait3A_61 = arith.constant 0 : i32
    %dma_wait3A_62 = tpu.memref_slice %arg26[%add3A_4, %dma_wait3A_61] : memref<10240x8xf32, #tpu.memory_space<vmem_shared>> -> memref<128x8xf32, #tpu.memory_space<vmem_shared>>
    tpu.wait_dma2 semaphore(%arg18 : memref<!tpu.dma_semaphore, #tpu.memory_space<semaphore_mem>>) src(%arg27 : memref<128x8xf32, #tpu.memory_space<vmem>>) dst(%dma_wait3A_62 : memref<128x8xf32, #tpu.memory_space<vmem_shared>>)
    %dma_wait3A_63 = arith.constant 0 : i32
    %dma_wait3A_64 = tpu.memref_slice %arg16[%add3A_13, %dma_wait3A_63] : memref<10240x128xbf16, #tpu.memory_space<vmem_shared>> -> memref<128x128xbf16, #tpu.memory_space<vmem_shared>>
    %dma_wait3A_65 = arith.constant 0 : i32
    %dma_wait3A_66 = tpu.memref_slice %arg16[%add3A_13, %dma_wait3A_65] : memref<10240x128xbf16, #tpu.memory_space<vmem_shared>> -> memref<128x128xbf16, #tpu.memory_space<vmem_shared>>
    tpu.wait_dma2 semaphore(%arg17 : memref<!tpu.dma_semaphore, #tpu.memory_space<semaphore_mem>>) src(%arg12 : memref<128x128xbf16, #tpu.memory_space<vmem>>) dst(%dma_wait3A_66 : memref<128x128xbf16, #tpu.memory_space<vmem_shared>>)
    %dma_wait3A_67 = arith.constant 0 : i32
    %dma_wait3A_68 = tpu.memref_slice %arg26[%add3A_13, %dma_wait3A_67] : memref<10240x8xf32, #tpu.memory_space<vmem_shared>> -> memref<128x8xf32, #tpu.memory_space<vmem_shared>>
    %dma_wait3A_69 = arith.constant 0 : i32
    %dma_wait3A_70 = tpu.memref_slice %arg26[%add3A_13, %dma_wait3A_69] : memref<10240x8xf32, #tpu.memory_space<vmem_shared>> -> memref<128x8xf32, #tpu.memory_space<vmem_shared>>
    tpu.wait_dma2 semaphore(%arg18 : memref<!tpu.dma_semaphore, #tpu.memory_space<semaphore_mem>>) src(%arg27 : memref<128x8xf32, #tpu.memory_space<vmem>>) dst(%dma_wait3A_70 : memref<128x8xf32, #tpu.memory_space<vmem_shared>>)
    %dma_wait3A_71 = arith.constant 0 : i32
    %dma_wait3A_72 = tpu.memref_slice %arg16[%add3A_23, %dma_wait3A_71] : memref<10240x128xbf16, #tpu.memory_space<vmem_shared>> -> memref<128x128xbf16, #tpu.memory_space<vmem_shared>>
    %dma_wait3A_73 = arith.constant 0 : i32
    %dma_wait3A_74 = tpu.memref_slice %arg16[%add3A_23, %dma_wait3A_73] : memref<10240x128xbf16, #tpu.memory_space<vmem_shared>> -> memref<128x128xbf16, #tpu.memory_space<vmem_shared>>
    tpu.wait_dma2 semaphore(%arg17 : memref<!tpu.dma_semaphore, #tpu.memory_space<semaphore_mem>>) src(%arg12 : memref<128x128xbf16, #tpu.memory_space<vmem>>) dst(%dma_wait3A_74 : memref<128x128xbf16, #tpu.memory_space<vmem_shared>>)
    %dma_wait3A_75 = arith.constant 0 : i32
    %dma_wait3A_76 = tpu.memref_slice %arg26[%add3A_23, %dma_wait3A_75] : memref<10240x8xf32, #tpu.memory_space<vmem_shared>> -> memref<128x8xf32, #tpu.memory_space<vmem_shared>>
    %dma_wait3A_77 = arith.constant 0 : i32
    %dma_wait3A_78 = tpu.memref_slice %arg26[%add3A_23, %dma_wait3A_77] : memref<10240x8xf32, #tpu.memory_space<vmem_shared>> -> memref<128x8xf32, #tpu.memory_space<vmem_shared>>
    tpu.wait_dma2 semaphore(%arg18 : memref<!tpu.dma_semaphore, #tpu.memory_space<semaphore_mem>>) src(%arg27 : memref<128x8xf32, #tpu.memory_space<vmem>>) dst(%dma_wait3A_78 : memref<128x8xf32, #tpu.memory_space<vmem_shared>>)
    %dma_wait3A_79 = arith.constant 0 : i32
    %dma_wait3A_80 = tpu.memref_slice %arg16[%add3A_33, %dma_wait3A_79] : memref<10240x128xbf16, #tpu.memory_space<vmem_shared>> -> memref<128x128xbf16, #tpu.memory_space<vmem_shared>>
    %dma_wait3A_81 = arith.constant 0 : i32
    %dma_wait3A_82 = tpu.memref_slice %arg16[%add3A_33, %dma_wait3A_81] : memref<10240x128xbf16, #tpu.memory_space<vmem_shared>> -> memref<128x128xbf16, #tpu.memory_space<vmem_shared>>
    tpu.wait_dma2 semaphore(%arg17 : memref<!tpu.dma_semaphore, #tpu.memory_space<semaphore_mem>>) src(%arg12 : memref<128x128xbf16, #tpu.memory_space<vmem>>) dst(%dma_wait3A_82 : memref<128x128xbf16, #tpu.memory_space<vmem_shared>>)
    %dma_wait3A_83 = arith.constant 0 : i32
    %dma_wait3A_84 = tpu.memref_slice %arg26[%add3A_33, %dma_wait3A_83] : memref<10240x8xf32, #tpu.memory_space<vmem_shared>> -> memref<128x8xf32, #tpu.memory_space<vmem_shared>>
    %dma_wait3A_85 = arith.constant 0 : i32
    %dma_wait3A_86 = tpu.memref_slice %arg26[%add3A_33, %dma_wait3A_85] : memref<10240x8xf32, #tpu.memory_space<vmem_shared>> -> memref<128x8xf32, #tpu.memory_space<vmem_shared>>
    tpu.wait_dma2 semaphore(%arg18 : memref<!tpu.dma_semaphore, #tpu.memory_space<semaphore_mem>>) src(%arg27 : memref<128x8xf32, #tpu.memory_space<vmem>>) dst(%dma_wait3A_86 : memref<128x8xf32, #tpu.memory_space<vmem_shared>>)
    %dma_wait3A_87 = arith.constant 0 : i32
    %dma_wait3A_88 = tpu.memref_slice %arg16[%add3A_43, %dma_wait3A_87] : memref<10240x128xbf16, #tpu.memory_space<vmem_shared>> -> memref<128x128xbf16, #tpu.memory_space<vmem_shared>>
    %dma_wait3A_89 = arith.constant 0 : i32
    %dma_wait3A_90 = tpu.memref_slice %arg16[%add3A_43, %dma_wait3A_89] : memref<10240x128xbf16, #tpu.memory_space<vmem_shared>> -> memref<128x128xbf16, #tpu.memory_space<vmem_shared>>
    tpu.wait_dma2 semaphore(%arg17 : memref<!tpu.dma_semaphore, #tpu.memory_space<semaphore_mem>>) src(%arg12 : memref<128x128xbf16, #tpu.memory_space<vmem>>) dst(%dma_wait3A_90 : memref<128x128xbf16, #tpu.memory_space<vmem_shared>>)
    %dma_wait3A_91 = arith.constant 0 : i32
    %dma_wait3A_92 = tpu.memref_slice %arg26[%add3A_43, %dma_wait3A_91] : memref<10240x8xf32, #tpu.memory_space<vmem_shared>> -> memref<128x8xf32, #tpu.memory_space<vmem_shared>>
    %dma_wait3A_93 = arith.constant 0 : i32
    %dma_wait3A_94 = tpu.memref_slice %arg26[%add3A_43, %dma_wait3A_93] : memref<10240x8xf32, #tpu.memory_space<vmem_shared>> -> memref<128x8xf32, #tpu.memory_space<vmem_shared>>
    tpu.wait_dma2 semaphore(%arg18 : memref<!tpu.dma_semaphore, #tpu.memory_space<semaphore_mem>>) src(%arg27 : memref<128x8xf32, #tpu.memory_space<vmem>>) dst(%dma_wait3A_94 : memref<128x8xf32, #tpu.memory_space<vmem_shared>>)
    %barrier3A = arith.constant 0 : index
    tpu.barrier barrier_id(%barrier3A)
    %dma_start3A_95 = arith.constant 0 : i32
    %dma_start3A_96 = arith.constant 0 : i32
    %dma_start3A_97 = tpu.memref_slice %arg10[%dma_start3A_95, %dma_start3A_96] : memref<80x128xi32, #tpu.memory_space<vmem>> -> memref<1x128xi32, #tpu.memory_space<vmem>>
    %dma_start3A_98 = tpu.memref_squeeze %dma_start3A_97 : memref<1x128xi32, #tpu.memory_space<vmem>> -> memref<128xi32, #tpu.memory_space<vmem>>
    %dma_start3A_99 = arith.constant 0 : i32
    %dma_start3A_100 = arith.constant 0 : i32
    %dma_start3A_101 = tpu.memref_slice %arg2[%dma_start3A_99, %dma_start3A_100] : memref<10240x128xbf16, #tpu.memory_space<hbm>> -> memref<10240x128xbf16, #tpu.memory_space<hbm>>
    tpu.enqueue_indirect_dma source(%dma_start3A_101 : memref<10240x128xbf16, #tpu.memory_space<hbm>>) target(%arg12 : memref<128x128xbf16, #tpu.memory_space<vmem>>) offsets(%dma_start3A_98 : memref<128xi32, #tpu.memory_space<vmem>>) semaphore(%arg17 : memref<!tpu.dma_semaphore, #tpu.memory_space<semaphore_mem>>)
    %dma_start3A_102 = arith.constant 1 : i32
    %dma_start3A_103 = arith.constant 0 : i32
    %dma_start3A_104 = tpu.memref_slice %arg10[%dma_start3A_102, %dma_start3A_103] : memref<80x128xi32, #tpu.memory_space<vmem>> -> memref<1x128xi32, #tpu.memory_space<vmem>>
    %dma_start3A_105 = tpu.memref_squeeze %dma_start3A_104 : memref<1x128xi32, #tpu.memory_space<vmem>> -> memref<128xi32, #tpu.memory_space<vmem>>
    %dma_start3A_106 = arith.constant 0 : i32
    %dma_start3A_107 = arith.constant 0 : i32
    %dma_start3A_108 = tpu.memref_slice %arg2[%dma_start3A_106, %dma_start3A_107] : memref<10240x128xbf16, #tpu.memory_space<hbm>> -> memref<10240x128xbf16, #tpu.memory_space<hbm>>
    tpu.enqueue_indirect_dma source(%dma_start3A_108 : memref<10240x128xbf16, #tpu.memory_space<hbm>>) target(%arg13 : memref<128x128xbf16, #tpu.memory_space<vmem>>) offsets(%dma_start3A_105 : memref<128xi32, #tpu.memory_space<vmem>>) semaphore(%arg18 : memref<!tpu.dma_semaphore, #tpu.memory_space<semaphore_mem>>)
    %dma_start3A_109 = arith.constant 2 : i32
    %dma_start3A_110 = arith.constant 0 : i32
    %dma_start3A_111 = tpu.memref_slice %arg10[%dma_start3A_109, %dma_start3A_110] : memref<80x128xi32, #tpu.memory_space<vmem>> -> memref<1x128xi32, #tpu.memory_space<vmem>>
    %dma_start3A_112 = tpu.memref_squeeze %dma_start3A_111 : memref<1x128xi32, #tpu.memory_space<vmem>> -> memref<128xi32, #tpu.memory_space<vmem>>
    %dma_start3A_113 = arith.constant 0 : i32
    %dma_start3A_114 = arith.constant 0 : i32
    %dma_start3A_115 = tpu.memref_slice %arg2[%dma_start3A_113, %dma_start3A_114] : memref<10240x128xbf16, #tpu.memory_space<hbm>> -> memref<10240x128xbf16, #tpu.memory_space<hbm>>
    tpu.enqueue_indirect_dma source(%dma_start3A_115 : memref<10240x128xbf16, #tpu.memory_space<hbm>>) target(%arg14 : memref<128x128xbf16, #tpu.memory_space<vmem>>) offsets(%dma_start3A_112 : memref<128xi32, #tpu.memory_space<vmem>>) semaphore(%arg19 : memref<!tpu.dma_semaphore, #tpu.memory_space<semaphore_mem>>)
    %dma_start3A_116 = arith.constant 3 : i32
    %dma_start3A_117 = arith.constant 0 : i32
    %dma_start3A_118 = tpu.memref_slice %arg10[%dma_start3A_116, %dma_start3A_117] : memref<80x128xi32, #tpu.memory_space<vmem>> -> memref<1x128xi32, #tpu.memory_space<vmem>>
    %dma_start3A_119 = tpu.memref_squeeze %dma_start3A_118 : memref<1x128xi32, #tpu.memory_space<vmem>> -> memref<128xi32, #tpu.memory_space<vmem>>
    %dma_start3A_120 = arith.constant 0 : i32
    %dma_start3A_121 = arith.constant 0 : i32
    %dma_start3A_122 = tpu.memref_slice %arg2[%dma_start3A_120, %dma_start3A_121] : memref<10240x128xbf16, #tpu.memory_space<hbm>> -> memref<10240x128xbf16, #tpu.memory_space<hbm>>
    tpu.enqueue_indirect_dma source(%dma_start3A_122 : memref<10240x128xbf16, #tpu.memory_space<hbm>>) target(%arg15 : memref<128x128xbf16, #tpu.memory_space<vmem>>) offsets(%dma_start3A_119 : memref<128xi32, #tpu.memory_space<vmem>>) semaphore(%arg20 : memref<!tpu.dma_semaphore, #tpu.memory_space<semaphore_mem>>)
    %scan3A = arith.constant 0 : i32
    %scan3A_123 = arith.constant 0 : i32
    %scan3A_124 = arith.constant 19 : i32
    %scan3A_125 = arith.addi %scan3A_123, %scan3A_124 : i32
    %scan3A_126 = arith.constant 1 : i32
    scf.for %scan3A_286 = %scan3A_123 to %scan3A_125 step %scan3A_126  : i32 {
      %mul3A_287 = arith.constant 4 : i32
      %mul3A_288 = arith.muli %scan3A_286, %mul3A_287 : i32
      %add3A_289 = arith.constant 0 : i32
      %add3A_290 = arith.addi %mul3A_288, %add3A_289 : i32
      %dma_wait3A_291 = arith.constant 0 : i32
      %dma_wait3A_292 = arith.constant 0 : i32
      %dma_wait3A_293 = tpu.memref_slice %arg10[%dma_wait3A_291, %dma_wait3A_292] : memref<80x128xi32, #tpu.memory_space<vmem>> -> memref<1x128xi32, #tpu.memory_space<vmem>>
      %dma_wait3A_294 = tpu.memref_squeeze %dma_wait3A_293 : memref<1x128xi32, #tpu.memory_space<vmem>> -> memref<128xi32, #tpu.memory_space<vmem>>
      %dma_wait3A_295 = arith.constant 0 : i32
      %dma_wait3A_296 = arith.constant 0 : i32
      %dma_wait3A_297 = tpu.memref_slice %arg2[%dma_wait3A_295, %dma_wait3A_296] : memref<10240x128xbf16, #tpu.memory_space<hbm>> -> memref<10240x128xbf16, #tpu.memory_space<hbm>>
      tpu.wait_indirect_dma semaphore(%arg17 : memref<!tpu.dma_semaphore, #tpu.memory_space<semaphore_mem>>) src(%dma_wait3A_297 : memref<10240x128xbf16, #tpu.memory_space<hbm>>) dst(%arg12 : memref<128x128xbf16, #tpu.memory_space<vmem>>)
      %dma_start3A_298 = arith.constant 0 : i32
      %dma_start3A_299 = tpu.memref_slice %arg11[%add3A_290, %dma_start3A_298] : memref<80x128xi32, #tpu.memory_space<vmem>> -> memref<1x128xi32, #tpu.memory_space<vmem>>
      %dma_start3A_300 = tpu.memref_squeeze %dma_start3A_299 : memref<1x128xi32, #tpu.memory_space<vmem>> -> memref<128xi32, #tpu.memory_space<vmem>>
      %dma_start3A_301 = arith.constant 0 : i32
      %dma_start3A_302 = arith.constant 0 : i32
      %dma_start3A_303 = tpu.memref_slice %arg16[%dma_start3A_301, %dma_start3A_302] : memref<10240x128xbf16, #tpu.memory_space<vmem_shared>> -> memref<10240x128xbf16, #tpu.memory_space<vmem_shared>>
      tpu.enqueue_indirect_dma source(%arg12 : memref<128x128xbf16, #tpu.memory_space<vmem>>) target(%dma_start3A_303 : memref<10240x128xbf16, #tpu.memory_space<vmem_shared>>) offsets(%dma_start3A_300 : memref<128xi32, #tpu.memory_space<vmem>>) semaphore(%arg21 : memref<!tpu.dma_semaphore, #tpu.memory_space<semaphore_mem>>) {add = true}
      "tpu.region"() ({
        %run_scoped3A_413 = tpu.sem_alloc : memref<!tpu.dma_semaphore, #tpu.memory_space<semaphore_mem>>
        %dma_start3A_414 = arith.constant 0 : i32
        %dma_start3A_415 = tpu.memref_slice %arg11[%add3A_290, %dma_start3A_414] : memref<80x128xi32, #tpu.memory_space<vmem>> -> memref<1x128xi32, #tpu.memory_space<vmem>>
        %dma_start3A_416 = tpu.memref_squeeze %dma_start3A_415 : memref<1x128xi32, #tpu.memory_space<vmem>> -> memref<128xi32, #tpu.memory_space<vmem>>
        %dma_start3A_417 = arith.constant 0 : i32
        %dma_start3A_418 = arith.constant 0 : i32
        %dma_start3A_419 = tpu.memref_slice %arg26[%dma_start3A_417, %dma_start3A_418] : memref<10240x8xf32, #tpu.memory_space<vmem_shared>> -> memref<10240x8xf32, #tpu.memory_space<vmem_shared>>
        tpu.enqueue_indirect_dma source(%arg25 : memref<128x8xf32, #tpu.memory_space<vmem>>) target(%dma_start3A_419 : memref<10240x8xf32, #tpu.memory_space<vmem_shared>>) offsets(%dma_start3A_416 : memref<128xi32, #tpu.memory_space<vmem>>) semaphore(%run_scoped3A_413 : memref<!tpu.dma_semaphore, #tpu.memory_space<semaphore_mem>>) {add = true}
        %dma_wait3A_420 = arith.constant 0 : i32
        %dma_wait3A_421 = tpu.memref_slice %arg11[%add3A_290, %dma_wait3A_420] : memref<80x128xi32, #tpu.memory_space<vmem>> -> memref<1x128xi32, #tpu.memory_space<vmem>>
        %dma_wait3A_422 = tpu.memref_squeeze %dma_wait3A_421 : memref<1x128xi32, #tpu.memory_space<vmem>> -> memref<128xi32, #tpu.memory_space<vmem>>
        %dma_wait3A_423 = arith.constant 0 : i32
        %dma_wait3A_424 = arith.constant 0 : i32
        %dma_wait3A_425 = tpu.memref_slice %arg26[%dma_wait3A_423, %dma_wait3A_424] : memref<10240x8xf32, #tpu.memory_space<vmem_shared>> -> memref<10240x8xf32, #tpu.memory_space<vmem_shared>>
        tpu.wait_indirect_dma semaphore(%run_scoped3A_413 : memref<!tpu.dma_semaphore, #tpu.memory_space<semaphore_mem>>) src(%arg25 : memref<128x8xf32, #tpu.memory_space<vmem>>) dst(%dma_wait3A_425 : memref<10240x8xf32, #tpu.memory_space<vmem_shared>>)
        tpu.yield
      }) : () -> ()
      %add3A_304 = arith.constant 1 : i32
      %add3A_305 = arith.addi %mul3A_288, %add3A_304 : i32
      %dma_wait3A_306 = arith.constant 0 : i32
      %dma_wait3A_307 = arith.constant 0 : i32
      %dma_wait3A_308 = tpu.memref_slice %arg10[%dma_wait3A_306, %dma_wait3A_307] : memref<80x128xi32, #tpu.memory_space<vmem>> -> memref<1x128xi32, #tpu.memory_space<vmem>>
      %dma_wait3A_309 = tpu.memref_squeeze %dma_wait3A_308 : memref<1x128xi32, #tpu.memory_space<vmem>> -> memref<128xi32, #tpu.memory_space<vmem>>
      %dma_wait3A_310 = arith.constant 0 : i32
      %dma_wait3A_311 = arith.constant 0 : i32
      %dma_wait3A_312 = tpu.memref_slice %arg2[%dma_wait3A_310, %dma_wait3A_311] : memref<10240x128xbf16, #tpu.memory_space<hbm>> -> memref<10240x128xbf16, #tpu.memory_space<hbm>>
      tpu.wait_indirect_dma semaphore(%arg18 : memref<!tpu.dma_semaphore, #tpu.memory_space<semaphore_mem>>) src(%dma_wait3A_312 : memref<10240x128xbf16, #tpu.memory_space<hbm>>) dst(%arg13 : memref<128x128xbf16, #tpu.memory_space<vmem>>)
      %dma_start3A_313 = arith.constant 0 : i32
      %dma_start3A_314 = tpu.memref_slice %arg11[%add3A_305, %dma_start3A_313] : memref<80x128xi32, #tpu.memory_space<vmem>> -> memref<1x128xi32, #tpu.memory_space<vmem>>
      %dma_start3A_315 = tpu.memref_squeeze %dma_start3A_314 : memref<1x128xi32, #tpu.memory_space<vmem>> -> memref<128xi32, #tpu.memory_space<vmem>>
      %dma_start3A_316 = arith.constant 0 : i32
      %dma_start3A_317 = arith.constant 0 : i32
      %dma_start3A_318 = tpu.memref_slice %arg16[%dma_start3A_316, %dma_start3A_317] : memref<10240x128xbf16, #tpu.memory_space<vmem_shared>> -> memref<10240x128xbf16, #tpu.memory_space<vmem_shared>>
      tpu.enqueue_indirect_dma source(%arg13 : memref<128x128xbf16, #tpu.memory_space<vmem>>) target(%dma_start3A_318 : memref<10240x128xbf16, #tpu.memory_space<vmem_shared>>) offsets(%dma_start3A_315 : memref<128xi32, #tpu.memory_space<vmem>>) semaphore(%arg22 : memref<!tpu.dma_semaphore, #tpu.memory_space<semaphore_mem>>) {add = true}
      "tpu.region"() ({
        %run_scoped3A_413 = tpu.sem_alloc : memref<!tpu.dma_semaphore, #tpu.memory_space<semaphore_mem>>
        %dma_start3A_414 = arith.constant 0 : i32
        %dma_start3A_415 = tpu.memref_slice %arg11[%add3A_305, %dma_start3A_414] : memref<80x128xi32, #tpu.memory_space<vmem>> -> memref<1x128xi32, #tpu.memory_space<vmem>>
        %dma_start3A_416 = tpu.memref_squeeze %dma_start3A_415 : memref<1x128xi32, #tpu.memory_space<vmem>> -> memref<128xi32, #tpu.memory_space<vmem>>
        %dma_start3A_417 = arith.constant 0 : i32
        %dma_start3A_418 = arith.constant 0 : i32
        %dma_start3A_419 = tpu.memref_slice %arg26[%dma_start3A_417, %dma_start3A_418] : memref<10240x8xf32, #tpu.memory_space<vmem_shared>> -> memref<10240x8xf32, #tpu.memory_space<vmem_shared>>
        tpu.enqueue_indirect_dma source(%arg25 : memref<128x8xf32, #tpu.memory_space<vmem>>) target(%dma_start3A_419 : memref<10240x8xf32, #tpu.memory_space<vmem_shared>>) offsets(%dma_start3A_416 : memref<128xi32, #tpu.memory_space<vmem>>) semaphore(%run_scoped3A_413 : memref<!tpu.dma_semaphore, #tpu.memory_space<semaphore_mem>>) {add = true}
        %dma_wait3A_420 = arith.constant 0 : i32
        %dma_wait3A_421 = tpu.memref_slice %arg11[%add3A_305, %dma_wait3A_420] : memref<80x128xi32, #tpu.memory_space<vmem>> -> memref<1x128xi32, #tpu.memory_space<vmem>>
        %dma_wait3A_422 = tpu.memref_squeeze %dma_wait3A_421 : memref<1x128xi32, #tpu.memory_space<vmem>> -> memref<128xi32, #tpu.memory_space<vmem>>
        %dma_wait3A_423 = arith.constant 0 : i32
        %dma_wait3A_424 = arith.constant 0 : i32
        %dma_wait3A_425 = tpu.memref_slice %arg26[%dma_wait3A_423, %dma_wait3A_424] : memref<10240x8xf32, #tpu.memory_space<vmem_shared>> -> memref<10240x8xf32, #tpu.memory_space<vmem_shared>>
        tpu.wait_indirect_dma semaphore(%run_scoped3A_413 : memref<!tpu.dma_semaphore, #tpu.memory_space<semaphore_mem>>) src(%arg25 : memref<128x8xf32, #tpu.memory_space<vmem>>) dst(%dma_wait3A_425 : memref<10240x8xf32, #tpu.memory_space<vmem_shared>>)
        tpu.yield
      }) : () -> ()
      %dma_wait3A_319 = arith.constant 0 : i32
      %dma_wait3A_320 = tpu.memref_slice %arg11[%add3A_290, %dma_wait3A_319] : memref<80x128xi32, #tpu.memory_space<vmem>> -> memref<1x128xi32, #tpu.memory_space<vmem>>
      %dma_wait3A_321 = tpu.memref_squeeze %dma_wait3A_320 : memref<1x128xi32, #tpu.memory_space<vmem>> -> memref<128xi32, #tpu.memory_space<vmem>>
      %dma_wait3A_322 = arith.constant 0 : i32
      %dma_wait3A_323 = arith.constant 0 : i32
      %dma_wait3A_324 = tpu.memref_slice %arg16[%dma_wait3A_322, %dma_wait3A_323] : memref<10240x128xbf16, #tpu.memory_space<vmem_shared>> -> memref<10240x128xbf16, #tpu.memory_space<vmem_shared>>
      tpu.wait_indirect_dma semaphore(%arg21 : memref<!tpu.dma_semaphore, #tpu.memory_space<semaphore_mem>>) src(%arg12 : memref<128x128xbf16, #tpu.memory_space<vmem>>) dst(%dma_wait3A_324 : memref<10240x128xbf16, #tpu.memory_space<vmem_shared>>)
      %add3A_325 = arith.constant 4 : i32
      %add3A_326 = arith.addi %mul3A_288, %add3A_325 : i32
      %add3A_327 = arith.constant 0 : i32
      %add3A_328 = arith.addi %add3A_326, %add3A_327 : i32
      %dma_start3A_329 = arith.constant 0 : i32
      %dma_start3A_330 = tpu.memref_slice %arg10[%add3A_328, %dma_start3A_329] : memref<80x128xi32, #tpu.memory_space<vmem>> -> memref<1x128xi32, #tpu.memory_space<vmem>>
      %dma_start3A_331 = tpu.memref_squeeze %dma_start3A_330 : memref<1x128xi32, #tpu.memory_space<vmem>> -> memref<128xi32, #tpu.memory_space<vmem>>
      %dma_start3A_332 = arith.constant 0 : i32
      %dma_start3A_333 = arith.constant 0 : i32
      %dma_start3A_334 = tpu.memref_slice %arg2[%dma_start3A_332, %dma_start3A_333] : memref<10240x128xbf16, #tpu.memory_space<hbm>> -> memref<10240x128xbf16, #tpu.memory_space<hbm>>
      tpu.enqueue_indirect_dma source(%dma_start3A_334 : memref<10240x128xbf16, #tpu.memory_space<hbm>>) target(%arg12 : memref<128x128xbf16, #tpu.memory_space<vmem>>) offsets(%dma_start3A_331 : memref<128xi32, #tpu.memory_space<vmem>>) semaphore(%arg17 : memref<!tpu.dma_semaphore, #tpu.memory_space<semaphore_mem>>)
      %add3A_335 = arith.constant 2 : i32
      %add3A_336 = arith.addi %mul3A_288, %add3A_335 : i32
      %dma_wait3A_337 = arith.constant 0 : i32
      %dma_wait3A_338 = arith.constant 0 : i32
      %dma_wait3A_339 = tpu.memref_slice %arg10[%dma_wait3A_337, %dma_wait3A_338] : memref<80x128xi32, #tpu.memory_space<vmem>> -> memref<1x128xi32, #tpu.memory_space<vmem>>
      %dma_wait3A_340 = tpu.memref_squeeze %dma_wait3A_339 : memref<1x128xi32, #tpu.memory_space<vmem>> -> memref<128xi32, #tpu.memory_space<vmem>>
      %dma_wait3A_341 = arith.constant 0 : i32
      %dma_wait3A_342 = arith.constant 0 : i32
      %dma_wait3A_343 = tpu.memref_slice %arg2[%dma_wait3A_341, %dma_wait3A_342] : memref<10240x128xbf16, #tpu.memory_space<hbm>> -> memref<10240x128xbf16, #tpu.memory_space<hbm>>
      tpu.wait_indirect_dma semaphore(%arg19 : memref<!tpu.dma_semaphore, #tpu.memory_space<semaphore_mem>>) src(%dma_wait3A_343 : memref<10240x128xbf16, #tpu.memory_space<hbm>>) dst(%arg14 : memref<128x128xbf16, #tpu.memory_space<vmem>>)
      %dma_start3A_344 = arith.constant 0 : i32
      %dma_start3A_345 = tpu.memref_slice %arg11[%add3A_336, %dma_start3A_344] : memref<80x128xi32, #tpu.memory_space<vmem>> -> memref<1x128xi32, #tpu.memory_space<vmem>>
      %dma_start3A_346 = tpu.memref_squeeze %dma_start3A_345 : memref<1x128xi32, #tpu.memory_space<vmem>> -> memref<128xi32, #tpu.memory_space<vmem>>
      %dma_start3A_347 = arith.constant 0 : i32
      %dma_start3A_348 = arith.constant 0 : i32
      %dma_start3A_349 = tpu.memref_slice %arg16[%dma_start3A_347, %dma_start3A_348] : memref<10240x128xbf16, #tpu.memory_space<vmem_shared>> -> memref<10240x128xbf16, #tpu.memory_space<vmem_shared>>
      tpu.enqueue_indirect_dma source(%arg14 : memref<128x128xbf16, #tpu.memory_space<vmem>>) target(%dma_start3A_349 : memref<10240x128xbf16, #tpu.memory_space<vmem_shared>>) offsets(%dma_start3A_346 : memref<128xi32, #tpu.memory_space<vmem>>) semaphore(%arg23 : memref<!tpu.dma_semaphore, #tpu.memory_space<semaphore_mem>>) {add = true}
      "tpu.region"() ({
        %run_scoped3A_413 = tpu.sem_alloc : memref<!tpu.dma_semaphore, #tpu.memory_space<semaphore_mem>>
        %dma_start3A_414 = arith.constant 0 : i32
        %dma_start3A_415 = tpu.memref_slice %arg11[%add3A_336, %dma_start3A_414] : memref<80x128xi32, #tpu.memory_space<vmem>> -> memref<1x128xi32, #tpu.memory_space<vmem>>
        %dma_start3A_416 = tpu.memref_squeeze %dma_start3A_415 : memref<1x128xi32, #tpu.memory_space<vmem>> -> memref<128xi32, #tpu.memory_space<vmem>>
        %dma_start3A_417 = arith.constant 0 : i32
        %dma_start3A_418 = arith.constant 0 : i32
        %dma_start3A_419 = tpu.memref_slice %arg26[%dma_start3A_417, %dma_start3A_418] : memref<10240x8xf32, #tpu.memory_space<vmem_shared>> -> memref<10240x8xf32, #tpu.memory_space<vmem_shared>>
        tpu.enqueue_indirect_dma source(%arg25 : memref<128x8xf32, #tpu.memory_space<vmem>>) target(%dma_start3A_419 : memref<10240x8xf32, #tpu.memory_space<vmem_shared>>) offsets(%dma_start3A_416 : memref<128xi32, #tpu.memory_space<vmem>>) semaphore(%run_scoped3A_413 : memref<!tpu.dma_semaphore, #tpu.memory_space<semaphore_mem>>) {add = true}
        %dma_wait3A_420 = arith.constant 0 : i32
        %dma_wait3A_421 = tpu.memref_slice %arg11[%add3A_336, %dma_wait3A_420] : memref<80x128xi32, #tpu.memory_space<vmem>> -> memref<1x128xi32, #tpu.memory_space<vmem>>
        %dma_wait3A_422 = tpu.memref_squeeze %dma_wait3A_421 : memref<1x128xi32, #tpu.memory_space<vmem>> -> memref<128xi32, #tpu.memory_space<vmem>>
        %dma_wait3A_423 = arith.constant 0 : i32
        %dma_wait3A_424 = arith.constant 0 : i32
        %dma_wait3A_425 = tpu.memref_slice %arg26[%dma_wait3A_423, %dma_wait3A_424] : memref<10240x8xf32, #tpu.memory_space<vmem_shared>> -> memref<10240x8xf32, #tpu.memory_space<vmem_shared>>
        tpu.wait_indirect_dma semaphore(%run_scoped3A_413 : memref<!tpu.dma_semaphore, #tpu.memory_space<semaphore_mem>>) src(%arg25 : memref<128x8xf32, #tpu.memory_space<vmem>>) dst(%dma_wait3A_425 : memref<10240x8xf32, #tpu.memory_space<vmem_shared>>)
        tpu.yield
      }) : () -> ()
      %dma_wait3A_350 = arith.constant 0 : i32
      %dma_wait3A_351 = tpu.memref_slice %arg11[%add3A_305, %dma_wait3A_350] : memref<80x128xi32, #tpu.memory_space<vmem>> -> memref<1x128xi32, #tpu.memory_space<vmem>>
      %dma_wait3A_352 = tpu.memref_squeeze %dma_wait3A_351 : memref<1x128xi32, #tpu.memory_space<vmem>> -> memref<128xi32, #tpu.memory_space<vmem>>
      %dma_wait3A_353 = arith.constant 0 : i32
      %dma_wait3A_354 = arith.constant 0 : i32
      %dma_wait3A_355 = tpu.memref_slice %arg16[%dma_wait3A_353, %dma_wait3A_354] : memref<10240x128xbf16, #tpu.memory_space<vmem_shared>> -> memref<10240x128xbf16, #tpu.memory_space<vmem_shared>>
      tpu.wait_indirect_dma semaphore(%arg22 : memref<!tpu.dma_semaphore, #tpu.memory_space<semaphore_mem>>) src(%arg13 : memref<128x128xbf16, #tpu.memory_space<vmem>>) dst(%dma_wait3A_355 : memref<10240x128xbf16, #tpu.memory_space<vmem_shared>>)
      %add3A_356 = arith.constant 4 : i32
      %add3A_357 = arith.addi %mul3A_288, %add3A_356 : i32
      %add3A_358 = arith.constant 1 : i32
      %add3A_359 = arith.addi %add3A_357, %add3A_358 : i32
      %dma_start3A_360 = arith.constant 0 : i32
      %dma_start3A_361 = tpu.memref_slice %arg10[%add3A_359, %dma_start3A_360] : memref<80x128xi32, #tpu.memory_space<vmem>> -> memref<1x128xi32, #tpu.memory_space<vmem>>
      %dma_start3A_362 = tpu.memref_squeeze %dma_start3A_361 : memref<1x128xi32, #tpu.memory_space<vmem>> -> memref<128xi32, #tpu.memory_space<vmem>>
      %dma_start3A_363 = arith.constant 0 : i32
      %dma_start3A_364 = arith.constant 0 : i32
      %dma_start3A_365 = tpu.memref_slice %arg2[%dma_start3A_363, %dma_start3A_364] : memref<10240x128xbf16, #tpu.memory_space<hbm>> -> memref<10240x128xbf16, #tpu.memory_space<hbm>>
      tpu.enqueue_indirect_dma source(%dma_start3A_365 : memref<10240x128xbf16, #tpu.memory_space<hbm>>) target(%arg13 : memref<128x128xbf16, #tpu.memory_space<vmem>>) offsets(%dma_start3A_362 : memref<128xi32, #tpu.memory_space<vmem>>) semaphore(%arg18 : memref<!tpu.dma_semaphore, #tpu.memory_space<semaphore_mem>>)
      %add3A_366 = arith.constant 3 : i32
      %add3A_367 = arith.addi %mul3A_288, %add3A_366 : i32
      %dma_wait3A_368 = arith.constant 0 : i32
      %dma_wait3A_369 = arith.constant 0 : i32
      %dma_wait3A_370 = tpu.memref_slice %arg10[%dma_wait3A_368, %dma_wait3A_369] : memref<80x128xi32, #tpu.memory_space<vmem>> -> memref<1x128xi32, #tpu.memory_space<vmem>>
      %dma_wait3A_371 = tpu.memref_squeeze %dma_wait3A_370 : memref<1x128xi32, #tpu.memory_space<vmem>> -> memref<128xi32, #tpu.memory_space<vmem>>
      %dma_wait3A_372 = arith.constant 0 : i32
      %dma_wait3A_373 = arith.constant 0 : i32
      %dma_wait3A_374 = tpu.memref_slice %arg2[%dma_wait3A_372, %dma_wait3A_373] : memref<10240x128xbf16, #tpu.memory_space<hbm>> -> memref<10240x128xbf16, #tpu.memory_space<hbm>>
      tpu.wait_indirect_dma semaphore(%arg20 : memref<!tpu.dma_semaphore, #tpu.memory_space<semaphore_mem>>) src(%dma_wait3A_374 : memref<10240x128xbf16, #tpu.memory_space<hbm>>) dst(%arg15 : memref<128x128xbf16, #tpu.memory_space<vmem>>)
      %dma_start3A_375 = arith.constant 0 : i32
      %dma_start3A_376 = tpu.memref_slice %arg11[%add3A_367, %dma_start3A_375] : memref<80x128xi32, #tpu.memory_space<vmem>> -> memref<1x128xi32, #tpu.memory_space<vmem>>
      %dma_start3A_377 = tpu.memref_squeeze %dma_start3A_376 : memref<1x128xi32, #tpu.memory_space<vmem>> -> memref<128xi32, #tpu.memory_space<vmem>>
      %dma_start3A_378 = arith.constant 0 : i32
      %dma_start3A_379 = arith.constant 0 : i32
      %dma_start3A_380 = tpu.memref_slice %arg16[%dma_start3A_378, %dma_start3A_379] : memref<10240x128xbf16, #tpu.memory_space<vmem_shared>> -> memref<10240x128xbf16, #tpu.memory_space<vmem_shared>>
      tpu.enqueue_indirect_dma source(%arg15 : memref<128x128xbf16, #tpu.memory_space<vmem>>) target(%dma_start3A_380 : memref<10240x128xbf16, #tpu.memory_space<vmem_shared>>) offsets(%dma_start3A_377 : memref<128xi32, #tpu.memory_space<vmem>>) semaphore(%arg24 : memref<!tpu.dma_semaphore, #tpu.memory_space<semaphore_mem>>) {add = true}
      "tpu.region"() ({
        %run_scoped3A_413 = tpu.sem_alloc : memref<!tpu.dma_semaphore, #tpu.memory_space<semaphore_mem>>
        %dma_start3A_414 = arith.constant 0 : i32
        %dma_start3A_415 = tpu.memref_slice %arg11[%add3A_367, %dma_start3A_414] : memref<80x128xi32, #tpu.memory_space<vmem>> -> memref<1x128xi32, #tpu.memory_space<vmem>>
        %dma_start3A_416 = tpu.memref_squeeze %dma_start3A_415 : memref<1x128xi32, #tpu.memory_space<vmem>> -> memref<128xi32, #tpu.memory_space<vmem>>
        %dma_start3A_417 = arith.constant 0 : i32
        %dma_start3A_418 = arith.constant 0 : i32
        %dma_start3A_419 = tpu.memref_slice %arg26[%dma_start3A_417, %dma_start3A_418] : memref<10240x8xf32, #tpu.memory_space<vmem_shared>> -> memref<10240x8xf32, #tpu.memory_space<vmem_shared>>
        tpu.enqueue_indirect_dma source(%arg25 : memref<128x8xf32, #tpu.memory_space<vmem>>) target(%dma_start3A_419 : memref<10240x8xf32, #tpu.memory_space<vmem_shared>>) offsets(%dma_start3A_416 : memref<128xi32, #tpu.memory_space<vmem>>) semaphore(%run_scoped3A_413 : memref<!tpu.dma_semaphore, #tpu.memory_space<semaphore_mem>>) {add = true}
        %dma_wait3A_420 = arith.constant 0 : i32
        %dma_wait3A_421 = tpu.memref_slice %arg11[%add3A_367, %dma_wait3A_420] : memref<80x128xi32, #tpu.memory_space<vmem>> -> memref<1x128xi32, #tpu.memory_space<vmem>>
        %dma_wait3A_422 = tpu.memref_squeeze %dma_wait3A_421 : memref<1x128xi32, #tpu.memory_space<vmem>> -> memref<128xi32, #tpu.memory_space<vmem>>
        %dma_wait3A_423 = arith.constant 0 : i32
        %dma_wait3A_424 = arith.constant 0 : i32
        %dma_wait3A_425 = tpu.memref_slice %arg26[%dma_wait3A_423, %dma_wait3A_424] : memref<10240x8xf32, #tpu.memory_space<vmem_shared>> -> memref<10240x8xf32, #tpu.memory_space<vmem_shared>>
        tpu.wait_indirect_dma semaphore(%run_scoped3A_413 : memref<!tpu.dma_semaphore, #tpu.memory_space<semaphore_mem>>) src(%arg25 : memref<128x8xf32, #tpu.memory_space<vmem>>) dst(%dma_wait3A_425 : memref<10240x8xf32, #tpu.memory_space<vmem_shared>>)
        tpu.yield
      }) : () -> ()
      %dma_wait3A_381 = arith.constant 0 : i32
      %dma_wait3A_382 = tpu.memref_slice %arg11[%add3A_336, %dma_wait3A_381] : memref<80x128xi32, #tpu.memory_space<vmem>> -> memref<1x128xi32, #tpu.memory_space<vmem>>
      %dma_wait3A_383 = tpu.memref_squeeze %dma_wait3A_382 : memref<1x128xi32, #tpu.memory_space<vmem>> -> memref<128xi32, #tpu.memory_space<vmem>>
      %dma_wait3A_384 = arith.constant 0 : i32
      %dma_wait3A_385 = arith.constant 0 : i32
      %dma_wait3A_386 = tpu.memref_slice %arg16[%dma_wait3A_384, %dma_wait3A_385] : memref<10240x128xbf16, #tpu.memory_space<vmem_shared>> -> memref<10240x128xbf16, #tpu.memory_space<vmem_shared>>
      tpu.wait_indirect_dma semaphore(%arg23 : memref<!tpu.dma_semaphore, #tpu.memory_space<semaphore_mem>>) src(%arg14 : memref<128x128xbf16, #tpu.memory_space<vmem>>) dst(%dma_wait3A_386 : memref<10240x128xbf16, #tpu.memory_space<vmem_shared>>)
      %add3A_387 = arith.constant 4 : i32
      %add3A_388 = arith.addi %mul3A_288, %add3A_387 : i32
      %add3A_389 = arith.constant 2 : i32
      %add3A_390 = arith.addi %add3A_388, %add3A_389 : i32
      %dma_start3A_391 = arith.constant 0 : i32
      %dma_start3A_392 = tpu.memref_slice %arg10[%add3A_390, %dma_start3A_391] : memref<80x128xi32, #tpu.memory_space<vmem>> -> memref<1x128xi32, #tpu.memory_space<vmem>>
      %dma_start3A_393 = tpu.memref_squeeze %dma_start3A_392 : memref<1x128xi32, #tpu.memory_space<vmem>> -> memref<128xi32, #tpu.memory_space<vmem>>
      %dma_start3A_394 = arith.constant 0 : i32
      %dma_start3A_395 = arith.constant 0 : i32
      %dma_start3A_396 = tpu.memref_slice %arg2[%dma_start3A_394, %dma_start3A_395] : memref<10240x128xbf16, #tpu.memory_space<hbm>> -> memref<10240x128xbf16, #tpu.memory_space<hbm>>
      tpu.enqueue_indirect_dma source(%dma_start3A_396 : memref<10240x128xbf16, #tpu.memory_space<hbm>>) target(%arg14 : memref<128x128xbf16, #tpu.memory_space<vmem>>) offsets(%dma_start3A_393 : memref<128xi32, #tpu.memory_space<vmem>>) semaphore(%arg19 : memref<!tpu.dma_semaphore, #tpu.memory_space<semaphore_mem>>)
      %dma_wait3A_397 = arith.constant 0 : i32
      %dma_wait3A_398 = tpu.memref_slice %arg11[%add3A_367, %dma_wait3A_397] : memref<80x128xi32, #tpu.memory_space<vmem>> -> memref<1x128xi32, #tpu.memory_space<vmem>>
      %dma_wait3A_399 = tpu.memref_squeeze %dma_wait3A_398 : memref<1x128xi32, #tpu.memory_space<vmem>> -> memref<128xi32, #tpu.memory_space<vmem>>
      %dma_wait3A_400 = arith.constant 0 : i32
      %dma_wait3A_401 = arith.constant 0 : i32
      %dma_wait3A_402 = tpu.memref_slice %arg16[%dma_wait3A_400, %dma_wait3A_401] : memref<10240x128xbf16, #tpu.memory_space<vmem_shared>> -> memref<10240x128xbf16, #tpu.memory_space<vmem_shared>>
      tpu.wait_indirect_dma semaphore(%arg24 : memref<!tpu.dma_semaphore, #tpu.memory_space<semaphore_mem>>) src(%arg15 : memref<128x128xbf16, #tpu.memory_space<vmem>>) dst(%dma_wait3A_402 : memref<10240x128xbf16, #tpu.memory_space<vmem_shared>>)
      %add3A_403 = arith.constant 4 : i32
      %add3A_404 = arith.addi %mul3A_288, %add3A_403 : i32
      %add3A_405 = arith.constant 3 : i32
      %add3A_406 = arith.addi %add3A_404, %add3A_405 : i32
      %dma_start3A_407 = arith.constant 0 : i32
      %dma_start3A_408 = tpu.memref_slice %arg10[%add3A_406, %dma_start3A_407] : memref<80x128xi32, #tpu.memory_space<vmem>> -> memref<1x128xi32, #tpu.memory_space<vmem>>
      %dma_start3A_409 = tpu.memref_squeeze %dma_start3A_408 : memref<1x128xi32, #tpu.memory_space<vmem>> -> memref<128xi32, #tpu.memory_space<vmem>>
      %dma_start3A_410 = arith.constant 0 : i32
      %dma_start3A_411 = arith.constant 0 : i32
      %dma_start3A_412 = tpu.memref_slice %arg2[%dma_start3A_410, %dma_start3A_411] : memref<10240x128xbf16, #tpu.memory_space<hbm>> -> memref<10240x128xbf16, #tpu.memory_space<hbm>>
      tpu.enqueue_indirect_dma source(%dma_start3A_412 : memref<10240x128xbf16, #tpu.memory_space<hbm>>) target(%arg15 : memref<128x128xbf16, #tpu.memory_space<vmem>>) offsets(%dma_start3A_409 : memref<128xi32, #tpu.memory_space<vmem>>) semaphore(%arg20 : memref<!tpu.dma_semaphore, #tpu.memory_space<semaphore_mem>>)
    }
    %scan3A_127 = arith.constant 19 : i32
    %dma_wait3A_128 = arith.constant 0 : i32
    %dma_wait3A_129 = arith.constant 0 : i32
    %dma_wait3A_130 = tpu.memref_slice %arg10[%dma_wait3A_128, %dma_wait3A_129] : memref<80x128xi32, #tpu.memory_space<vmem>> -> memref<1x128xi32, #tpu.memory_space<vmem>>
    %dma_wait3A_131 = tpu.memref_squeeze %dma_wait3A_130 : memref<1x128xi32, #tpu.memory_space<vmem>> -> memref<128xi32, #tpu.memory_space<vmem>>
    %dma_wait3A_132 = arith.constant 0 : i32
    %dma_wait3A_133 = arith.constant 0 : i32
    %dma_wait3A_134 = tpu.memref_slice %arg2[%dma_wait3A_132, %dma_wait3A_133] : memref<10240x128xbf16, #tpu.memory_space<hbm>> -> memref<10240x128xbf16, #tpu.memory_space<hbm>>
    tpu.wait_indirect_dma semaphore(%arg17 : memref<!tpu.dma_semaphore, #tpu.memory_space<semaphore_mem>>) src(%dma_wait3A_134 : memref<10240x128xbf16, #tpu.memory_space<hbm>>) dst(%arg12 : memref<128x128xbf16, #tpu.memory_space<vmem>>)
    %dma_start3A_135 = arith.constant 76 : i32
    %dma_start3A_136 = arith.constant 0 : i32
    %dma_start3A_137 = tpu.memref_slice %arg11[%dma_start3A_135, %dma_start3A_136] : memref<80x128xi32, #tpu.memory_space<vmem>> -> memref<1x128xi32, #tpu.memory_space<vmem>>
    %dma_start3A_138 = tpu.memref_squeeze %dma_start3A_137 : memref<1x128xi32, #tpu.memory_space<vmem>> -> memref<128xi32, #tpu.memory_space<vmem>>
    %dma_start3A_139 = arith.constant 0 : i32
    %dma_start3A_140 = arith.constant 0 : i32
    %dma_start3A_141 = tpu.memref_slice %arg16[%dma_start3A_139, %dma_start3A_140] : memref<10240x128xbf16, #tpu.memory_space<vmem_shared>> -> memref<10240x128xbf16, #tpu.memory_space<vmem_shared>>
    tpu.enqueue_indirect_dma source(%arg12 : memref<128x128xbf16, #tpu.memory_space<vmem>>) target(%dma_start3A_141 : memref<10240x128xbf16, #tpu.memory_space<vmem_shared>>) offsets(%dma_start3A_138 : memref<128xi32, #tpu.memory_space<vmem>>) semaphore(%arg21 : memref<!tpu.dma_semaphore, #tpu.memory_space<semaphore_mem>>) {add = true}
    %run_scoped3A = arith.constant 76 : i32
    "tpu.region"() ({
      %run_scoped3A_286 = tpu.sem_alloc : memref<!tpu.dma_semaphore, #tpu.memory_space<semaphore_mem>>
      %dma_start3A_287 = arith.constant 0 : i32
      %dma_start3A_288 = tpu.memref_slice %arg11[%run_scoped3A, %dma_start3A_287] : memref<80x128xi32, #tpu.memory_space<vmem>> -> memref<1x128xi32, #tpu.memory_space<vmem>>
      %dma_start3A_289 = tpu.memref_squeeze %dma_start3A_288 : memref<1x128xi32, #tpu.memory_space<vmem>> -> memref<128xi32, #tpu.memory_space<vmem>>
      %dma_start3A_290 = arith.constant 0 : i32
      %dma_start3A_291 = arith.constant 0 : i32
      %dma_start3A_292 = tpu.memref_slice %arg26[%dma_start3A_290, %dma_start3A_291] : memref<10240x8xf32, #tpu.memory_space<vmem_shared>> -> memref<10240x8xf32, #tpu.memory_space<vmem_shared>>
      tpu.enqueue_indirect_dma source(%arg25 : memref<128x8xf32, #tpu.memory_space<vmem>>) target(%dma_start3A_292 : memref<10240x8xf32, #tpu.memory_space<vmem_shared>>) offsets(%dma_start3A_289 : memref<128xi32, #tpu.memory_space<vmem>>) semaphore(%run_scoped3A_286 : memref<!tpu.dma_semaphore, #tpu.memory_space<semaphore_mem>>) {add = true}
      %dma_wait3A_293 = arith.constant 0 : i32
      %dma_wait3A_294 = tpu.memref_slice %arg11[%run_scoped3A, %dma_wait3A_293] : memref<80x128xi32, #tpu.memory_space<vmem>> -> memref<1x128xi32, #tpu.memory_space<vmem>>
      %dma_wait3A_295 = tpu.memref_squeeze %dma_wait3A_294 : memref<1x128xi32, #tpu.memory_space<vmem>> -> memref<128xi32, #tpu.memory_space<vmem>>
      %dma_wait3A_296 = arith.constant 0 : i32
      %dma_wait3A_297 = arith.constant 0 : i32
      %dma_wait3A_298 = tpu.memref_slice %arg26[%dma_wait3A_296, %dma_wait3A_297] : memref<10240x8xf32, #tpu.memory_space<vmem_shared>> -> memref<10240x8xf32, #tpu.memory_space<vmem_shared>>
      tpu.wait_indirect_dma semaphore(%run_scoped3A_286 : memref<!tpu.dma_semaphore, #tpu.memory_space<semaphore_mem>>) src(%arg25 : memref<128x8xf32, #tpu.memory_space<vmem>>) dst(%dma_wait3A_298 : memref<10240x8xf32, #tpu.memory_space<vmem_shared>>)
      tpu.yield
    }) : () -> ()
    %dma_wait3A_142 = arith.constant 0 : i32
    %dma_wait3A_143 = arith.constant 0 : i32
    %dma_wait3A_144 = tpu.memref_slice %arg10[%dma_wait3A_142, %dma_wait3A_143] : memref<80x128xi32, #tpu.memory_space<vmem>> -> memref<1x128xi32, #tpu.memory_space<vmem>>
    %dma_wait3A_145 = tpu.memref_squeeze %dma_wait3A_144 : memref<1x128xi32, #tpu.memory_space<vmem>> -> memref<128xi32, #tpu.memory_space<vmem>>
    %dma_wait3A_146 = arith.constant 0 : i32
    %dma_wait3A_147 = arith.constant 0 : i32
    %dma_wait3A_148 = tpu.memref_slice %arg2[%dma_wait3A_146, %dma_wait3A_147] : memref<10240x128xbf16, #tpu.memory_space<hbm>> -> memref<10240x128xbf16, #tpu.memory_space<hbm>>
    tpu.wait_indirect_dma semaphore(%arg18 : memref<!tpu.dma_semaphore, #tpu.memory_space<semaphore_mem>>) src(%dma_wait3A_148 : memref<10240x128xbf16, #tpu.memory_space<hbm>>) dst(%arg13 : memref<128x128xbf16, #tpu.memory_space<vmem>>)
    %dma_start3A_149 = arith.constant 77 : i32
    %dma_start3A_150 = arith.constant 0 : i32
    %dma_start3A_151 = tpu.memref_slice %arg11[%dma_start3A_149, %dma_start3A_150] : memref<80x128xi32, #tpu.memory_space<vmem>> -> memref<1x128xi32, #tpu.memory_space<vmem>>
    %dma_start3A_152 = tpu.memref_squeeze %dma_start3A_151 : memref<1x128xi32, #tpu.memory_space<vmem>> -> memref<128xi32, #tpu.memory_space<vmem>>
    %dma_start3A_153 = arith.constant 0 : i32
    %dma_start3A_154 = arith.constant 0 : i32
    %dma_start3A_155 = tpu.memref_slice %arg16[%dma_start3A_153, %dma_start3A_154] : memref<10240x128xbf16, #tpu.memory_space<vmem_shared>> -> memref<10240x128xbf16, #tpu.memory_space<vmem_shared>>
    tpu.enqueue_indirect_dma source(%arg13 : memref<128x128xbf16, #tpu.memory_space<vmem>>) target(%dma_start3A_155 : memref<10240x128xbf16, #tpu.memory_space<vmem_shared>>) offsets(%dma_start3A_152 : memref<128xi32, #tpu.memory_space<vmem>>) semaphore(%arg22 : memref<!tpu.dma_semaphore, #tpu.memory_space<semaphore_mem>>) {add = true}
    %run_scoped3A_156 = arith.constant 77 : i32
    "tpu.region"() ({
      %run_scoped3A_286 = tpu.sem_alloc : memref<!tpu.dma_semaphore, #tpu.memory_space<semaphore_mem>>
      %dma_start3A_287 = arith.constant 0 : i32
      %dma_start3A_288 = tpu.memref_slice %arg11[%run_scoped3A_156, %dma_start3A_287] : memref<80x128xi32, #tpu.memory_space<vmem>> -> memref<1x128xi32, #tpu.memory_space<vmem>>
      %dma_start3A_289 = tpu.memref_squeeze %dma_start3A_288 : memref<1x128xi32, #tpu.memory_space<vmem>> -> memref<128xi32, #tpu.memory_space<vmem>>
      %dma_start3A_290 = arith.constant 0 : i32
      %dma_start3A_291 = arith.constant 0 : i32
      %dma_start3A_292 = tpu.memref_slice %arg26[%dma_start3A_290, %dma_start3A_291] : memref<10240x8xf32, #tpu.memory_space<vmem_shared>> -> memref<10240x8xf32, #tpu.memory_space<vmem_shared>>
      tpu.enqueue_indirect_dma source(%arg25 : memref<128x8xf32, #tpu.memory_space<vmem>>) target(%dma_start3A_292 : memref<10240x8xf32, #tpu.memory_space<vmem_shared>>) offsets(%dma_start3A_289 : memref<128xi32, #tpu.memory_space<vmem>>) semaphore(%run_scoped3A_286 : memref<!tpu.dma_semaphore, #tpu.memory_space<semaphore_mem>>) {add = true}
      %dma_wait3A_293 = arith.constant 0 : i32
      %dma_wait3A_294 = tpu.memref_slice %arg11[%run_scoped3A_156, %dma_wait3A_293] : memref<80x128xi32, #tpu.memory_space<vmem>> -> memref<1x128xi32, #tpu.memory_space<vmem>>
      %dma_wait3A_295 = tpu.memref_squeeze %dma_wait3A_294 : memref<1x128xi32, #tpu.memory_space<vmem>> -> memref<128xi32, #tpu.memory_space<vmem>>
      %dma_wait3A_296 = arith.constant 0 : i32
      %dma_wait3A_297 = arith.constant 0 : i32
      %dma_wait3A_298 = tpu.memref_slice %arg26[%dma_wait3A_296, %dma_wait3A_297] : memref<10240x8xf32, #tpu.memory_space<vmem_shared>> -> memref<10240x8xf32, #tpu.memory_space<vmem_shared>>
      tpu.wait_indirect_dma semaphore(%run_scoped3A_286 : memref<!tpu.dma_semaphore, #tpu.memory_space<semaphore_mem>>) src(%arg25 : memref<128x8xf32, #tpu.memory_space<vmem>>) dst(%dma_wait3A_298 : memref<10240x8xf32, #tpu.memory_space<vmem_shared>>)
      tpu.yield
    }) : () -> ()
    %dma_wait3A_157 = arith.constant 0 : i32
    %dma_wait3A_158 = arith.constant 0 : i32
    %dma_wait3A_159 = tpu.memref_slice %arg10[%dma_wait3A_157, %dma_wait3A_158] : memref<80x128xi32, #tpu.memory_space<vmem>> -> memref<1x128xi32, #tpu.memory_space<vmem>>
    %dma_wait3A_160 = tpu.memref_squeeze %dma_wait3A_159 : memref<1x128xi32, #tpu.memory_space<vmem>> -> memref<128xi32, #tpu.memory_space<vmem>>
    %dma_wait3A_161 = arith.constant 0 : i32
    %dma_wait3A_162 = arith.constant 0 : i32
    %dma_wait3A_163 = tpu.memref_slice %arg2[%dma_wait3A_161, %dma_wait3A_162] : memref<10240x128xbf16, #tpu.memory_space<hbm>> -> memref<10240x128xbf16, #tpu.memory_space<hbm>>
    tpu.wait_indirect_dma semaphore(%arg19 : memref<!tpu.dma_semaphore, #tpu.memory_space<semaphore_mem>>) src(%dma_wait3A_163 : memref<10240x128xbf16, #tpu.memory_space<hbm>>) dst(%arg14 : memref<128x128xbf16, #tpu.memory_space<vmem>>)
    %dma_start3A_164 = arith.constant 78 : i32
    %dma_start3A_165 = arith.constant 0 : i32
    %dma_start3A_166 = tpu.memref_slice %arg11[%dma_start3A_164, %dma_start3A_165] : memref<80x128xi32, #tpu.memory_space<vmem>> -> memref<1x128xi32, #tpu.memory_space<vmem>>
    %dma_start3A_167 = tpu.memref_squeeze %dma_start3A_166 : memref<1x128xi32, #tpu.memory_space<vmem>> -> memref<128xi32, #tpu.memory_space<vmem>>
    %dma_start3A_168 = arith.constant 0 : i32
    %dma_start3A_169 = arith.constant 0 : i32
    %dma_start3A_170 = tpu.memref_slice %arg16[%dma_start3A_168, %dma_start3A_169] : memref<10240x128xbf16, #tpu.memory_space<vmem_shared>> -> memref<10240x128xbf16, #tpu.memory_space<vmem_shared>>
    tpu.enqueue_indirect_dma source(%arg14 : memref<128x128xbf16, #tpu.memory_space<vmem>>) target(%dma_start3A_170 : memref<10240x128xbf16, #tpu.memory_space<vmem_shared>>) offsets(%dma_start3A_167 : memref<128xi32, #tpu.memory_space<vmem>>) semaphore(%arg23 : memref<!tpu.dma_semaphore, #tpu.memory_space<semaphore_mem>>) {add = true}
    %run_scoped3A_171 = arith.constant 78 : i32
    "tpu.region"() ({
      %run_scoped3A_286 = tpu.sem_alloc : memref<!tpu.dma_semaphore, #tpu.memory_space<semaphore_mem>>
      %dma_start3A_287 = arith.constant 0 : i32
      %dma_start3A_288 = tpu.memref_slice %arg11[%run_scoped3A_171, %dma_start3A_287] : memref<80x128xi32, #tpu.memory_space<vmem>> -> memref<1x128xi32, #tpu.memory_space<vmem>>
      %dma_start3A_289 = tpu.memref_squeeze %dma_start3A_288 : memref<1x128xi32, #tpu.memory_space<vmem>> -> memref<128xi32, #tpu.memory_space<vmem>>
      %dma_start3A_290 = arith.constant 0 : i32
      %dma_start3A_291 = arith.constant 0 : i32
      %dma_start3A_292 = tpu.memref_slice %arg26[%dma_start3A_290, %dma_start3A_291] : memref<10240x8xf32, #tpu.memory_space<vmem_shared>> -> memref<10240x8xf32, #tpu.memory_space<vmem_shared>>
      tpu.enqueue_indirect_dma source(%arg25 : memref<128x8xf32, #tpu.memory_space<vmem>>) target(%dma_start3A_292 : memref<10240x8xf32, #tpu.memory_space<vmem_shared>>) offsets(%dma_start3A_289 : memref<128xi32, #tpu.memory_space<vmem>>) semaphore(%run_scoped3A_286 : memref<!tpu.dma_semaphore, #tpu.memory_space<semaphore_mem>>) {add = true}
      %dma_wait3A_293 = arith.constant 0 : i32
      %dma_wait3A_294 = tpu.memref_slice %arg11[%run_scoped3A_171, %dma_wait3A_293] : memref<80x128xi32, #tpu.memory_space<vmem>> -> memref<1x128xi32, #tpu.memory_space<vmem>>
      %dma_wait3A_295 = tpu.memref_squeeze %dma_wait3A_294 : memref<1x128xi32, #tpu.memory_space<vmem>> -> memref<128xi32, #tpu.memory_space<vmem>>
      %dma_wait3A_296 = arith.constant 0 : i32
      %dma_wait3A_297 = arith.constant 0 : i32
      %dma_wait3A_298 = tpu.memref_slice %arg26[%dma_wait3A_296, %dma_wait3A_297] : memref<10240x8xf32, #tpu.memory_space<vmem_shared>> -> memref<10240x8xf32, #tpu.memory_space<vmem_shared>>
      tpu.wait_indirect_dma semaphore(%run_scoped3A_286 : memref<!tpu.dma_semaphore, #tpu.memory_space<semaphore_mem>>) src(%arg25 : memref<128x8xf32, #tpu.memory_space<vmem>>) dst(%dma_wait3A_298 : memref<10240x8xf32, #tpu.memory_space<vmem_shared>>)
      tpu.yield
    }) : () -> ()
    %dma_wait3A_172 = arith.constant 0 : i32
    %dma_wait3A_173 = arith.constant 0 : i32
    %dma_wait3A_174 = tpu.memref_slice %arg10[%dma_wait3A_172, %dma_wait3A_173] : memref<80x128xi32, #tpu.memory_space<vmem>> -> memref<1x128xi32, #tpu.memory_space<vmem>>
    %dma_wait3A_175 = tpu.memref_squeeze %dma_wait3A_174 : memref<1x128xi32, #tpu.memory_space<vmem>> -> memref<128xi32, #tpu.memory_space<vmem>>
    %dma_wait3A_176 = arith.constant 0 : i32
    %dma_wait3A_177 = arith.constant 0 : i32
    %dma_wait3A_178 = tpu.memref_slice %arg2[%dma_wait3A_176, %dma_wait3A_177] : memref<10240x128xbf16, #tpu.memory_space<hbm>> -> memref<10240x128xbf16, #tpu.memory_space<hbm>>
    tpu.wait_indirect_dma semaphore(%arg20 : memref<!tpu.dma_semaphore, #tpu.memory_space<semaphore_mem>>) src(%dma_wait3A_178 : memref<10240x128xbf16, #tpu.memory_space<hbm>>) dst(%arg15 : memref<128x128xbf16, #tpu.memory_space<vmem>>)
    %dma_start3A_179 = arith.constant 79 : i32
    %dma_start3A_180 = arith.constant 0 : i32
    %dma_start3A_181 = tpu.memref_slice %arg11[%dma_start3A_179, %dma_start3A_180] : memref<80x128xi32, #tpu.memory_space<vmem>> -> memref<1x128xi32, #tpu.memory_space<vmem>>
    %dma_start3A_182 = tpu.memref_squeeze %dma_start3A_181 : memref<1x128xi32, #tpu.memory_space<vmem>> -> memref<128xi32, #tpu.memory_space<vmem>>
    %dma_start3A_183 = arith.constant 0 : i32
    %dma_start3A_184 = arith.constant 0 : i32
    %dma_start3A_185 = tpu.memref_slice %arg16[%dma_start3A_183, %dma_start3A_184] : memref<10240x128xbf16, #tpu.memory_space<vmem_shared>> -> memref<10240x128xbf16, #tpu.memory_space<vmem_shared>>
    tpu.enqueue_indirect_dma source(%arg15 : memref<128x128xbf16, #tpu.memory_space<vmem>>) target(%dma_start3A_185 : memref<10240x128xbf16, #tpu.memory_space<vmem_shared>>) offsets(%dma_start3A_182 : memref<128xi32, #tpu.memory_space<vmem>>) semaphore(%arg24 : memref<!tpu.dma_semaphore, #tpu.memory_space<semaphore_mem>>) {add = true}
    %run_scoped3A_186 = arith.constant 79 : i32
    "tpu.region"() ({
      %run_scoped3A_286 = tpu.sem_alloc : memref<!tpu.dma_semaphore, #tpu.memory_space<semaphore_mem>>
      %dma_start3A_287 = arith.constant 0 : i32
      %dma_start3A_288 = tpu.memref_slice %arg11[%run_scoped3A_186, %dma_start3A_287] : memref<80x128xi32, #tpu.memory_space<vmem>> -> memref<1x128xi32, #tpu.memory_space<vmem>>
      %dma_start3A_289 = tpu.memref_squeeze %dma_start3A_288 : memref<1x128xi32, #tpu.memory_space<vmem>> -> memref<128xi32, #tpu.memory_space<vmem>>
      %dma_start3A_290 = arith.constant 0 : i32
      %dma_start3A_291 = arith.constant 0 : i32
      %dma_start3A_292 = tpu.memref_slice %arg26[%dma_start3A_290, %dma_start3A_291] : memref<10240x8xf32, #tpu.memory_space<vmem_shared>> -> memref<10240x8xf32, #tpu.memory_space<vmem_shared>>
      tpu.enqueue_indirect_dma source(%arg25 : memref<128x8xf32, #tpu.memory_space<vmem>>) target(%dma_start3A_292 : memref<10240x8xf32, #tpu.memory_space<vmem_shared>>) offsets(%dma_start3A_289 : memref<128xi32, #tpu.memory_space<vmem>>) semaphore(%run_scoped3A_286 : memref<!tpu.dma_semaphore, #tpu.memory_space<semaphore_mem>>) {add = true}
      %dma_wait3A_293 = arith.constant 0 : i32
      %dma_wait3A_294 = tpu.memref_slice %arg11[%run_scoped3A_186, %dma_wait3A_293] : memref<80x128xi32, #tpu.memory_space<vmem>> -> memref<1x128xi32, #tpu.memory_space<vmem>>
      %dma_wait3A_295 = tpu.memref_squeeze %dma_wait3A_294 : memref<1x128xi32, #tpu.memory_space<vmem>> -> memref<128xi32, #tpu.memory_space<vmem>>
      %dma_wait3A_296 = arith.constant 0 : i32
      %dma_wait3A_297 = arith.constant 0 : i32
      %dma_wait3A_298 = tpu.memref_slice %arg26[%dma_wait3A_296, %dma_wait3A_297] : memref<10240x8xf32, #tpu.memory_space<vmem_shared>> -> memref<10240x8xf32, #tpu.memory_space<vmem_shared>>
      tpu.wait_indirect_dma semaphore(%run_scoped3A_286 : memref<!tpu.dma_semaphore, #tpu.memory_space<semaphore_mem>>) src(%arg25 : memref<128x8xf32, #tpu.memory_space<vmem>>) dst(%dma_wait3A_298 : memref<10240x8xf32, #tpu.memory_space<vmem_shared>>)
      tpu.yield
    }) : () -> ()
    %dma_wait3A_187 = arith.constant 76 : i32
    %dma_wait3A_188 = arith.constant 0 : i32
    %dma_wait3A_189 = tpu.memref_slice %arg11[%dma_wait3A_187, %dma_wait3A_188] : memref<80x128xi32, #tpu.memory_space<vmem>> -> memref<1x128xi32, #tpu.memory_space<vmem>>
    %dma_wait3A_190 = tpu.memref_squeeze %dma_wait3A_189 : memref<1x128xi32, #tpu.memory_space<vmem>> -> memref<128xi32, #tpu.memory_space<vmem>>
    %dma_wait3A_191 = arith.constant 0 : i32
    %dma_wait3A_192 = arith.constant 0 : i32
    %dma_wait3A_193 = tpu.memref_slice %arg16[%dma_wait3A_191, %dma_wait3A_192] : memref<10240x128xbf16, #tpu.memory_space<vmem_shared>> -> memref<10240x128xbf16, #tpu.memory_space<vmem_shared>>
    tpu.wait_indirect_dma semaphore(%arg21 : memref<!tpu.dma_semaphore, #tpu.memory_space<semaphore_mem>>) src(%arg12 : memref<128x128xbf16, #tpu.memory_space<vmem>>) dst(%dma_wait3A_193 : memref<10240x128xbf16, #tpu.memory_space<vmem_shared>>)
    %dma_wait3A_194 = arith.constant 77 : i32
    %dma_wait3A_195 = arith.constant 0 : i32
    %dma_wait3A_196 = tpu.memref_slice %arg11[%dma_wait3A_194, %dma_wait3A_195] : memref<80x128xi32, #tpu.memory_space<vmem>> -> memref<1x128xi32, #tpu.memory_space<vmem>>
    %dma_wait3A_197 = tpu.memref_squeeze %dma_wait3A_196 : memref<1x128xi32, #tpu.memory_space<vmem>> -> memref<128xi32, #tpu.memory_space<vmem>>
    %dma_wait3A_198 = arith.constant 0 : i32
    %dma_wait3A_199 = arith.constant 0 : i32
    %dma_wait3A_200 = tpu.memref_slice %arg16[%dma_wait3A_198, %dma_wait3A_199] : memref<10240x128xbf16, #tpu.memory_space<vmem_shared>> -> memref<10240x128xbf16, #tpu.memory_space<vmem_shared>>
    tpu.wait_indirect_dma semaphore(%arg22 : memref<!tpu.dma_semaphore, #tpu.memory_space<semaphore_mem>>) src(%arg13 : memref<128x128xbf16, #tpu.memory_space<vmem>>) dst(%dma_wait3A_200 : memref<10240x128xbf16, #tpu.memory_space<vmem_shared>>)
    %dma_wait3A_201 = arith.constant 78 : i32
    %dma_wait3A_202 = arith.constant 0 : i32
    %dma_wait3A_203 = tpu.memref_slice %arg11[%dma_wait3A_201, %dma_wait3A_202] : memref<80x128xi32, #tpu.memory_space<vmem>> -> memref<1x128xi32, #tpu.memory_space<vmem>>
    %dma_wait3A_204 = tpu.memref_squeeze %dma_wait3A_203 : memref<1x128xi32, #tpu.memory_space<vmem>> -> memref<128xi32, #tpu.memory_space<vmem>>
    %dma_wait3A_205 = arith.constant 0 : i32
    %dma_wait3A_206 = arith.constant 0 : i32
    %dma_wait3A_207 = tpu.memref_slice %arg16[%dma_wait3A_205, %dma_wait3A_206] : memref<10240x128xbf16, #tpu.memory_space<vmem_shared>> -> memref<10240x128xbf16, #tpu.memory_space<vmem_shared>>
    tpu.wait_indirect_dma semaphore(%arg23 : memref<!tpu.dma_semaphore, #tpu.memory_space<semaphore_mem>>) src(%arg14 : memref<128x128xbf16, #tpu.memory_space<vmem>>) dst(%dma_wait3A_207 : memref<10240x128xbf16, #tpu.memory_space<vmem_shared>>)
    %dma_wait3A_208 = arith.constant 79 : i32
    %dma_wait3A_209 = arith.constant 0 : i32
    %dma_wait3A_210 = tpu.memref_slice %arg11[%dma_wait3A_208, %dma_wait3A_209] : memref<80x128xi32, #tpu.memory_space<vmem>> -> memref<1x128xi32, #tpu.memory_space<vmem>>
    %dma_wait3A_211 = tpu.memref_squeeze %dma_wait3A_210 : memref<1x128xi32, #tpu.memory_space<vmem>> -> memref<128xi32, #tpu.memory_space<vmem>>
    %dma_wait3A_212 = arith.constant 0 : i32
    %dma_wait3A_213 = arith.constant 0 : i32
    %dma_wait3A_214 = tpu.memref_slice %arg16[%dma_wait3A_212, %dma_wait3A_213] : memref<10240x128xbf16, #tpu.memory_space<vmem_shared>> -> memref<10240x128xbf16, #tpu.memory_space<vmem_shared>>
    tpu.wait_indirect_dma semaphore(%arg24 : memref<!tpu.dma_semaphore, #tpu.memory_space<semaphore_mem>>) src(%arg15 : memref<128x128xbf16, #tpu.memory_space<vmem>>) dst(%dma_wait3A_214 : memref<10240x128xbf16, #tpu.memory_space<vmem_shared>>)
    %barrier3A_215 = arith.constant 0 : index
    tpu.barrier barrier_id(%barrier3A_215)
    %add3A_216 = arith.constant 0 : i32
    %add3A_217 = arith.addi %mul3A_2, %add3A_216 : i32
    "tpu.region"() ({
      %run_scoped3A_286 = tpu.sem_alloc : memref<!tpu.dma_semaphore, #tpu.memory_space<semaphore_mem>>
      %dma_start3A_287 = arith.constant 0 : i32
      %dma_start3A_288 = tpu.memref_slice %arg16[%add3A_217, %dma_start3A_287] : memref<10240x128xbf16, #tpu.memory_space<vmem_shared>> -> memref<128x128xbf16, #tpu.memory_space<vmem_shared>>
      %dma_start3A_289 = arith.constant 0 : i32
      %dma_start3A_290 = tpu.memref_slice %arg16[%add3A_217, %dma_start3A_289] : memref<10240x128xbf16, #tpu.memory_space<vmem_shared>> -> memref<128x128xbf16, #tpu.memory_space<vmem_shared>>
      tpu.enqueue_dma source(%dma_start3A_290 : memref<128x128xbf16, #tpu.memory_space<vmem_shared>>) target(%arg12 : memref<128x128xbf16, #tpu.memory_space<vmem>>) target_semaphore(%run_scoped3A_286 : memref<!tpu.dma_semaphore, #tpu.memory_space<semaphore_mem>>)
      %dma_wait3A_291 = arith.constant 0 : i32
      %dma_wait3A_292 = tpu.memref_slice %arg16[%add3A_217, %dma_wait3A_291] : memref<10240x128xbf16, #tpu.memory_space<vmem_shared>> -> memref<128x128xbf16, #tpu.memory_space<vmem_shared>>
      %dma_wait3A_293 = arith.constant 0 : i32
      %dma_wait3A_294 = tpu.memref_slice %arg16[%add3A_217, %dma_wait3A_293] : memref<10240x128xbf16, #tpu.memory_space<vmem_shared>> -> memref<128x128xbf16, #tpu.memory_space<vmem_shared>>
      tpu.wait_dma2 semaphore(%run_scoped3A_286 : memref<!tpu.dma_semaphore, #tpu.memory_space<semaphore_mem>>) src(%dma_wait3A_294 : memref<128x128xbf16, #tpu.memory_space<vmem_shared>>) dst(%arg12 : memref<128x128xbf16, #tpu.memory_space<vmem>>)
      tpu.yield
    }) : () -> ()
    %dma_start3A_218 = arith.constant 0 : i32
    %dma_start3A_219 = tpu.memref_slice %arg8[%arg0, %add3A_217, %dma_start3A_218] : memref<2x10240x128xbf16, #tpu.memory_space<hbm>> -> memref<1x128x128xbf16, #tpu.memory_space<hbm>>
    %dma_start3A_220 = tpu.memref_squeeze %dma_start3A_219 : memref<1x128x128xbf16, #tpu.memory_space<hbm>> -> memref<128x128xbf16, #tpu.memory_space<hbm>>
    %dma_start3A_221 = arith.constant 0 : i32
    %dma_start3A_222 = tpu.memref_slice %arg8[%arg0, %add3A_217, %dma_start3A_221] : memref<2x10240x128xbf16, #tpu.memory_space<hbm>> -> memref<1x128x128xbf16, #tpu.memory_space<hbm>>
    %dma_start3A_223 = tpu.memref_squeeze %dma_start3A_222 : memref<1x128x128xbf16, #tpu.memory_space<hbm>> -> memref<128x128xbf16, #tpu.memory_space<hbm>>
    tpu.enqueue_dma source(%arg12 : memref<128x128xbf16, #tpu.memory_space<vmem>>) target(%dma_start3A_223 : memref<128x128xbf16, #tpu.memory_space<hbm>>) target_semaphore(%arg17 : memref<!tpu.dma_semaphore, #tpu.memory_space<semaphore_mem>>)
    "tpu.region"() ({
      %run_scoped3A_286 = tpu.sem_alloc : memref<!tpu.dma_semaphore, #tpu.memory_space<semaphore_mem>>
      %dma_start3A_287 = arith.constant 0 : i32
      %dma_start3A_288 = tpu.memref_slice %arg26[%add3A_217, %dma_start3A_287] : memref<10240x8xf32, #tpu.memory_space<vmem_shared>> -> memref<128x8xf32, #tpu.memory_space<vmem_shared>>
      %dma_start3A_289 = arith.constant 0 : i32
      %dma_start3A_290 = tpu.memref_slice %arg26[%add3A_217, %dma_start3A_289] : memref<10240x8xf32, #tpu.memory_space<vmem_shared>> -> memref<128x8xf32, #tpu.memory_space<vmem_shared>>
      tpu.enqueue_dma source(%dma_start3A_290 : memref<128x8xf32, #tpu.memory_space<vmem_shared>>) target(%arg27 : memref<128x8xf32, #tpu.memory_space<vmem>>) target_semaphore(%run_scoped3A_286 : memref<!tpu.dma_semaphore, #tpu.memory_space<semaphore_mem>>)
      %dma_wait3A_291 = arith.constant 0 : i32
      %dma_wait3A_292 = tpu.memref_slice %arg26[%add3A_217, %dma_wait3A_291] : memref<10240x8xf32, #tpu.memory_space<vmem_shared>> -> memref<128x8xf32, #tpu.memory_space<vmem_shared>>
      %dma_wait3A_293 = arith.constant 0 : i32
      %dma_wait3A_294 = tpu.memref_slice %arg26[%add3A_217, %dma_wait3A_293] : memref<10240x8xf32, #tpu.memory_space<vmem_shared>> -> memref<128x8xf32, #tpu.memory_space<vmem_shared>>
      tpu.wait_dma2 semaphore(%run_scoped3A_286 : memref<!tpu.dma_semaphore, #tpu.memory_space<semaphore_mem>>) src(%dma_wait3A_294 : memref<128x8xf32, #tpu.memory_space<vmem_shared>>) dst(%arg27 : memref<128x8xf32, #tpu.memory_space<vmem>>)
      tpu.yield
    }) : () -> ()
    "tpu.region"() ({
      %run_scoped3A_286 = tpu.sem_alloc : memref<!tpu.dma_semaphore, #tpu.memory_space<semaphore_mem>>
      %dma_start3A_287 = arith.constant 0 : i32
      %dma_start3A_288 = tpu.memref_slice %arg9[%arg0, %add3A_217, %dma_start3A_287] : memref<2x10240x8xf32, #tpu.memory_space<hbm>> -> memref<1x128x8xf32, #tpu.memory_space<hbm>>
      %dma_start3A_289 = tpu.memref_squeeze %dma_start3A_288 : memref<1x128x8xf32, #tpu.memory_space<hbm>> -> memref<128x8xf32, #tpu.memory_space<hbm>>
      %dma_start3A_290 = arith.constant 0 : i32
      %dma_start3A_291 = tpu.memref_slice %arg9[%arg0, %add3A_217, %dma_start3A_290] : memref<2x10240x8xf32, #tpu.memory_space<hbm>> -> memref<1x128x8xf32, #tpu.memory_space<hbm>>
      %dma_start3A_292 = tpu.memref_squeeze %dma_start3A_291 : memref<1x128x8xf32, #tpu.memory_space<hbm>> -> memref<128x8xf32, #tpu.memory_space<hbm>>
      tpu.enqueue_dma source(%arg27 : memref<128x8xf32, #tpu.memory_space<vmem>>) target(%dma_start3A_292 : memref<128x8xf32, #tpu.memory_space<hbm>>) target_semaphore(%run_scoped3A_286 : memref<!tpu.dma_semaphore, #tpu.memory_space<semaphore_mem>>)
      %dma_wait3A_293 = arith.constant 0 : i32
      %dma_wait3A_294 = tpu.memref_slice %arg9[%arg0, %add3A_217, %dma_wait3A_293] : memref<2x10240x8xf32, #tpu.memory_space<hbm>> -> memref<1x128x8xf32, #tpu.memory_space<hbm>>
      %dma_wait3A_295 = tpu.memref_squeeze %dma_wait3A_294 : memref<1x128x8xf32, #tpu.memory_space<hbm>> -> memref<128x8xf32, #tpu.memory_space<hbm>>
      %dma_wait3A_296 = arith.constant 0 : i32
      %dma_wait3A_297 = tpu.memref_slice %arg9[%arg0, %add3A_217, %dma_wait3A_296] : memref<2x10240x8xf32, #tpu.memory_space<hbm>> -> memref<1x128x8xf32, #tpu.memory_space<hbm>>
      %dma_wait3A_298 = tpu.memref_squeeze %dma_wait3A_297 : memref<1x128x8xf32, #tpu.memory_space<hbm>> -> memref<128x8xf32, #tpu.memory_space<hbm>>
      tpu.wait_dma2 semaphore(%run_scoped3A_286 : memref<!tpu.dma_semaphore, #tpu.memory_space<semaphore_mem>>) src(%arg27 : memref<128x8xf32, #tpu.memory_space<vmem>>) dst(%dma_wait3A_298 : memref<128x8xf32, #tpu.memory_space<hbm>>)
      tpu.yield
    }) : () -> ()
    %add3A_224 = arith.constant 128 : i32
    %add3A_225 = arith.addi %mul3A_2, %add3A_224 : i32
    "tpu.region"() ({
      %run_scoped3A_286 = tpu.sem_alloc : memref<!tpu.dma_semaphore, #tpu.memory_space<semaphore_mem>>
      %dma_start3A_287 = arith.constant 0 : i32
      %dma_start3A_288 = tpu.memref_slice %arg16[%add3A_225, %dma_start3A_287] : memref<10240x128xbf16, #tpu.memory_space<vmem_shared>> -> memref<128x128xbf16, #tpu.memory_space<vmem_shared>>
      %dma_start3A_289 = arith.constant 0 : i32
      %dma_start3A_290 = tpu.memref_slice %arg16[%add3A_225, %dma_start3A_289] : memref<10240x128xbf16, #tpu.memory_space<vmem_shared>> -> memref<128x128xbf16, #tpu.memory_space<vmem_shared>>
      tpu.enqueue_dma source(%dma_start3A_290 : memref<128x128xbf16, #tpu.memory_space<vmem_shared>>) target(%arg13 : memref<128x128xbf16, #tpu.memory_space<vmem>>) target_semaphore(%run_scoped3A_286 : memref<!tpu.dma_semaphore, #tpu.memory_space<semaphore_mem>>)
      %dma_wait3A_291 = arith.constant 0 : i32
      %dma_wait3A_292 = tpu.memref_slice %arg16[%add3A_225, %dma_wait3A_291] : memref<10240x128xbf16, #tpu.memory_space<vmem_shared>> -> memref<128x128xbf16, #tpu.memory_space<vmem_shared>>
      %dma_wait3A_293 = arith.constant 0 : i32
      %dma_wait3A_294 = tpu.memref_slice %arg16[%add3A_225, %dma_wait3A_293] : memref<10240x128xbf16, #tpu.memory_space<vmem_shared>> -> memref<128x128xbf16, #tpu.memory_space<vmem_shared>>
      tpu.wait_dma2 semaphore(%run_scoped3A_286 : memref<!tpu.dma_semaphore, #tpu.memory_space<semaphore_mem>>) src(%dma_wait3A_294 : memref<128x128xbf16, #tpu.memory_space<vmem_shared>>) dst(%arg13 : memref<128x128xbf16, #tpu.memory_space<vmem>>)
      tpu.yield
    }) : () -> ()
    %dma_start3A_226 = arith.constant 0 : i32
    %dma_start3A_227 = tpu.memref_slice %arg8[%arg0, %add3A_225, %dma_start3A_226] : memref<2x10240x128xbf16, #tpu.memory_space<hbm>> -> memref<1x128x128xbf16, #tpu.memory_space<hbm>>
    %dma_start3A_228 = tpu.memref_squeeze %dma_start3A_227 : memref<1x128x128xbf16, #tpu.memory_space<hbm>> -> memref<128x128xbf16, #tpu.memory_space<hbm>>
    %dma_start3A_229 = arith.constant 0 : i32
    %dma_start3A_230 = tpu.memref_slice %arg8[%arg0, %add3A_225, %dma_start3A_229] : memref<2x10240x128xbf16, #tpu.memory_space<hbm>> -> memref<1x128x128xbf16, #tpu.memory_space<hbm>>
    %dma_start3A_231 = tpu.memref_squeeze %dma_start3A_230 : memref<1x128x128xbf16, #tpu.memory_space<hbm>> -> memref<128x128xbf16, #tpu.memory_space<hbm>>
    tpu.enqueue_dma source(%arg13 : memref<128x128xbf16, #tpu.memory_space<vmem>>) target(%dma_start3A_231 : memref<128x128xbf16, #tpu.memory_space<hbm>>) target_semaphore(%arg18 : memref<!tpu.dma_semaphore, #tpu.memory_space<semaphore_mem>>)
    "tpu.region"() ({
      %run_scoped3A_286 = tpu.sem_alloc : memref<!tpu.dma_semaphore, #tpu.memory_space<semaphore_mem>>
      %dma_start3A_287 = arith.constant 0 : i32
      %dma_start3A_288 = tpu.memref_slice %arg26[%add3A_225, %dma_start3A_287] : memref<10240x8xf32, #tpu.memory_space<vmem_shared>> -> memref<128x8xf32, #tpu.memory_space<vmem_shared>>
      %dma_start3A_289 = arith.constant 0 : i32
      %dma_start3A_290 = tpu.memref_slice %arg26[%add3A_225, %dma_start3A_289] : memref<10240x8xf32, #tpu.memory_space<vmem_shared>> -> memref<128x8xf32, #tpu.memory_space<vmem_shared>>
      tpu.enqueue_dma source(%dma_start3A_290 : memref<128x8xf32, #tpu.memory_space<vmem_shared>>) target(%arg27 : memref<128x8xf32, #tpu.memory_space<vmem>>) target_semaphore(%run_scoped3A_286 : memref<!tpu.dma_semaphore, #tpu.memory_space<semaphore_mem>>)
      %dma_wait3A_291 = arith.constant 0 : i32
      %dma_wait3A_292 = tpu.memref_slice %arg26[%add3A_225, %dma_wait3A_291] : memref<10240x8xf32, #tpu.memory_space<vmem_shared>> -> memref<128x8xf32, #tpu.memory_space<vmem_shared>>
      %dma_wait3A_293 = arith.constant 0 : i32
      %dma_wait3A_294 = tpu.memref_slice %arg26[%add3A_225, %dma_wait3A_293] : memref<10240x8xf32, #tpu.memory_space<vmem_shared>> -> memref<128x8xf32, #tpu.memory_space<vmem_shared>>
      tpu.wait_dma2 semaphore(%run_scoped3A_286 : memref<!tpu.dma_semaphore, #tpu.memory_space<semaphore_mem>>) src(%dma_wait3A_294 : memref<128x8xf32, #tpu.memory_space<vmem_shared>>) dst(%arg27 : memref<128x8xf32, #tpu.memory_space<vmem>>)
      tpu.yield
    }) : () -> ()
    "tpu.region"() ({
      %run_scoped3A_286 = tpu.sem_alloc : memref<!tpu.dma_semaphore, #tpu.memory_space<semaphore_mem>>
      %dma_start3A_287 = arith.constant 0 : i32
      %dma_start3A_288 = tpu.memref_slice %arg9[%arg0, %add3A_225, %dma_start3A_287] : memref<2x10240x8xf32, #tpu.memory_space<hbm>> -> memref<1x128x8xf32, #tpu.memory_space<hbm>>
      %dma_start3A_289 = tpu.memref_squeeze %dma_start3A_288 : memref<1x128x8xf32, #tpu.memory_space<hbm>> -> memref<128x8xf32, #tpu.memory_space<hbm>>
      %dma_start3A_290 = arith.constant 0 : i32
      %dma_start3A_291 = tpu.memref_slice %arg9[%arg0, %add3A_225, %dma_start3A_290] : memref<2x10240x8xf32, #tpu.memory_space<hbm>> -> memref<1x128x8xf32, #tpu.memory_space<hbm>>
      %dma_start3A_292 = tpu.memref_squeeze %dma_start3A_291 : memref<1x128x8xf32, #tpu.memory_space<hbm>> -> memref<128x8xf32, #tpu.memory_space<hbm>>
      tpu.enqueue_dma source(%arg27 : memref<128x8xf32, #tpu.memory_space<vmem>>) target(%dma_start3A_292 : memref<128x8xf32, #tpu.memory_space<hbm>>) target_semaphore(%run_scoped3A_286 : memref<!tpu.dma_semaphore, #tpu.memory_space<semaphore_mem>>)
      %dma_wait3A_293 = arith.constant 0 : i32
      %dma_wait3A_294 = tpu.memref_slice %arg9[%arg0, %add3A_225, %dma_wait3A_293] : memref<2x10240x8xf32, #tpu.memory_space<hbm>> -> memref<1x128x8xf32, #tpu.memory_space<hbm>>
      %dma_wait3A_295 = tpu.memref_squeeze %dma_wait3A_294 : memref<1x128x8xf32, #tpu.memory_space<hbm>> -> memref<128x8xf32, #tpu.memory_space<hbm>>
      %dma_wait3A_296 = arith.constant 0 : i32
      %dma_wait3A_297 = tpu.memref_slice %arg9[%arg0, %add3A_225, %dma_wait3A_296] : memref<2x10240x8xf32, #tpu.memory_space<hbm>> -> memref<1x128x8xf32, #tpu.memory_space<hbm>>
      %dma_wait3A_298 = tpu.memref_squeeze %dma_wait3A_297 : memref<1x128x8xf32, #tpu.memory_space<hbm>> -> memref<128x8xf32, #tpu.memory_space<hbm>>
      tpu.wait_dma2 semaphore(%run_scoped3A_286 : memref<!tpu.dma_semaphore, #tpu.memory_space<semaphore_mem>>) src(%arg27 : memref<128x8xf32, #tpu.memory_space<vmem>>) dst(%dma_wait3A_298 : memref<128x8xf32, #tpu.memory_space<hbm>>)
      tpu.yield
    }) : () -> ()
    %dma_wait3A_232 = arith.constant 0 : i32
    %dma_wait3A_233 = tpu.memref_slice %arg8[%arg0, %add3A_217, %dma_wait3A_232] : memref<2x10240x128xbf16, #tpu.memory_space<hbm>> -> memref<1x128x128xbf16, #tpu.memory_space<hbm>>
    %dma_wait3A_234 = tpu.memref_squeeze %dma_wait3A_233 : memref<1x128x128xbf16, #tpu.memory_space<hbm>> -> memref<128x128xbf16, #tpu.memory_space<hbm>>
    %dma_wait3A_235 = arith.constant 0 : i32
    %dma_wait3A_236 = tpu.memref_slice %arg8[%arg0, %add3A_217, %dma_wait3A_235] : memref<2x10240x128xbf16, #tpu.memory_space<hbm>> -> memref<1x128x128xbf16, #tpu.memory_space<hbm>>
    %dma_wait3A_237 = tpu.memref_squeeze %dma_wait3A_236 : memref<1x128x128xbf16, #tpu.memory_space<hbm>> -> memref<128x128xbf16, #tpu.memory_space<hbm>>
    tpu.wait_dma2 semaphore(%arg17 : memref<!tpu.dma_semaphore, #tpu.memory_space<semaphore_mem>>) src(%arg12 : memref<128x128xbf16, #tpu.memory_space<vmem>>) dst(%dma_wait3A_237 : memref<128x128xbf16, #tpu.memory_space<hbm>>)
    %add3A_238 = arith.constant 256 : i32
    %add3A_239 = arith.addi %mul3A_2, %add3A_238 : i32
    "tpu.region"() ({
      %run_scoped3A_286 = tpu.sem_alloc : memref<!tpu.dma_semaphore, #tpu.memory_space<semaphore_mem>>
      %dma_start3A_287 = arith.constant 0 : i32
      %dma_start3A_288 = tpu.memref_slice %arg16[%add3A_239, %dma_start3A_287] : memref<10240x128xbf16, #tpu.memory_space<vmem_shared>> -> memref<128x128xbf16, #tpu.memory_space<vmem_shared>>
      %dma_start3A_289 = arith.constant 0 : i32
      %dma_start3A_290 = tpu.memref_slice %arg16[%add3A_239, %dma_start3A_289] : memref<10240x128xbf16, #tpu.memory_space<vmem_shared>> -> memref<128x128xbf16, #tpu.memory_space<vmem_shared>>
      tpu.enqueue_dma source(%dma_start3A_290 : memref<128x128xbf16, #tpu.memory_space<vmem_shared>>) target(%arg12 : memref<128x128xbf16, #tpu.memory_space<vmem>>) target_semaphore(%run_scoped3A_286 : memref<!tpu.dma_semaphore, #tpu.memory_space<semaphore_mem>>)
      %dma_wait3A_291 = arith.constant 0 : i32
      %dma_wait3A_292 = tpu.memref_slice %arg16[%add3A_239, %dma_wait3A_291] : memref<10240x128xbf16, #tpu.memory_space<vmem_shared>> -> memref<128x128xbf16, #tpu.memory_space<vmem_shared>>
      %dma_wait3A_293 = arith.constant 0 : i32
      %dma_wait3A_294 = tpu.memref_slice %arg16[%add3A_239, %dma_wait3A_293] : memref<10240x128xbf16, #tpu.memory_space<vmem_shared>> -> memref<128x128xbf16, #tpu.memory_space<vmem_shared>>
      tpu.wait_dma2 semaphore(%run_scoped3A_286 : memref<!tpu.dma_semaphore, #tpu.memory_space<semaphore_mem>>) src(%dma_wait3A_294 : memref<128x128xbf16, #tpu.memory_space<vmem_shared>>) dst(%arg12 : memref<128x128xbf16, #tpu.memory_space<vmem>>)
      tpu.yield
    }) : () -> ()
    %dma_start3A_240 = arith.constant 0 : i32
    %dma_start3A_241 = tpu.memref_slice %arg8[%arg0, %add3A_239, %dma_start3A_240] : memref<2x10240x128xbf16, #tpu.memory_space<hbm>> -> memref<1x128x128xbf16, #tpu.memory_space<hbm>>
    %dma_start3A_242 = tpu.memref_squeeze %dma_start3A_241 : memref<1x128x128xbf16, #tpu.memory_space<hbm>> -> memref<128x128xbf16, #tpu.memory_space<hbm>>
    %dma_start3A_243 = arith.constant 0 : i32
    %dma_start3A_244 = tpu.memref_slice %arg8[%arg0, %add3A_239, %dma_start3A_243] : memref<2x10240x128xbf16, #tpu.memory_space<hbm>> -> memref<1x128x128xbf16, #tpu.memory_space<hbm>>
    %dma_start3A_245 = tpu.memref_squeeze %dma_start3A_244 : memref<1x128x128xbf16, #tpu.memory_space<hbm>> -> memref<128x128xbf16, #tpu.memory_space<hbm>>
    tpu.enqueue_dma source(%arg12 : memref<128x128xbf16, #tpu.memory_space<vmem>>) target(%dma_start3A_245 : memref<128x128xbf16, #tpu.memory_space<hbm>>) target_semaphore(%arg17 : memref<!tpu.dma_semaphore, #tpu.memory_space<semaphore_mem>>)
    "tpu.region"() ({
      %run_scoped3A_286 = tpu.sem_alloc : memref<!tpu.dma_semaphore, #tpu.memory_space<semaphore_mem>>
      %dma_start3A_287 = arith.constant 0 : i32
      %dma_start3A_288 = tpu.memref_slice %arg26[%add3A_239, %dma_start3A_287] : memref<10240x8xf32, #tpu.memory_space<vmem_shared>> -> memref<128x8xf32, #tpu.memory_space<vmem_shared>>
      %dma_start3A_289 = arith.constant 0 : i32
      %dma_start3A_290 = tpu.memref_slice %arg26[%add3A_239, %dma_start3A_289] : memref<10240x8xf32, #tpu.memory_space<vmem_shared>> -> memref<128x8xf32, #tpu.memory_space<vmem_shared>>
      tpu.enqueue_dma source(%dma_start3A_290 : memref<128x8xf32, #tpu.memory_space<vmem_shared>>) target(%arg27 : memref<128x8xf32, #tpu.memory_space<vmem>>) target_semaphore(%run_scoped3A_286 : memref<!tpu.dma_semaphore, #tpu.memory_space<semaphore_mem>>)
      %dma_wait3A_291 = arith.constant 0 : i32
      %dma_wait3A_292 = tpu.memref_slice %arg26[%add3A_239, %dma_wait3A_291] : memref<10240x8xf32, #tpu.memory_space<vmem_shared>> -> memref<128x8xf32, #tpu.memory_space<vmem_shared>>
      %dma_wait3A_293 = arith.constant 0 : i32
      %dma_wait3A_294 = tpu.memref_slice %arg26[%add3A_239, %dma_wait3A_293] : memref<10240x8xf32, #tpu.memory_space<vmem_shared>> -> memref<128x8xf32, #tpu.memory_space<vmem_shared>>
      tpu.wait_dma2 semaphore(%run_scoped3A_286 : memref<!tpu.dma_semaphore, #tpu.memory_space<semaphore_mem>>) src(%dma_wait3A_294 : memref<128x8xf32, #tpu.memory_space<vmem_shared>>) dst(%arg27 : memref<128x8xf32, #tpu.memory_space<vmem>>)
      tpu.yield
    }) : () -> ()
    "tpu.region"() ({
      %run_scoped3A_286 = tpu.sem_alloc : memref<!tpu.dma_semaphore, #tpu.memory_space<semaphore_mem>>
      %dma_start3A_287 = arith.constant 0 : i32
      %dma_start3A_288 = tpu.memref_slice %arg9[%arg0, %add3A_239, %dma_start3A_287] : memref<2x10240x8xf32, #tpu.memory_space<hbm>> -> memref<1x128x8xf32, #tpu.memory_space<hbm>>
      %dma_start3A_289 = tpu.memref_squeeze %dma_start3A_288 : memref<1x128x8xf32, #tpu.memory_space<hbm>> -> memref<128x8xf32, #tpu.memory_space<hbm>>
      %dma_start3A_290 = arith.constant 0 : i32
      %dma_start3A_291 = tpu.memref_slice %arg9[%arg0, %add3A_239, %dma_start3A_290] : memref<2x10240x8xf32, #tpu.memory_space<hbm>> -> memref<1x128x8xf32, #tpu.memory_space<hbm>>
      %dma_start3A_292 = tpu.memref_squeeze %dma_start3A_291 : memref<1x128x8xf32, #tpu.memory_space<hbm>> -> memref<128x8xf32, #tpu.memory_space<hbm>>
      tpu.enqueue_dma source(%arg27 : memref<128x8xf32, #tpu.memory_space<vmem>>) target(%dma_start3A_292 : memref<128x8xf32, #tpu.memory_space<hbm>>) target_semaphore(%run_scoped3A_286 : memref<!tpu.dma_semaphore, #tpu.memory_space<semaphore_mem>>)
      %dma_wait3A_293 = arith.constant 0 : i32
      %dma_wait3A_294 = tpu.memref_slice %arg9[%arg0, %add3A_239, %dma_wait3A_293] : memref<2x10240x8xf32, #tpu.memory_space<hbm>> -> memref<1x128x8xf32, #tpu.memory_space<hbm>>
      %dma_wait3A_295 = tpu.memref_squeeze %dma_wait3A_294 : memref<1x128x8xf32, #tpu.memory_space<hbm>> -> memref<128x8xf32, #tpu.memory_space<hbm>>
      %dma_wait3A_296 = arith.constant 0 : i32
      %dma_wait3A_297 = tpu.memref_slice %arg9[%arg0, %add3A_239, %dma_wait3A_296] : memref<2x10240x8xf32, #tpu.memory_space<hbm>> -> memref<1x128x8xf32, #tpu.memory_space<hbm>>
      %dma_wait3A_298 = tpu.memref_squeeze %dma_wait3A_297 : memref<1x128x8xf32, #tpu.memory_space<hbm>> -> memref<128x8xf32, #tpu.memory_space<hbm>>
      tpu.wait_dma2 semaphore(%run_scoped3A_286 : memref<!tpu.dma_semaphore, #tpu.memory_space<semaphore_mem>>) src(%arg27 : memref<128x8xf32, #tpu.memory_space<vmem>>) dst(%dma_wait3A_298 : memref<128x8xf32, #tpu.memory_space<hbm>>)
      tpu.yield
    }) : () -> ()
    %dma_wait3A_246 = arith.constant 0 : i32
    %dma_wait3A_247 = tpu.memref_slice %arg8[%arg0, %add3A_225, %dma_wait3A_246] : memref<2x10240x128xbf16, #tpu.memory_space<hbm>> -> memref<1x128x128xbf16, #tpu.memory_space<hbm>>
    %dma_wait3A_248 = tpu.memref_squeeze %dma_wait3A_247 : memref<1x128x128xbf16, #tpu.memory_space<hbm>> -> memref<128x128xbf16, #tpu.memory_space<hbm>>
    %dma_wait3A_249 = arith.constant 0 : i32
    %dma_wait3A_250 = tpu.memref_slice %arg8[%arg0, %add3A_225, %dma_wait3A_249] : memref<2x10240x128xbf16, #tpu.memory_space<hbm>> -> memref<1x128x128xbf16, #tpu.memory_space<hbm>>
    %dma_wait3A_251 = tpu.memref_squeeze %dma_wait3A_250 : memref<1x128x128xbf16, #tpu.memory_space<hbm>> -> memref<128x128xbf16, #tpu.memory_space<hbm>>
    tpu.wait_dma2 semaphore(%arg18 : memref<!tpu.dma_semaphore, #tpu.memory_space<semaphore_mem>>) src(%arg13 : memref<128x128xbf16, #tpu.memory_space<vmem>>) dst(%dma_wait3A_251 : memref<128x128xbf16, #tpu.memory_space<hbm>>)
    %add3A_252 = arith.constant 384 : i32
    %add3A_253 = arith.addi %mul3A_2, %add3A_252 : i32
    "tpu.region"() ({
      %run_scoped3A_286 = tpu.sem_alloc : memref<!tpu.dma_semaphore, #tpu.memory_space<semaphore_mem>>
      %dma_start3A_287 = arith.constant 0 : i32
      %dma_start3A_288 = tpu.memref_slice %arg16[%add3A_253, %dma_start3A_287] : memref<10240x128xbf16, #tpu.memory_space<vmem_shared>> -> memref<128x128xbf16, #tpu.memory_space<vmem_shared>>
      %dma_start3A_289 = arith.constant 0 : i32
      %dma_start3A_290 = tpu.memref_slice %arg16[%add3A_253, %dma_start3A_289] : memref<10240x128xbf16, #tpu.memory_space<vmem_shared>> -> memref<128x128xbf16, #tpu.memory_space<vmem_shared>>
      tpu.enqueue_dma source(%dma_start3A_290 : memref<128x128xbf16, #tpu.memory_space<vmem_shared>>) target(%arg13 : memref<128x128xbf16, #tpu.memory_space<vmem>>) target_semaphore(%run_scoped3A_286 : memref<!tpu.dma_semaphore, #tpu.memory_space<semaphore_mem>>)
      %dma_wait3A_291 = arith.constant 0 : i32
      %dma_wait3A_292 = tpu.memref_slice %arg16[%add3A_253, %dma_wait3A_291] : memref<10240x128xbf16, #tpu.memory_space<vmem_shared>> -> memref<128x128xbf16, #tpu.memory_space<vmem_shared>>
      %dma_wait3A_293 = arith.constant 0 : i32
      %dma_wait3A_294 = tpu.memref_slice %arg16[%add3A_253, %dma_wait3A_293] : memref<10240x128xbf16, #tpu.memory_space<vmem_shared>> -> memref<128x128xbf16, #tpu.memory_space<vmem_shared>>
      tpu.wait_dma2 semaphore(%run_scoped3A_286 : memref<!tpu.dma_semaphore, #tpu.memory_space<semaphore_mem>>) src(%dma_wait3A_294 : memref<128x128xbf16, #tpu.memory_space<vmem_shared>>) dst(%arg13 : memref<128x128xbf16, #tpu.memory_space<vmem>>)
      tpu.yield
    }) : () -> ()
    %dma_start3A_254 = arith.constant 0 : i32
    %dma_start3A_255 = tpu.memref_slice %arg8[%arg0, %add3A_253, %dma_start3A_254] : memref<2x10240x128xbf16, #tpu.memory_space<hbm>> -> memref<1x128x128xbf16, #tpu.memory_space<hbm>>
    %dma_start3A_256 = tpu.memref_squeeze %dma_start3A_255 : memref<1x128x128xbf16, #tpu.memory_space<hbm>> -> memref<128x128xbf16, #tpu.memory_space<hbm>>
    %dma_start3A_257 = arith.constant 0 : i32
    %dma_start3A_258 = tpu.memref_slice %arg8[%arg0, %add3A_253, %dma_start3A_257] : memref<2x10240x128xbf16, #tpu.memory_space<hbm>> -> memref<1x128x128xbf16, #tpu.memory_space<hbm>>
    %dma_start3A_259 = tpu.memref_squeeze %dma_start3A_258 : memref<1x128x128xbf16, #tpu.memory_space<hbm>> -> memref<128x128xbf16, #tpu.memory_space<hbm>>
    tpu.enqueue_dma source(%arg13 : memref<128x128xbf16, #tpu.memory_space<vmem>>) target(%dma_start3A_259 : memref<128x128xbf16, #tpu.memory_space<hbm>>) target_semaphore(%arg18 : memref<!tpu.dma_semaphore, #tpu.memory_space<semaphore_mem>>)
    "tpu.region"() ({
      %run_scoped3A_286 = tpu.sem_alloc : memref<!tpu.dma_semaphore, #tpu.memory_space<semaphore_mem>>
      %dma_start3A_287 = arith.constant 0 : i32
      %dma_start3A_288 = tpu.memref_slice %arg26[%add3A_253, %dma_start3A_287] : memref<10240x8xf32, #tpu.memory_space<vmem_shared>> -> memref<128x8xf32, #tpu.memory_space<vmem_shared>>
      %dma_start3A_289 = arith.constant 0 : i32
      %dma_start3A_290 = tpu.memref_slice %arg26[%add3A_253, %dma_start3A_289] : memref<10240x8xf32, #tpu.memory_space<vmem_shared>> -> memref<128x8xf32, #tpu.memory_space<vmem_shared>>
      tpu.enqueue_dma source(%dma_start3A_290 : memref<128x8xf32, #tpu.memory_space<vmem_shared>>) target(%arg27 : memref<128x8xf32, #tpu.memory_space<vmem>>) target_semaphore(%run_scoped3A_286 : memref<!tpu.dma_semaphore, #tpu.memory_space<semaphore_mem>>)
      %dma_wait3A_291 = arith.constant 0 : i32
      %dma_wait3A_292 = tpu.memref_slice %arg26[%add3A_253, %dma_wait3A_291] : memref<10240x8xf32, #tpu.memory_space<vmem_shared>> -> memref<128x8xf32, #tpu.memory_space<vmem_shared>>
      %dma_wait3A_293 = arith.constant 0 : i32
      %dma_wait3A_294 = tpu.memref_slice %arg26[%add3A_253, %dma_wait3A_293] : memref<10240x8xf32, #tpu.memory_space<vmem_shared>> -> memref<128x8xf32, #tpu.memory_space<vmem_shared>>
      tpu.wait_dma2 semaphore(%run_scoped3A_286 : memref<!tpu.dma_semaphore, #tpu.memory_space<semaphore_mem>>) src(%dma_wait3A_294 : memref<128x8xf32, #tpu.memory_space<vmem_shared>>) dst(%arg27 : memref<128x8xf32, #tpu.memory_space<vmem>>)
      tpu.yield
    }) : () -> ()
    "tpu.region"() ({
      %run_scoped3A_286 = tpu.sem_alloc : memref<!tpu.dma_semaphore, #tpu.memory_space<semaphore_mem>>
      %dma_start3A_287 = arith.constant 0 : i32
      %dma_start3A_288 = tpu.memref_slice %arg9[%arg0, %add3A_253, %dma_start3A_287] : memref<2x10240x8xf32, #tpu.memory_space<hbm>> -> memref<1x128x8xf32, #tpu.memory_space<hbm>>
      %dma_start3A_289 = tpu.memref_squeeze %dma_start3A_288 : memref<1x128x8xf32, #tpu.memory_space<hbm>> -> memref<128x8xf32, #tpu.memory_space<hbm>>
      %dma_start3A_290 = arith.constant 0 : i32
      %dma_start3A_291 = tpu.memref_slice %arg9[%arg0, %add3A_253, %dma_start3A_290] : memref<2x10240x8xf32, #tpu.memory_space<hbm>> -> memref<1x128x8xf32, #tpu.memory_space<hbm>>
      %dma_start3A_292 = tpu.memref_squeeze %dma_start3A_291 : memref<1x128x8xf32, #tpu.memory_space<hbm>> -> memref<128x8xf32, #tpu.memory_space<hbm>>
      tpu.enqueue_dma source(%arg27 : memref<128x8xf32, #tpu.memory_space<vmem>>) target(%dma_start3A_292 : memref<128x8xf32, #tpu.memory_space<hbm>>) target_semaphore(%run_scoped3A_286 : memref<!tpu.dma_semaphore, #tpu.memory_space<semaphore_mem>>)
      %dma_wait3A_293 = arith.constant 0 : i32
      %dma_wait3A_294 = tpu.memref_slice %arg9[%arg0, %add3A_253, %dma_wait3A_293] : memref<2x10240x8xf32, #tpu.memory_space<hbm>> -> memref<1x128x8xf32, #tpu.memory_space<hbm>>
      %dma_wait3A_295 = tpu.memref_squeeze %dma_wait3A_294 : memref<1x128x8xf32, #tpu.memory_space<hbm>> -> memref<128x8xf32, #tpu.memory_space<hbm>>
      %dma_wait3A_296 = arith.constant 0 : i32
      %dma_wait3A_297 = tpu.memref_slice %arg9[%arg0, %add3A_253, %dma_wait3A_296] : memref<2x10240x8xf32, #tpu.memory_space<hbm>> -> memref<1x128x8xf32, #tpu.memory_space<hbm>>
      %dma_wait3A_298 = tpu.memref_squeeze %dma_wait3A_297 : memref<1x128x8xf32, #tpu.memory_space<hbm>> -> memref<128x8xf32, #tpu.memory_space<hbm>>
      tpu.wait_dma2 semaphore(%run_scoped3A_286 : memref<!tpu.dma_semaphore, #tpu.memory_space<semaphore_mem>>) src(%arg27 : memref<128x8xf32, #tpu.memory_space<vmem>>) dst(%dma_wait3A_298 : memref<128x8xf32, #tpu.memory_space<hbm>>)
      tpu.yield
    }) : () -> ()
    %dma_wait3A_260 = arith.constant 0 : i32
    %dma_wait3A_261 = tpu.memref_slice %arg8[%arg0, %add3A_239, %dma_wait3A_260] : memref<2x10240x128xbf16, #tpu.memory_space<hbm>> -> memref<1x128x128xbf16, #tpu.memory_space<hbm>>
    %dma_wait3A_262 = tpu.memref_squeeze %dma_wait3A_261 : memref<1x128x128xbf16, #tpu.memory_space<hbm>> -> memref<128x128xbf16, #tpu.memory_space<hbm>>
    %dma_wait3A_263 = arith.constant 0 : i32
    %dma_wait3A_264 = tpu.memref_slice %arg8[%arg0, %add3A_239, %dma_wait3A_263] : memref<2x10240x128xbf16, #tpu.memory_space<hbm>> -> memref<1x128x128xbf16, #tpu.memory_space<hbm>>
    %dma_wait3A_265 = tpu.memref_squeeze %dma_wait3A_264 : memref<1x128x128xbf16, #tpu.memory_space<hbm>> -> memref<128x128xbf16, #tpu.memory_space<hbm>>
    tpu.wait_dma2 semaphore(%arg17 : memref<!tpu.dma_semaphore, #tpu.memory_space<semaphore_mem>>) src(%arg12 : memref<128x128xbf16, #tpu.memory_space<vmem>>) dst(%dma_wait3A_265 : memref<128x128xbf16, #tpu.memory_space<hbm>>)
    %add3A_266 = arith.constant 512 : i32
    %add3A_267 = arith.addi %mul3A_2, %add3A_266 : i32
    "tpu.region"() ({
      %run_scoped3A_286 = tpu.sem_alloc : memref<!tpu.dma_semaphore, #tpu.memory_space<semaphore_mem>>
      %dma_start3A_287 = arith.constant 0 : i32
      %dma_start3A_288 = tpu.memref_slice %arg16[%add3A_267, %dma_start3A_287] : memref<10240x128xbf16, #tpu.memory_space<vmem_shared>> -> memref<128x128xbf16, #tpu.memory_space<vmem_shared>>
      %dma_start3A_289 = arith.constant 0 : i32
      %dma_start3A_290 = tpu.memref_slice %arg16[%add3A_267, %dma_start3A_289] : memref<10240x128xbf16, #tpu.memory_space<vmem_shared>> -> memref<128x128xbf16, #tpu.memory_space<vmem_shared>>
      tpu.enqueue_dma source(%dma_start3A_290 : memref<128x128xbf16, #tpu.memory_space<vmem_shared>>) target(%arg12 : memref<128x128xbf16, #tpu.memory_space<vmem>>) target_semaphore(%run_scoped3A_286 : memref<!tpu.dma_semaphore, #tpu.memory_space<semaphore_mem>>)
      %dma_wait3A_291 = arith.constant 0 : i32
      %dma_wait3A_292 = tpu.memref_slice %arg16[%add3A_267, %dma_wait3A_291] : memref<10240x128xbf16, #tpu.memory_space<vmem_shared>> -> memref<128x128xbf16, #tpu.memory_space<vmem_shared>>
      %dma_wait3A_293 = arith.constant 0 : i32
      %dma_wait3A_294 = tpu.memref_slice %arg16[%add3A_267, %dma_wait3A_293] : memref<10240x128xbf16, #tpu.memory_space<vmem_shared>> -> memref<128x128xbf16, #tpu.memory_space<vmem_shared>>
      tpu.wait_dma2 semaphore(%run_scoped3A_286 : memref<!tpu.dma_semaphore, #tpu.memory_space<semaphore_mem>>) src(%dma_wait3A_294 : memref<128x128xbf16, #tpu.memory_space<vmem_shared>>) dst(%arg12 : memref<128x128xbf16, #tpu.memory_space<vmem>>)
      tpu.yield
    }) : () -> ()
    %dma_start3A_268 = arith.constant 0 : i32
    %dma_start3A_269 = tpu.memref_slice %arg8[%arg0, %add3A_267, %dma_start3A_268] : memref<2x10240x128xbf16, #tpu.memory_space<hbm>> -> memref<1x128x128xbf16, #tpu.memory_space<hbm>>
    %dma_start3A_270 = tpu.memref_squeeze %dma_start3A_269 : memref<1x128x128xbf16, #tpu.memory_space<hbm>> -> memref<128x128xbf16, #tpu.memory_space<hbm>>
    %dma_start3A_271 = arith.constant 0 : i32
    %dma_start3A_272 = tpu.memref_slice %arg8[%arg0, %add3A_267, %dma_start3A_271] : memref<2x10240x128xbf16, #tpu.memory_space<hbm>> -> memref<1x128x128xbf16, #tpu.memory_space<hbm>>
    %dma_start3A_273 = tpu.memref_squeeze %dma_start3A_272 : memref<1x128x128xbf16, #tpu.memory_space<hbm>> -> memref<128x128xbf16, #tpu.memory_space<hbm>>
    tpu.enqueue_dma source(%arg12 : memref<128x128xbf16, #tpu.memory_space<vmem>>) target(%dma_start3A_273 : memref<128x128xbf16, #tpu.memory_space<hbm>>) target_semaphore(%arg17 : memref<!tpu.dma_semaphore, #tpu.memory_space<semaphore_mem>>)
    "tpu.region"() ({
      %run_scoped3A_286 = tpu.sem_alloc : memref<!tpu.dma_semaphore, #tpu.memory_space<semaphore_mem>>
      %dma_start3A_287 = arith.constant 0 : i32
      %dma_start3A_288 = tpu.memref_slice %arg26[%add3A_267, %dma_start3A_287] : memref<10240x8xf32, #tpu.memory_space<vmem_shared>> -> memref<128x8xf32, #tpu.memory_space<vmem_shared>>
      %dma_start3A_289 = arith.constant 0 : i32
      %dma_start3A_290 = tpu.memref_slice %arg26[%add3A_267, %dma_start3A_289] : memref<10240x8xf32, #tpu.memory_space<vmem_shared>> -> memref<128x8xf32, #tpu.memory_space<vmem_shared>>
      tpu.enqueue_dma source(%dma_start3A_290 : memref<128x8xf32, #tpu.memory_space<vmem_shared>>) target(%arg27 : memref<128x8xf32, #tpu.memory_space<vmem>>) target_semaphore(%run_scoped3A_286 : memref<!tpu.dma_semaphore, #tpu.memory_space<semaphore_mem>>)
      %dma_wait3A_291 = arith.constant 0 : i32
      %dma_wait3A_292 = tpu.memref_slice %arg26[%add3A_267, %dma_wait3A_291] : memref<10240x8xf32, #tpu.memory_space<vmem_shared>> -> memref<128x8xf32, #tpu.memory_space<vmem_shared>>
      %dma_wait3A_293 = arith.constant 0 : i32
      %dma_wait3A_294 = tpu.memref_slice %arg26[%add3A_267, %dma_wait3A_293] : memref<10240x8xf32, #tpu.memory_space<vmem_shared>> -> memref<128x8xf32, #tpu.memory_space<vmem_shared>>
      tpu.wait_dma2 semaphore(%run_scoped3A_286 : memref<!tpu.dma_semaphore, #tpu.memory_space<semaphore_mem>>) src(%dma_wait3A_294 : memref<128x8xf32, #tpu.memory_space<vmem_shared>>) dst(%arg27 : memref<128x8xf32, #tpu.memory_space<vmem>>)
      tpu.yield
    }) : () -> ()
    "tpu.region"() ({
      %run_scoped3A_286 = tpu.sem_alloc : memref<!tpu.dma_semaphore, #tpu.memory_space<semaphore_mem>>
      %dma_start3A_287 = arith.constant 0 : i32
      %dma_start3A_288 = tpu.memref_slice %arg9[%arg0, %add3A_267, %dma_start3A_287] : memref<2x10240x8xf32, #tpu.memory_space<hbm>> -> memref<1x128x8xf32, #tpu.memory_space<hbm>>
      %dma_start3A_289 = tpu.memref_squeeze %dma_start3A_288 : memref<1x128x8xf32, #tpu.memory_space<hbm>> -> memref<128x8xf32, #tpu.memory_space<hbm>>
      %dma_start3A_290 = arith.constant 0 : i32
      %dma_start3A_291 = tpu.memref_slice %arg9[%arg0, %add3A_267, %dma_start3A_290] : memref<2x10240x8xf32, #tpu.memory_space<hbm>> -> memref<1x128x8xf32, #tpu.memory_space<hbm>>
      %dma_start3A_292 = tpu.memref_squeeze %dma_start3A_291 : memref<1x128x8xf32, #tpu.memory_space<hbm>> -> memref<128x8xf32, #tpu.memory_space<hbm>>
      tpu.enqueue_dma source(%arg27 : memref<128x8xf32, #tpu.memory_space<vmem>>) target(%dma_start3A_292 : memref<128x8xf32, #tpu.memory_space<hbm>>) target_semaphore(%run_scoped3A_286 : memref<!tpu.dma_semaphore, #tpu.memory_space<semaphore_mem>>)
      %dma_wait3A_293 = arith.constant 0 : i32
      %dma_wait3A_294 = tpu.memref_slice %arg9[%arg0, %add3A_267, %dma_wait3A_293] : memref<2x10240x8xf32, #tpu.memory_space<hbm>> -> memref<1x128x8xf32, #tpu.memory_space<hbm>>
      %dma_wait3A_295 = tpu.memref_squeeze %dma_wait3A_294 : memref<1x128x8xf32, #tpu.memory_space<hbm>> -> memref<128x8xf32, #tpu.memory_space<hbm>>
      %dma_wait3A_296 = arith.constant 0 : i32
      %dma_wait3A_297 = tpu.memref_slice %arg9[%arg0, %add3A_267, %dma_wait3A_296] : memref<2x10240x8xf32, #tpu.memory_space<hbm>> -> memref<1x128x8xf32, #tpu.memory_space<hbm>>
      %dma_wait3A_298 = tpu.memref_squeeze %dma_wait3A_297 : memref<1x128x8xf32, #tpu.memory_space<hbm>> -> memref<128x8xf32, #tpu.memory_space<hbm>>
      tpu.wait_dma2 semaphore(%run_scoped3A_286 : memref<!tpu.dma_semaphore, #tpu.memory_space<semaphore_mem>>) src(%arg27 : memref<128x8xf32, #tpu.memory_space<vmem>>) dst(%dma_wait3A_298 : memref<128x8xf32, #tpu.memory_space<hbm>>)
      tpu.yield
    }) : () -> ()
    %dma_wait3A_274 = arith.constant 0 : i32
    %dma_wait3A_275 = tpu.memref_slice %arg8[%arg0, %add3A_267, %dma_wait3A_274] : memref<2x10240x128xbf16, #tpu.memory_space<hbm>> -> memref<1x128x128xbf16, #tpu.memory_space<hbm>>
    %dma_wait3A_276 = tpu.memref_squeeze %dma_wait3A_275 : memref<1x128x128xbf16, #tpu.memory_space<hbm>> -> memref<128x128xbf16, #tpu.memory_space<hbm>>
    %dma_wait3A_277 = arith.constant 0 : i32
    %dma_wait3A_278 = tpu.memref_slice %arg8[%arg0, %add3A_267, %dma_wait3A_277] : memref<2x10240x128xbf16, #tpu.memory_space<hbm>> -> memref<1x128x128xbf16, #tpu.memory_space<hbm>>
    %dma_wait3A_279 = tpu.memref_squeeze %dma_wait3A_278 : memref<1x128x128xbf16, #tpu.memory_space<hbm>> -> memref<128x128xbf16, #tpu.memory_space<hbm>>
    tpu.wait_dma2 semaphore(%arg17 : memref<!tpu.dma_semaphore, #tpu.memory_space<semaphore_mem>>) src(%arg12 : memref<128x128xbf16, #tpu.memory_space<vmem>>) dst(%dma_wait3A_279 : memref<128x128xbf16, #tpu.memory_space<hbm>>)
    %dma_wait3A_280 = arith.constant 0 : i32
    %dma_wait3A_281 = tpu.memref_slice %arg8[%arg0, %add3A_253, %dma_wait3A_280] : memref<2x10240x128xbf16, #tpu.memory_space<hbm>> -> memref<1x128x128xbf16, #tpu.memory_space<hbm>>
    %dma_wait3A_282 = tpu.memref_squeeze %dma_wait3A_281 : memref<1x128x128xbf16, #tpu.memory_space<hbm>> -> memref<128x128xbf16, #tpu.memory_space<hbm>>
    %dma_wait3A_283 = arith.constant 0 : i32
    %dma_wait3A_284 = tpu.memref_slice %arg8[%arg0, %add3A_253, %dma_wait3A_283] : memref<2x10240x128xbf16, #tpu.memory_space<hbm>> -> memref<1x128x128xbf16, #tpu.memory_space<hbm>>
    %dma_wait3A_285 = tpu.memref_squeeze %dma_wait3A_284 : memref<1x128x128xbf16, #tpu.memory_space<hbm>> -> memref<128x128xbf16, #tpu.memory_space<hbm>>
    tpu.wait_dma2 semaphore(%arg18 : memref<!tpu.dma_semaphore, #tpu.memory_space<semaphore_mem>>) src(%arg13 : memref<128x128xbf16, #tpu.memory_space<vmem>>) dst(%dma_wait3A_285 : memref<128x128xbf16, #tpu.memory_space<hbm>>)
    return
  }
}

module attributes {stable_mosaic.version = 14 : i64} {
  func.func @_mm2_body(%arg0: i32, %arg1: memref<2560x128xf32, #tpu.memory_space<vmem>>, %arg2: memref<128x128xf32, #tpu.memory_space<vmem>>, %arg3: memref<128x128xf32, #tpu.memory_space<vmem>>, %arg4: memref<1x128xf32, #tpu.memory_space<vmem>>, %arg5: memref<2560x128xf32, #tpu.memory_space<vmem>>, %arg6: memref<2560x128xbf16, #tpu.memory_space<vmem>>) attributes {dimension_semantics = [#tpu.dimension_semantics<arbitrary>], iteration_bounds = array<i64: 4>, scalar_prefetch = 0 : i64, scratch_operands = 0 : i64, tpu.core_type = #tpu.core_type<tc>, window_params = [{transform_indices = @transform_0, window_bounds = array<i64: 2560, 128>}, {pipeline_mode = #tpu.pipeline_mode<synchronous>, transform_indices = @transform_1, window_bounds = array<i64: 128, 128>}, {pipeline_mode = #tpu.pipeline_mode<synchronous>, transform_indices = @transform_2, window_bounds = array<i64: 128, 128>}, {pipeline_mode = #tpu.pipeline_mode<synchronous>, transform_indices = @transform_3, window_bounds = array<i64: 1, 128>}, {transform_indices = @transform_4, window_bounds = array<i64: 2560, 128>}, {transform_indices = @transform_5, window_bounds = array<i64: 2560, 128>}]} {
    %get3A = arith.constant 0 : index
    %get3A_0 = arith.constant 0 : index
    %get3A_1 = vector.load %arg1[%get3A, %get3A_0] : memref<2560x128xf32, #tpu.memory_space<vmem>>, vector<2560x128xf32>
    %get3A_2 = arith.constant 0 : index
    %get3A_3 = arith.constant 0 : index
    %get3A_4 = vector.load %arg2[%get3A_2, %get3A_3] : memref<128x128xf32, #tpu.memory_space<vmem>>, vector<128x128xf32>
    %dot_general3A = arith.constant dense<0.000000e+00> : vector<2560x128xf32>
    %dot_general3A_5 = tpu.matmul %get3A_1, %get3A_4, %dot_general3A {dimension_numbers = #tpu.dot_dimension_numbers<[1], [0], [0], [1], [0, 0, 1, 1], [], []>, transpose_lhs_hint = false} : vector<2560x128xf32>, vector<128x128xf32>, vector<2560x128xf32> -> vector<2560x128xf32>
    %get3A_6 = arith.constant 0 : index
    %get3A_7 = arith.constant 0 : index
    %get3A_8 = vector.load %arg4[%get3A_6, %get3A_7] : memref<1x128xf32, #tpu.memory_space<vmem>>, vector<1x128xf32>
    %add3A = vector.broadcast %get3A_8 : vector<1x128xf32> to vector<2560x128xf32>
    %add3A_9 = arith.addf %dot_general3A_5, %add3A : vector<2560x128xf32>
    %swap3A = arith.constant 0 : index
    %swap3A_10 = arith.constant 0 : index
    %swap3A_11 = vector.load %arg5[%swap3A, %swap3A_10] : memref<2560x128xf32, #tpu.memory_space<vmem>>, vector<2560x128xf32>
    tpu.vector_store %arg5[%swap3A, %swap3A_10], %add3A_9 {strides = array<i32>} : memref<2560x128xf32, #tpu.memory_space<vmem>>, vector<2560x128xf32>,
    %get3A_12 = arith.constant 0 : index
    %get3A_13 = arith.constant 0 : index
    %get3A_14 = vector.load %arg3[%get3A_12, %get3A_13] : memref<128x128xf32, #tpu.memory_space<vmem>>, vector<128x128xf32>
    %dot_general3A_15 = arith.constant dense<0.000000e+00> : vector<2560x128xf32>
    %dot_general3A_16 = tpu.matmul %get3A_1, %get3A_14, %dot_general3A_15 {dimension_numbers = #tpu.dot_dimension_numbers<[1], [0], [0], [1], [0, 0, 1, 1], [], []>, transpose_lhs_hint = false} : vector<2560x128xf32>, vector<128x128xf32>, vector<2560x128xf32> -> vector<2560x128xf32>
    %convert_element_type3A = arith.truncf %dot_general3A_16 : vector<2560x128xf32> to vector<2560x128xbf16>
    %swap3A_17 = arith.constant 0 : index
    %swap3A_18 = arith.constant 0 : index
    %swap3A_19 = vector.load %arg6[%swap3A_17, %swap3A_18] : memref<2560x128xbf16, #tpu.memory_space<vmem>>, vector<2560x128xbf16>
    tpu.vector_store %arg6[%swap3A_17, %swap3A_18], %convert_element_type3A {strides = array<i32>} : memref<2560x128xbf16, #tpu.memory_space<vmem>>, vector<2560x128xbf16>,
    return
  }
  func.func @transform_0(%arg0: i32) -> (i32, i32) {
    %c0_i32 = arith.constant 0 : i32
    %c0_i32_0 = arith.constant 0 : i32
    return %arg0, %c0_i32 : i32, i32
  }
  func.func @transform_1(%arg0: i32) -> (i32, i32) {
    %c0_i32 = arith.constant 0 : i32
    %c0_i32_0 = arith.constant 0 : i32
    %c0_i32_1 = arith.constant 0 : i32
    return %c0_i32, %c0_i32_0 : i32, i32
  }
  func.func @transform_2(%arg0: i32) -> (i32, i32) {
    %c0_i32 = arith.constant 0 : i32
    %c0_i32_0 = arith.constant 0 : i32
    %c0_i32_1 = arith.constant 0 : i32
    return %c0_i32, %c0_i32_0 : i32, i32
  }
  func.func @transform_3(%arg0: i32) -> (i32, i32) {
    %c0_i32 = arith.constant 0 : i32
    %c0_i32_0 = arith.constant 0 : i32
    %c0_i32_1 = arith.constant 0 : i32
    return %c0_i32, %c0_i32_0 : i32, i32
  }
  func.func @transform_4(%arg0: i32) -> (i32, i32) {
    %c0_i32 = arith.constant 0 : i32
    %c0_i32_0 = arith.constant 0 : i32
    return %arg0, %c0_i32 : i32, i32
  }
  func.func @transform_5(%arg0: i32) -> (i32, i32) {
    %c0_i32 = arith.constant 0 : i32
    %c0_i32_0 = arith.constant 0 : i32
    return %arg0, %c0_i32 : i32, i32
  }
}

module attributes {stable_mosaic.version = 14 : i64} {
  func.func @_combine_mm_body(%arg0: i32, %arg1: memref<2560x128xf32, #tpu.memory_space<vmem>>, %arg2: memref<2x2560x128xbf16, #tpu.memory_space<vmem>>, %arg3: memref<2x2560x8xf32, #tpu.memory_space<vmem>>, %arg4: memref<128x128xf32, #tpu.memory_space<vmem>>, %arg5: memref<128x128xf32, #tpu.memory_space<vmem>>, %arg6: memref<1x128xf32, #tpu.memory_space<vmem>>, %arg7: memref<2560x128xf32, #tpu.memory_space<vmem>>, %arg8: memref<2560x128xbf16, #tpu.memory_space<vmem>>) attributes {dimension_semantics = [#tpu.dimension_semantics<arbitrary>], iteration_bounds = array<i64: 4>, scalar_prefetch = 0 : i64, scratch_operands = 0 : i64, tpu.core_type = #tpu.core_type<tc>, window_params = [{transform_indices = @transform_0, window_bounds = array<i64: 2560, 128>}, {transform_indices = @transform_1, window_bounds = array<i64: 2, 2560, 128>}, {transform_indices = @transform_2, window_bounds = array<i64: 2, 2560, 8>}, {pipeline_mode = #tpu.pipeline_mode<synchronous>, transform_indices = @transform_3, window_bounds = array<i64: 128, 128>}, {pipeline_mode = #tpu.pipeline_mode<synchronous>, transform_indices = @transform_4, window_bounds = array<i64: 128, 128>}, {pipeline_mode = #tpu.pipeline_mode<synchronous>, transform_indices = @transform_5, window_bounds = array<i64: 1, 128>}, {transform_indices = @transform_6, window_bounds = array<i64: 2560, 128>}, {transform_indices = @transform_7, window_bounds = array<i64: 2560, 128>}]} {
    %get3A = arith.constant 0 : index
    %get3A_0 = arith.constant 0 : index
    %get3A_1 = arith.constant 0 : index
    %get3A_2 = vector.load %arg3[%get3A, %get3A_0, %get3A_1] : memref<2x2560x8xf32, #tpu.memory_space<vmem>>, vector<1x2560x8xf32>
    %get3A_3 = vector.shape_cast %get3A_2 : vector<1x2560x8xf32> to vector<2560x8xf32>
    %get3A_4 = arith.constant 1 : index
    %get3A_5 = arith.constant 0 : index
    %get3A_6 = arith.constant 0 : index
    %get3A_7 = vector.load %arg3[%get3A_4, %get3A_5, %get3A_6] : memref<2x2560x8xf32, #tpu.memory_space<vmem>>, vector<1x2560x8xf32>
    %get3A_8 = vector.shape_cast %get3A_7 : vector<1x2560x8xf32> to vector<2560x8xf32>
    %add3A = arith.addf %get3A_3, %get3A_8 : vector<2560x8xf32>
    %slice3A = vector.extract_strided_slice %add3A {offsets = [0, 0], sizes = [2560, 1], strides = [1, 1]} : vector<2560x8xf32> to vector<2560x1xf32>
    %max3A = arith.constant 1.000000e+00 : f32
    %max3A_9 = vector.broadcast %max3A : f32 to vector<2560x1xf32>
    %max3A_10 = arith.maximumf %slice3A, %max3A_9 : vector<2560x1xf32>
    %div3A = arith.constant 1.000000e+00 : f32
    %div3A_11 = vector.broadcast %div3A : f32 to vector<2560x1xf32>
    %div3A_12 = arith.divf %div3A_11, %max3A_10 : vector<2560x1xf32>
    %get3A_13 = arith.constant 0 : index
    %get3A_14 = arith.constant 0 : index
    %get3A_15 = arith.constant 0 : index
    %get3A_16 = vector.load %arg2[%get3A_13, %get3A_14, %get3A_15] : memref<2x2560x128xbf16, #tpu.memory_space<vmem>>, vector<1x2560x128xbf16>
    %get3A_17 = vector.shape_cast %get3A_16 : vector<1x2560x128xbf16> to vector<2560x128xbf16>
    %get3A_18 = arith.constant 1 : index
    %get3A_19 = arith.constant 0 : index
    %get3A_20 = arith.constant 0 : index
    %get3A_21 = vector.load %arg2[%get3A_18, %get3A_19, %get3A_20] : memref<2x2560x128xbf16, #tpu.memory_space<vmem>>, vector<1x2560x128xbf16>
    %get3A_22 = vector.shape_cast %get3A_21 : vector<1x2560x128xbf16> to vector<2560x128xbf16>
    %add3A_23 = arith.addf %get3A_17, %get3A_22 : vector<2560x128xbf16>
    %convert_element_type3A = arith.extf %add3A_23 : vector<2560x128xbf16> to vector<2560x128xf32>
    %get3A_24 = arith.constant 0 : index
    %get3A_25 = arith.constant 0 : index
    %get3A_26 = vector.load %arg1[%get3A_24, %get3A_25] : memref<2560x128xf32, #tpu.memory_space<vmem>>, vector<2560x128xf32>
    %mul3A = vector.broadcast %div3A_12 : vector<2560x1xf32> to vector<2560x128xf32>
    %mul3A_27 = arith.mulf %convert_element_type3A, %mul3A : vector<2560x128xf32>
    %add3A_28 = arith.addf %get3A_26, %mul3A_27 : vector<2560x128xf32>
    %max3A_29 = arith.constant 0.000000e+00 : f32
    %max3A_30 = vector.broadcast %max3A_29 : f32 to vector<2560x128xf32>
    %max3A_31 = arith.maximumf %add3A_28, %max3A_30 : vector<2560x128xf32>
    %get3A_32 = arith.constant 0 : index
    %get3A_33 = arith.constant 0 : index
    %get3A_34 = vector.load %arg4[%get3A_32, %get3A_33] : memref<128x128xf32, #tpu.memory_space<vmem>>, vector<128x128xf32>
    %dot_general3A = arith.constant dense<0.000000e+00> : vector<2560x128xf32>
    %dot_general3A_35 = tpu.matmul %max3A_31, %get3A_34, %dot_general3A {dimension_numbers = #tpu.dot_dimension_numbers<[1], [0], [0], [1], [0, 0, 1, 1], [], []>, transpose_lhs_hint = false} : vector<2560x128xf32>, vector<128x128xf32>, vector<2560x128xf32> -> vector<2560x128xf32>
    %get3A_36 = arith.constant 0 : index
    %get3A_37 = arith.constant 0 : index
    %get3A_38 = vector.load %arg6[%get3A_36, %get3A_37] : memref<1x128xf32, #tpu.memory_space<vmem>>, vector<1x128xf32>
    %add3A_39 = vector.broadcast %get3A_38 : vector<1x128xf32> to vector<2560x128xf32>
    %add3A_40 = arith.addf %dot_general3A_35, %add3A_39 : vector<2560x128xf32>
    %swap3A = arith.constant 0 : index
    %swap3A_41 = arith.constant 0 : index
    %swap3A_42 = vector.load %arg7[%swap3A, %swap3A_41] : memref<2560x128xf32, #tpu.memory_space<vmem>>, vector<2560x128xf32>
    tpu.vector_store %arg7[%swap3A, %swap3A_41], %add3A_40 {strides = array<i32>} : memref<2560x128xf32, #tpu.memory_space<vmem>>, vector<2560x128xf32>,
    %get3A_43 = arith.constant 0 : index
    %get3A_44 = arith.constant 0 : index
    %get3A_45 = vector.load %arg5[%get3A_43, %get3A_44] : memref<128x128xf32, #tpu.memory_space<vmem>>, vector<128x128xf32>
    %dot_general3A_46 = arith.constant dense<0.000000e+00> : vector<2560x128xf32>
    %dot_general3A_47 = tpu.matmul %max3A_31, %get3A_45, %dot_general3A_46 {dimension_numbers = #tpu.dot_dimension_numbers<[1], [0], [0], [1], [0, 0, 1, 1], [], []>, transpose_lhs_hint = false} : vector<2560x128xf32>, vector<128x128xf32>, vector<2560x128xf32> -> vector<2560x128xf32>
    %convert_element_type3A_48 = arith.truncf %dot_general3A_47 : vector<2560x128xf32> to vector<2560x128xbf16>
    %swap3A_49 = arith.constant 0 : index
    %swap3A_50 = arith.constant 0 : index
    %swap3A_51 = vector.load %arg8[%swap3A_49, %swap3A_50] : memref<2560x128xbf16, #tpu.memory_space<vmem>>, vector<2560x128xbf16>
    tpu.vector_store %arg8[%swap3A_49, %swap3A_50], %convert_element_type3A_48 {strides = array<i32>} : memref<2560x128xbf16, #tpu.memory_space<vmem>>, vector<2560x128xbf16>,
    return
  }
  func.func @transform_0(%arg0: i32) -> (i32, i32) {
    %c0_i32 = arith.constant 0 : i32
    %c0_i32_0 = arith.constant 0 : i32
    return %arg0, %c0_i32 : i32, i32
  }
  func.func @transform_1(%arg0: i32) -> (i32, i32, i32) {
    %c0_i32 = arith.constant 0 : i32
    %c0_i32_0 = arith.constant 0 : i32
    %c0_i32_1 = arith.constant 0 : i32
    return %c0_i32, %arg0, %c0_i32_0 : i32, i32, i32
  }
  func.func @transform_2(%arg0: i32) -> (i32, i32, i32) {
    %c0_i32 = arith.constant 0 : i32
    %c0_i32_0 = arith.constant 0 : i32
    %c0_i32_1 = arith.constant 0 : i32
    return %c0_i32, %arg0, %c0_i32_0 : i32, i32, i32
  }
  func.func @transform_3(%arg0: i32) -> (i32, i32) {
    %c0_i32 = arith.constant 0 : i32
    %c0_i32_0 = arith.constant 0 : i32
    %c0_i32_1 = arith.constant 0 : i32
    return %c0_i32, %c0_i32_0 : i32, i32
  }
  func.func @transform_4(%arg0: i32) -> (i32, i32) {
    %c0_i32 = arith.constant 0 : i32
    %c0_i32_0 = arith.constant 0 : i32
    %c0_i32_1 = arith.constant 0 : i32
    return %c0_i32, %c0_i32_0 : i32, i32
  }
  func.func @transform_5(%arg0: i32) -> (i32, i32) {
    %c0_i32 = arith.constant 0 : i32
    %c0_i32_0 = arith.constant 0 : i32
    %c0_i32_1 = arith.constant 0 : i32
    return %c0_i32, %c0_i32_0 : i32, i32
  }
  func.func @transform_6(%arg0: i32) -> (i32, i32) {
    %c0_i32 = arith.constant 0 : i32
    %c0_i32_0 = arith.constant 0 : i32
    return %arg0, %c0_i32 : i32, i32
  }
  func.func @transform_7(%arg0: i32) -> (i32, i32) {
    %c0_i32 = arith.constant 0 : i32
    %c0_i32_0 = arith.constant 0 : i32
    return %arg0, %c0_i32 : i32, i32
  }
}

module attributes {stable_mosaic.version = 14 : i64} {
  func.func @_combine_body(%arg0: i32, %arg1: memref<2000x128xf32, #tpu.memory_space<vmem>>, %arg2: memref<2x2000x128xbf16, #tpu.memory_space<vmem>>, %arg3: memref<2x2000x8xf32, #tpu.memory_space<vmem>>, %arg4: memref<2000x128xf32, #tpu.memory_space<vmem>>) attributes {dimension_semantics = [#tpu.dimension_semantics<arbitrary>], iteration_bounds = array<i64: 5>, scalar_prefetch = 0 : i64, scratch_operands = 0 : i64, tpu.core_type = #tpu.core_type<tc>, window_params = [{transform_indices = @transform_0, window_bounds = array<i64: 2000, 128>}, {transform_indices = @transform_1, window_bounds = array<i64: 2, 2000, 128>}, {transform_indices = @transform_2, window_bounds = array<i64: 2, 2000, 8>}, {transform_indices = @transform_3, window_bounds = array<i64: 2000, 128>}]} {
    %get3A = arith.constant 0 : index
    %get3A_0 = arith.constant 0 : index
    %get3A_1 = arith.constant 0 : index
    %get3A_2 = vector.load %arg3[%get3A, %get3A_0, %get3A_1] : memref<2x2000x8xf32, #tpu.memory_space<vmem>>, vector<1x2000x8xf32>
    %get3A_3 = vector.shape_cast %get3A_2 : vector<1x2000x8xf32> to vector<2000x8xf32>
    %get3A_4 = arith.constant 1 : index
    %get3A_5 = arith.constant 0 : index
    %get3A_6 = arith.constant 0 : index
    %get3A_7 = vector.load %arg3[%get3A_4, %get3A_5, %get3A_6] : memref<2x2000x8xf32, #tpu.memory_space<vmem>>, vector<1x2000x8xf32>
    %get3A_8 = vector.shape_cast %get3A_7 : vector<1x2000x8xf32> to vector<2000x8xf32>
    %add3A = arith.addf %get3A_3, %get3A_8 : vector<2000x8xf32>
    %slice3A = vector.extract_strided_slice %add3A {offsets = [0, 0], sizes = [2000, 1], strides = [1, 1]} : vector<2000x8xf32> to vector<2000x1xf32>
    %max3A = arith.constant 1.000000e+00 : f32
    %max3A_9 = vector.broadcast %max3A : f32 to vector<2000x1xf32>
    %max3A_10 = arith.maximumf %slice3A, %max3A_9 : vector<2000x1xf32>
    %div3A = arith.constant 1.000000e+00 : f32
    %div3A_11 = vector.broadcast %div3A : f32 to vector<2000x1xf32>
    %div3A_12 = arith.divf %div3A_11, %max3A_10 : vector<2000x1xf32>
    %get3A_13 = arith.constant 0 : index
    %get3A_14 = arith.constant 0 : index
    %get3A_15 = arith.constant 0 : index
    %get3A_16 = vector.load %arg2[%get3A_13, %get3A_14, %get3A_15] : memref<2x2000x128xbf16, #tpu.memory_space<vmem>>, vector<1x2000x128xbf16>
    %get3A_17 = vector.shape_cast %get3A_16 : vector<1x2000x128xbf16> to vector<2000x128xbf16>
    %get3A_18 = arith.constant 1 : index
    %get3A_19 = arith.constant 0 : index
    %get3A_20 = arith.constant 0 : index
    %get3A_21 = vector.load %arg2[%get3A_18, %get3A_19, %get3A_20] : memref<2x2000x128xbf16, #tpu.memory_space<vmem>>, vector<1x2000x128xbf16>
    %get3A_22 = vector.shape_cast %get3A_21 : vector<1x2000x128xbf16> to vector<2000x128xbf16>
    %add3A_23 = arith.addf %get3A_17, %get3A_22 : vector<2000x128xbf16>
    %convert_element_type3A = arith.extf %add3A_23 : vector<2000x128xbf16> to vector<2000x128xf32>
    %get3A_24 = arith.constant 0 : index
    %get3A_25 = arith.constant 0 : index
    %get3A_26 = vector.load %arg1[%get3A_24, %get3A_25] : memref<2000x128xf32, #tpu.memory_space<vmem>>, vector<2000x128xf32>
    %mul3A = vector.broadcast %div3A_12 : vector<2000x1xf32> to vector<2000x128xf32>
    %mul3A_27 = arith.mulf %convert_element_type3A, %mul3A : vector<2000x128xf32>
    %add3A_28 = arith.addf %get3A_26, %mul3A_27 : vector<2000x128xf32>
    %max3A_29 = arith.constant 0.000000e+00 : f32
    %max3A_30 = vector.broadcast %max3A_29 : f32 to vector<2000x128xf32>
    %max3A_31 = arith.maximumf %add3A_28, %max3A_30 : vector<2000x128xf32>
    %swap3A = arith.constant 0 : index
    %swap3A_32 = arith.constant 0 : index
    %swap3A_33 = vector.load %arg4[%swap3A, %swap3A_32] : memref<2000x128xf32, #tpu.memory_space<vmem>>, vector<2000x128xf32>
    tpu.vector_store %arg4[%swap3A, %swap3A_32], %max3A_31 {strides = array<i32>} : memref<2000x128xf32, #tpu.memory_space<vmem>>, vector<2000x128xf32>,
    return
  }
  func.func @transform_0(%arg0: i32) -> (i32, i32) {
    %c0_i32 = arith.constant 0 : i32
    %c0_i32_0 = arith.constant 0 : i32
    return %arg0, %c0_i32 : i32, i32
  }
  func.func @transform_1(%arg0: i32) -> (i32, i32, i32) {
    %c0_i32 = arith.constant 0 : i32
    %c0_i32_0 = arith.constant 0 : i32
    %c0_i32_1 = arith.constant 0 : i32
    return %c0_i32, %arg0, %c0_i32_0 : i32, i32, i32
  }
  func.func @transform_2(%arg0: i32) -> (i32, i32, i32) {
    %c0_i32 = arith.constant 0 : i32
    %c0_i32_0 = arith.constant 0 : i32
    %c0_i32_1 = arith.constant 0 : i32
    return %c0_i32, %arg0, %c0_i32_0 : i32, i32, i32
  }
  func.func @transform_3(%arg0: i32) -> (i32, i32) {
    %c0_i32 = arith.constant 0 : i32
    %c0_i32_0 = arith.constant 0 : i32
    return %arg0, %c0_i32 : i32, i32
  }
}

</mosaic_0001>

<sc_bundles>
// kernel: kernel.10.cloned.1.call-start
scs
__scs_entry_jumppad:
0x0: {  	(pc) =	sbr.rel $0x88, $3  }
0x1: {  	(tag) =	ssettag $0x0;
	lr =	simm.s32 $0x1  }
0x2: {  	[smem:$0x3F99] =	sst lr;
	_ =	strace $0xD0000000  }
0x3: {  	_ = 	snop  }
0x4: {  	_ = 	snop  }
0x5: {  	_ = 	snop  }
0x6: {  	_ = 	snop  }
0x7: {  	_ = 	snop  }
__scs_overlays_trampoline_lowered:
0x8: {  	[smem:$0x3FA8] =	sst s0  }
0x9: {  	[smem:$0x3FA9] =	sst s1  }
0xa: {  	[smem:$0x3FAA] =	sst s2  }
0xb: {  	[smem:$0x3FAB] =	sst s3  }
0xc: {  	[smem:$0x3FAC] =	sst s4  }
0xd: {  	[smem:$0x3FAD] =	sst s5  }
0xe: {  	[smem:$0x3FAE] =	sst s6  }
0xf: {  	[smem:$0x3FAF] =	sst s7  }
0x10: {  	[smem:$0x3FB0] =	sst s8  }
0x11: {  	[smem:$0x3FB1] =	sst s9;
	s0 =	simm.s32 @!p0 $0x0  }
0x12: {  	s1 =	sld [smem:$0x3F97];
	s0 =	simm.s32 @p0 $0x1  }
0x13: {  	[smem:$0x3FB2] =	sst s0;
	s0 =	simm.s32 @!p1 $0x0  }
0x14: {  	s2 =	sld [smem:$0x3F96];
	s0 =	simm.s32 @p1 $0x1  }
0x15: {  	[smem:$0x3FB3] =	sst s0;
	s0 =	simm.s32 @!p2 $0x0  }
0x16: {  	s3 =	sld [smem:$0x3FDB];
	s0 =	simm.s32 @p2 $0x1  }
0x17: {  	s4 =	simm.s32 $0x1BF5;
	[smem:$0x3FB5] =	sst s0  }
0x18: {  	s0 =	sld [smem:$0x3F98];
	_ =	swait.ge [sflag:s4], $0x0  }
0x19: {  	s7 =	sld [smem:$0x3F99]  }
0x1a: {  	s8 =	sadd.s32 $0xFFFFE003, lr  }
0x1b: {  	s9 =	sadd.s32 $0xFFFFFEF7, lr;
	s5 =	simm.s32 $0xFFFFFFFF;
	p2 =	slt.u32 s8, $0xFFFFF086  }
0x1c: {  	p1 =	slt.u32 s9, $0xF7A;
	s5 =	simm.s32 @!p2 $0x0  }
0x1d: {  	s5 =	simm.s32 @p1 $0x1;
	p0 =	seq.s32 s7, s2  }
0x1e: {  	s7 =	smul.u32 @!p0 $0xF7A, s2;
	p2 =	seq.s32 @!p0 s5, $0x0  }
0x1f: {  	s9 =	smul.u32 $0xF7A, s1;
	s8 =	simm.s32 @!p0 $0x1BF5;
	p2 =	por !p2, p0  }
0x20: {  	[sflag:s8] =	ssyncset.s32 @!p0 $0xFFFFF086;
	s6 =	sadd.s32 @!p0 s3, s7;
	s7 =	simm.s32 @!p0 $0x108  }
0x21: {  	s3 =	sadd.s32 s3, s9;
	s6 =	sadd.s32 @!p0 $0x88, s6;
	s7 =	simm.s32 @p2 $0x1082  }
0x22: {  	[simem:s7], [sflag:s8] =	dma.local @!p0 [hbm:s6], $0xF7A  }
0x23: {  	s9 =	sor.u32 $0xD0000000, s2;
	s6 =	simm.s32 $0x108;
	_ =	swait.ge @!p0 [sflag:s8], $0x0  }
0x24: {  	s3 =	sadd.s32 $0x88, s3;
	s6 =	simm.s32 @!p1 $0x1082;
	[sflag:s4] =	ssyncset.s32 $0xFFFFF086  }
0x25: {  	[simem:s6], [sflag:s4] =	dma.local [hbm:s3], $0xF7A  }
0x26: {  	[smem:$0x3F99] =	sst s1;
	(tag) =	ssettag s2;
	_ =	strace s9  }
0x27: {  	s1 =	sld [smem:$0x3FA9]  }
0x28: {  	s2 =	sld [smem:$0x3FAA]  }
0x29: {  	s4 =	sld [smem:$0x3FAC]  }
0x2a: {  	p0 =	seq.s32 s5, $0x0;
	s5 =	sld [smem:$0x3FAD]  }
0x2b: {  	s6 =	sld [smem:$0x3FAE]  }
0x2c: {  	s7 =	sld [smem:$0x3FAF]  }
0x2d: {  	s3 =	simm.s32 $0x108;
	s8 =	sld [smem:$0x3FB0]  }
0x2e: {  	s3 =	simm.s32 @!p0 $0x1082;
	s9 =	sld [smem:$0x3FB1]  }
0x2f: {  	lr =	sadd.s32 s0, s3;
	s0 =	sld [smem:$0x3FA8]  }
0x30: {  	s3 =	sld [smem:$0x3FAB]  }
0x31: {  	[smem:$0x3FB4] =	sst s10  }
0x32: {  	s10 =	sld [smem:$0x3FB2];
	_ =	sdelay $0x3  }
0x33: {  	p0 =	seq.s32 s10, $0x1;
	s10 =	sld [smem:$0x3FB4];
	_ =	sdelay $0x3  }
0x34: {  	[smem:$0x3FB4] =	sst s10  }
0x35: {  	s10 =	sld [smem:$0x3FB3];
	_ =	sdelay $0x3  }
0x36: {  	p1 =	seq.s32 s10, $0x1;
	s10 =	sld [smem:$0x3FB4];
	_ =	sdelay $0x3  }
0x37: {  	[smem:$0x3FB4] =	sst s10  }
0x38: {  	s10 =	sld [smem:$0x3FB5]  }
0x39: {  	_ = 	snop;
	(pc) =	sbr.ind lr, $3  }
0x3a: {  	_ = 	snop  }
0x3b: {  	_ = 	snop  }
0x3c: {  	p2 =	seq.s32 s10, $0x1;
	s10 =	sld [smem:$0x3FB4]  }
0x3d: {  	_ =	shalt  }
0x3e: {  	_ =	shalt  }
0x3f: {  	_ =	shalt  }
0x40: {  	_ =	shalt  }
0x41: {  	_ =	shalt  }
0x42: {  	_ =	shalt  }
0x43: {  	_ =	shalt  }
0x44: {  	_ =	shalt  }
0x45: {  	_ =	shalt  }
0x46: {  	_ =	shalt  }
0x47: {  	_ =	shalt  }
0x48: {  	_ =	shalt  }
0x49: {  	_ =	shalt  }
0x4a: {  	_ =	shalt  }
0x4b: {  	_ =	shalt  }
0x4c: {  	_ =	shalt  }
0x4d: {  	_ =	shalt  }
0x4e: {  	_ =	shalt  }
0x4f: {  	_ =	shalt  }
0x50: {  	_ =	shalt  }
0x51: {  	_ =	shalt  }
0x52: {  	_ =	shalt  }
0x53: {  	_ =	shalt  }
0x54: {  	_ =	shalt  }
0x55: {  	_ =	shalt  }
0x56: {  	_ =	shalt  }
0x57: {  	_ =	shalt  }
0x58: {  	_ =	shalt  }
0x59: {  	_ =	shalt  }
0x5a: {  	_ =	shalt  }
0x5b: {  	_ =	shalt  }
0x5c: {  	_ =	shalt  }
0x5d: {  	_ =	shalt  }
0x5e: {  	_ =	shalt  }
0x5f: {  	_ =	shalt  }
0x60: {  	_ =	shalt  }
0x61: {  	_ =	shalt  }
0x62: {  	_ =	shalt  }
0x63: {  	_ =	shalt  }
0x64: {  	_ =	shalt  }
0x65: {  	_ =	shalt  }
0x66: {  	_ =	shalt  }
0x67: {  	_ =	shalt  }
0x68: {  	_ =	shalt  }
0x69: {  	_ =	shalt  }
0x6a: {  	_ =	shalt  }
0x6b: {  	_ =	shalt  }
0x6c: {  	_ =	shalt  }
0x6d: {  	_ =	shalt  }
0x6e: {  	_ =	shalt  }
0x6f: {  	_ =	shalt  }
0x70: {  	_ =	shalt  }
0x71: {  	_ =	shalt  }
0x72: {  	_ =	shalt  }
0x73: {  	_ =	shalt  }
0x74: {  	_ =	shalt  }
0x75: {  	_ =	shalt  }
0x76: {  	_ =	shalt  }
0x77: {  	_ =	shalt  }
0x78: {  	_ =	shalt  }
0x79: {  	_ =	shalt  }
0x7a: {  	_ =	shalt  }
0x7b: {  	_ =	shalt  }
0x7c: {  	_ =	shalt  }
0x7d: {  	_ =	shalt  }
0x7e: {  	_ =	shalt  }
0x7f: {  	_ =	shalt  }
0x80: {  	_ =	shalt  }
0x81: {  	_ =	shalt  }
0x82: {  	_ =	shalt  }
0x83: {  	_ =	shalt  }
0x84: {  	_ =	shalt  }
0x85: {  	_ =	shalt  }
0x86: {  	_ =	shalt  }
0x87: {  	_ =	shalt  }
.Lfunc_end0:
.L_simem_size_0:
called_computation.1_lowered:
.L_overlay_start_0:
0x88: {  	s2 =	sld [smem:$0x3FD9]  }
0x89: {  	s3 =	sld [smem:$0x3FFE];
	_ =	sdelay $0x1  }
0x8a: {  	s1 =	srdreg.scid  }
0x8b: {  	s0 =	sand.u32 $0x1, s1  }
0x8c: {  	s17 =	sshll.u32 s0, $0xA;
	s2 =	sadd.s32 s3, s2  }
0x8d: {  	s2 =	sadd.s32 s2, s17  }
0x8e: {  	[smem:$0x3FC0] =	sst s2  }
0x8f: {  	_ = 	snop  }
0x90: {  	s2 =	sld [smem:$0x3FD0];
	(tm) =	ssettm $0x1  }
0x91: {  	s18 =	sld [smem:$0x3FFB];
	_ =	sdelay $0x3  }
0x92: {  	_ =	strace s18  }
0x93: {  	s3 =	sld [smem:$0x3FFC];
	_ =	sdelay $0x3  }
0x94: {  	_ =	strace s3  }
0x95: {  	s3 =	sld [smem:$0x3FFD];
	_ =	sdelay $0x3  }
0x96: {  	_ =	strace s3  }
0x97: {  	_ =	strace $0x8FFFFFFF  }
0x98: {  	s19 =	sld [smem:$0x3FDB];
	_ =	sdelay $0x1  }
0x99: {  	s4 =	simm.s32 $_scs_section_size  }
0x9a: {  	s5 =	simm.s32 $_size__tile_overlayer_lowered;
	s6 =	simm.s32 $_tile_overlayer_lowered  }
0x9b: {  	s22 =	simm.s32 $0x1BFF;
	s21 =	sshll.u32 s6, $0x1;
	s3 =	sadd.s32 s4, s19  }
0x9c: {  	s7 =	simm.s32 $0x0;
	s20 =	sshll.u32 s5, $0x1;
	s5 =	sadd.s32 s21, s3  }
0x9d: {  	[timem:s7], [sflag:s22] =	dma.local [hbm:s5], s20  }
0x9e: {  	_ =	swait.ge [sflag:s22], s20  }
0x9f: {  	s4 =	ssub.s32 $0x0, s20;
	[sflag:s22] =	ssyncset.done $0x0  }
0xa0: {  	[sflag:s22] =	ssyncadd.s32 s4;
	_ =	sdelay $0x1  }
0xa1: {  	s23 =	simm.s32 $0x1B8B  }
0xa2: {  	_ =	swait.ge [sflag:s23], $0x1  }
0xa3: {  	[sflag:s23] =	ssyncset.done $0x0  }
0xa4: {  	s25 =	simm.s32 $0x1B8E;
	s24 =	sld [smem:$0x3FFE];
	[sflag:s23] =	ssyncadd.s32 $0xFFFFFFFF  }
0xa5: {  	s26 =	simm.s32 $execute0_lowered;
	[smem:$0x3FD2] =	sst s25  }
0xa6: {  	s5 =	sshll.u32 s26, $0x1;
	_ =	strace $0x80000049;
	[dreg:$0x1] =	wrdreg $0xFFFFFFFF  }
0xa7: {  	s28 =	simm.s32 $_size_execute0_lowered;
	s3 =	sadd.s32 s3, s5;
	[dreg:$0x0] =	wrdreg $0x0  }
0xa8: {  	s5 =	sshll.u32 s28, $0x1;
	[dreg:$0x2] =	wrdreg s3  }
0xa9: {  	[dreg:$0x3] =	wrdreg s5  }
0xaa: {  	[dreg:$0x4] =	wrdreg $0xC0  }
0xab: {  	_ =	task [dreg:s7], $0x5FFFF  }
0xac: {  	[dreg:$0x1] =	wrdreg $0xFFFFFFFF  }
0xad: {  	[dreg:$0x0] =	wrdreg $0x60  }
0xae: {  	[dreg:$0x2] =	wrdreg s2  }
0xaf: {  	[dreg:$0x3] =	wrdreg s24  }
0xb0: {  	[dreg:$0x4] =	wrdreg $0xD0000  }
0xb1: {  	[dreg:$0x5] =	wrdreg $0x9  }
0xb2: {  	_ =	task.clear_ibuf [dreg:s7], $0x6FFFF;
	_ =	strace $0x90000049  }
0xb3: {  	s29 =	simm.s32 $0x9;
	_ =	strace $0x8000004B  }
0xb4: {  	_ =	swait.ge [sflag:s29], $0x1  }
0xb5: {  	[sflag:s29] =	ssyncadd.s32 $0xFFFFFFFF  }
0xb6: {  	_ =	strace $0x9000004B  }
0xb7: {  	_ =	sfence  }
0xb8: {  	s30 =	sld [smem:$0x0];
	_ =	sdelay $0x2  }
0xb9: {  	s31 =	sshll.u32 s1, $0xD;
	s1 =	sshrl.u32 s1, $0x2  }
0xba: {  	s3 =	sand.u32 $0x4000, s31;
	s1 =	sadd.s32 s1, s30  }
0xbb: {  	s0 =	sor.u32 s3, s0;
	s1 =	sshll.u32 s1, $0x11  }
0xbc: {  	s0 =	sor.u32 s1, s0  }
0xbd: {  	s0 =	sadd.s32 $0x8F2B, s0  }
0xbe: {  	[sflag:s0] =	ssyncadd.remote.s32 $0x1  }
0xbf: {  	_ =	sfence.sel $0xFFFF  }
0xc0: {  	[dreg:$0x0] =	wrdreg $0xFFFFFFFF;
	(pc) =	sbr.abs _section_cstart, $3  }
0xc1: {  	[dreg:$0x1] =	wrdreg $0xFFFFFFFF  }
0xc2: {  	_ =	task.clear_ibuf [dreg:s7], $0x2FFFF;
	_ =	strace $0x9FFFFFFF  }
0xc3: {  	(tm) =	ssettm $0x7FFFFFFF  }
tec
execute0_lowered:
.L_overlay_start_1:
0x0: {  	(tag) =	ssettag $0x1  }
0x1: {  	s0 =	rddreg [dreg:$0x0]  }
0x2: {  	s1 =	srdreg.scid;
	s2 =	rddreg [dreg:$0x1]  }
0x3: {  	s3 =	rddreg [dreg:$0x2];
	s7 =	stileid.u32  }
0x4: {  	s4 =	simm.s32 $0x0;
	s29 =	simm.s32 $0xB000;
	s30 =	simm.s32 $0x2  }
0x5: {  	s31 =	simm.s32 $0x5;
	s28 =	simm.s32 $0x8;
	s1 =	sand.u32 $0x1, s1  }
0x6: {  	[smem:$0x7FF] =	sst s4;
	s11 =	smul.u32 $0x14000, s7;
	s18 =	sadd.s32 $0x2C00, s2  }
0x7: {  	s5 =	sshll.u32 s1, $0x4;
	_ =	strace $0x8000004A;
	s6 =	ssub.s32 $0x2, s1  }
0x8: {  	[dreg:$0x4] =	wrdreg s18;
	s1 =	smul.u32 $0x140000, s1;
	s5 =	sor.u32 s7, s5  }
0x9: {  	s19 =	sshrl.u32 s6, $0x1;
	s13 =	sadd.s32 $0x4000, s11;
	s20 =	sshrl.u32 s11, $0x1  }
0xa: {  	s15 =	sadd.s32 $0x8000, s11;
	s16 =	sadd.s32 $0xC000, s11;
	s17 =	sadd.s32 $0x10000, s11  }
0xb: {  	s5 =	smul.u32 $0x500, s5;
	s12 =	ssub.s32 s6, s19;
	s21 =	sshrl.u32 s13, $0x1  }
0xc: {  	s6 =	sadd.s32 s20, s3;
	s8 =	sshrl.u32 s15, $0x1;
	s9 =	sshrl.u32 s16, $0x1  }
0xd: {  	s10 =	sshrl.u32 s17, $0x1;
	s11 =	sadd.s32 s11, s1;
	s22 =	sadd.s32 s1, s13  }
0xe: {  	s25 =	sadd.s32 s1, s15;
	s26 =	sadd.s32 s1, s16;
	s1 =	sadd.s32 s1, s17  }
0xf: {  	s19 =	simm.s32 $0x5000;
	s20 =	simm.s32 $0x9;
	s7 =	sadd.s32 s21, s3  }
0x10: {  	s8 =	sadd.s32 s8, s3;
	s9 =	sadd.s32 s9, s3;
	s10 =	sadd.s32 s10, s3  }
0x11: {  	s11 =	sshrl.u32 s11, $0x4;
	s24 =	sshrl.u32 s22, $0x4;
	s1 =	sshrl.u32 s1, $0x4  }
0x12: {  	s18 =	smax.u32 s12, $0x1;
	s22 =	simm.s32 $0x1;
	s5 =	sadd.s32 s5, s2  }
0x13: {  	s21 =	simm.s32 $0x4;
	s2 =	sadd.s32 $0x7D600, s2;
	s14 =	sadd.s32 $0x20C00, s5  }
0x14: {  	s5 =	sadd.s32 $0x16C00, s5;
	s23 =	sadd.s32 s2, s11;
	[dreg:$0x5] =	wrdreg s14  }
0x15: {  	s11 =	sshrl.u32 s26, $0x4;
	s17 =	sadd.s32 s2, s1;
	[dreg:$0x6] =	wrdreg s5  }
0x16: {  	s26 =	simm.s32 $0x9000;
	s1 =	simm.s32 $0x3;
	[dreg:$0x7] =	wrdreg s23  }
0x17: {  	s14 =	sadd.s32 s2, s24;
	s5 =	sshrl.u32 s25, $0x4;
	s16 =	sadd.s32 s2, s11  }
0x18: {  	s23 =	simm.s32 $0x80;
	s24 =	simm.s32 $0x7000;
	s25 =	simm.s32 $0x7  }
0x19: {  	s15 =	sadd.s32 s2, s5;
	s2 =	simm.s32 $0x6;
	s5 =	simm.s32 $0x0  }
.LBB2_1:
0x1a: {  	s11 =	rddreg [dreg:$0x4]  }
0x1b: {  	[tilespmem:s19], [sflag:$0x9] =	stream.linear.gather [hbm4b:s11+s4], $0x2000, $0x38;
	[tilespmem:$0x17000] =	vst v63  }
0x1c: {  	_ =	swait.ge [sflag:s20], $0x2000  }
0x1d: {  	[sflag:s20] =	ssyncset.done $0x0  }
0x1e: {  	[sflag:s20] =	ssyncadd.s32 $0xFFFFE000  }
0x1f: {  	[spmem:s6] =	stream.linear.scatter [tilespmem:s19], [sflag:$0x1], $0x2000, $0x38;
	[tilespmem:$0x17000] =	vst v63  }
0x20: {  	_ = 	snop  }
0x21: {  	[spmem:s7] =	stream.linear.scatter [tilespmem:s19], [sflag:$0x1], $0x2000, $0x38;
	[tilespmem:$0x17000] =	vst v63  }
0x22: {  	_ = 	snop  }
0x23: {  	[spmem:s8] =	stream.linear.scatter [tilespmem:s19], [sflag:$0x1], $0x2000, $0x38;
	[tilespmem:$0x17000] =	vst v63  }
0x24: {  	_ = 	snop  }
0x25: {  	[spmem:s9] =	stream.linear.scatter [tilespmem:s19], [sflag:$0x1], $0x2000, $0x38;
	[tilespmem:$0x17000] =	vst v63  }
0x26: {  	_ = 	snop  }
0x27: {  	[spmem:s10] =	stream.linear.scatter [tilespmem:s19], [sflag:$0x1], $0x2000, $0x38;
	[tilespmem:$0x17000] =	vst v63  }
0x28: {  	s12 =	rddreg [dreg:$0x5]  }
0x29: {  	[tilespmem:s4], [sflag:$0x9] =	stream.linear.gather [hbm4b:s12+s4], $0x2800, $0x38;
	[tilespmem:$0x17000] =	vst v63  }
0x2a: {  	_ =	swait.ge [sflag:s20], $0x2800  }
0x2b: {  	[sflag:s20] =	ssyncset.done $0x0  }
0x2c: {  	s12 =	simm.s32 $0x2800;
	s13 =	rddreg [dreg:$0x6];
	[sflag:s20] =	ssyncadd.s32 $0xFFFFD800  }
0x2d: {  	[tilespmem:s12], [sflag:$0x9] =	stream.linear.gather [hbm4b:s13+s4], $0x2800, $0x38;
	[tilespmem:$0x17000] =	vst v63  }
0x2e: {  	_ =	swait.ge [sflag:s20], $0x2800  }
0x2f: {  	[sflag:s20] =	ssyncset.done $0x0  }
0x30: {  	[sflag:s20] =	ssyncadd.s32 $0xFFFFD800  }
0x31: {  	_ =	swait.ge [sflag:s22], $0x2000  }
0x32: {  	[sflag:s22] =	ssyncset.done $0x0  }
0x33: {  	[sflag:s22] =	ssyncadd.s32 $0xFFFFE000  }
0x34: {  	_ =	swait.ge [sflag:s22], $0x2000  }
0x35: {  	[sflag:s22] =	ssyncset.done $0x0  }
0x36: {  	[sflag:s22] =	ssyncadd.s32 $0xFFFFE000  }
0x37: {  	_ =	swait.ge [sflag:s22], $0x2000  }
0x38: {  	[sflag:s22] =	ssyncset.done $0x0  }
0x39: {  	[sflag:s22] =	ssyncadd.s32 $0xFFFFE000  }
0x3a: {  	_ =	swait.ge [sflag:s22], $0x2000  }
0x3b: {  	[sflag:s22] =	ssyncset.done $0x0  }
0x3c: {  	[sflag:s22] =	ssyncadd.s32 $0xFFFFE000  }
0x3d: {  	_ =	swait.ge [sflag:s22], $0x2000  }
0x3e: {  	[sflag:s22] =	ssyncset.done $0x0  }
0x3f: {  	[sflag:s22] =	ssyncadd.s32 $0xFFFFE000  }
0x40: {  	[bflag:$0x0] =	sbarrier.arrive $0xFFFF  }
0x41: {  	[tilespmem:s19], [sflag:$0x1] =	stream.indirect.gather [hbm4b:s0+s23], $0x40, s4, s23, $0xb8;
	[tilespmem:$0x17000] =	vst v63  }
0x42: {  	_ = 	snop  }
0x43: {  	[tilespmem:s24], [sflag:$0x2] =	stream.indirect.gather [hbm4b:s0+s23], $0x40, s23, s23, $0xb8;
	[tilespmem:$0x17000] =	vst v63  }
0x44: {  	s13 =	simm.s32 $0x100  }
0x45: {  	[tilespmem:s26], [sflag:$0x3] =	stream.indirect.gather [hbm4b:s0+s23], $0x40, s13, s23, $0xb8;
	[tilespmem:$0x17000] =	vst v63  }
0x46: {  	s12 =	simm.s32 $0x180  }
0x47: {  	[tilespmem:s29], [sflag:$0x4] =	stream.indirect.gather [hbm4b:s0+s23], $0x40, s12, s23, $0xb8;
	[tilespmem:$0x17000] =	vst v63  }
0x48: {  	_ =	swait.ge [sflag:s22], $0x2000  }
0x49: {  	[sflag:s22] =	ssyncset.done $0x0  }
0x4a: {  	s13 =	simm.s32 $0x2800;
	[sflag:s22] =	ssyncadd.s32 $0xFFFFE000  }
0x4b: {  	[spmem:s3] =	stream.indirect.scatter.add.bf16 [tilespmem:s19], [sflag:$0x5], $0x40, s13, s23, $0xb8;
	[tilespmem:$0x17000] =	vst v63  }
0x4c: {  	_ =	swait.ge [sflag:s30], $0x2000  }
0x4d: {  	[sflag:s30] =	ssyncset.done $0x0  }
0x4e: {  	s12 =	simm.s32 $0x2880;
	[sflag:s30] =	ssyncadd.s32 $0xFFFFE000  }
0x4f: {  	[spmem:s3] =	stream.indirect.scatter.add.bf16 [tilespmem:s24], [sflag:$0x6], $0x40, s12, s23, $0xb8;
	[tilespmem:$0x17000] =	vst v63  }
0x50: {  	_ =	swait.ge [sflag:s31], $0x2000  }
0x51: {  	[sflag:s31] =	ssyncset.done $0x0  }
0x52: {  	s13 =	simm.s32 $0x200;
	[sflag:s31] =	ssyncadd.s32 $0xFFFFE000  }
0x53: {  	[tilespmem:s19], [sflag:$0x1] =	stream.indirect.gather [hbm4b:s0+s23], $0x40, s13, s23, $0xb8;
	[tilespmem:$0x17000] =	vst v63  }
0x54: {  	_ =	swait.ge [sflag:s1], $0x2000  }
0x55: {  	[sflag:s1] =	ssyncset.done $0x0  }
0x56: {  	s12 =	simm.s32 $0x2900;
	[sflag:s1] =	ssyncadd.s32 $0xFFFFE000  }
0x57: {  	[spmem:s3] =	stream.indirect.scatter.add.bf16 [tilespmem:s26], [sflag:$0x7], $0x40, s12, s23, $0xb8;
	[tilespmem:$0x17000] =	vst v63  }
0x58: {  	_ =	swait.ge [sflag:s2], $0x2000  }
0x59: {  	[sflag:s2] =	ssyncset.done $0x0  }
0x5a: {  	s13 =	simm.s32 $0x280;
	[sflag:s2] =	ssyncadd.s32 $0xFFFFE000  }
0x5b: {  	[tilespmem:s24], [sflag:$0x2] =	stream.indirect.gather [hbm4b:s0+s23], $0x40, s13, s23, $0xb8;
	[tilespmem:$0x17000] =	vst v63  }
0x5c: {  	_ =	swait.ge [sflag:s21], $0x2000  }
0x5d: {  	[sflag:s21] =	ssyncset.done $0x0  }
0x5e: {  	s12 =	simm.s32 $0x2980;
	[sflag:s21] =	ssyncadd.s32 $0xFFFFE000  }
0x5f: {  	[spmem:s3] =	stream.indirect.scatter.add.bf16 [tilespmem:s29], [sflag:$0x8], $0x40, s12, s23, $0xb8;
	[tilespmem:$0x17000] =	vst v63  }
0x60: {  	_ =	swait.ge [sflag:s25], $0x2000  }
0x61: {  	[sflag:s25] =	ssyncset.done $0x0  }
0x62: {  	s13 =	simm.s32 $0x300;
	[sflag:s25] =	ssyncadd.s32 $0xFFFFE000  }
0x63: {  	[tilespmem:s26], [sflag:$0x3] =	stream.indirect.gather [hbm4b:s0+s23], $0x40, s13, s23, $0xb8;
	[tilespmem:$0x17000] =	vst v63  }
0x64: {  	_ =	swait.ge [sflag:s28], $0x2000  }
0x65: {  	[sflag:s28] =	ssyncset.done $0x0  }
0x66: {  	s11 =	simm.s32 $0x800;
	s12 =	simm.s32 $0x380;
	[sflag:s28] =	ssyncadd.s32 $0xFFFFE000  }
.LBB2_2:
0x67: {  	[tilespmem:s29], [sflag:$0x4] =	stream.indirect.gather [hbm4b:s0+s23], $0x40, s12, s23, $0xb8;
	[tilespmem:$0x17000] =	vst v63  }
0x68: {  	s12 =	smov.u32 s11  }
0x69: {  	p0 =	sne.s32 s11, $0x9000;
	s11 =	sadd.s32 $0x800, s11;
	_ =	swait.ge [sflag:s22], $0x2000  }
0x6a: {  	s12 =	sshra.s32 s12, $0x2;
	[sflag:s22] =	ssyncset.done $0x0  }
0x6b: {  	s13 =	sadd.s32 $0x2800, s12;
	[sflag:s22] =	ssyncadd.s32 $0xFFFFE000  }
0x6c: {  	[spmem:s3] =	stream.indirect.scatter.add.bf16 [tilespmem:s19], [sflag:$0x5], $0x40, s13, s23, $0xb8;
	[tilespmem:$0x17000] =	vst v63  }
0x6d: {  	_ =	swait.ge [sflag:s30], $0x2000  }
0x6e: {  	[sflag:s30] =	ssyncset.done $0x0  }
0x6f: {  	s13 =	sadd.s32 $0x2880, s12;
	[sflag:s30] =	ssyncadd.s32 $0xFFFFE000  }
0x70: {  	[spmem:s3] =	stream.indirect.scatter.add.bf16 [tilespmem:s24], [sflag:$0x6], $0x40, s13, s23, $0xb8;
	[tilespmem:$0x17000] =	vst v63  }
0x71: {  	_ =	swait.ge [sflag:s31], $0x2000  }
0x72: {  	[sflag:s31] =	ssyncset.done $0x0  }
0x73: {  	s13 =	sadd.s32 $0x200, s12;
	[sflag:s31] =	ssyncadd.s32 $0xFFFFE000  }
0x74: {  	[tilespmem:s19], [sflag:$0x1] =	stream.indirect.gather [hbm4b:s0+s23], $0x40, s13, s23, $0xb8;
	[tilespmem:$0x17000] =	vst v63  }
0x75: {  	_ =	swait.ge [sflag:s1], $0x2000  }
0x76: {  	[sflag:s1] =	ssyncset.done $0x0  }
0x77: {  	s13 =	sadd.s32 $0x2900, s12;
	[sflag:s1] =	ssyncadd.s32 $0xFFFFE000  }
0x78: {  	[spmem:s3] =	stream.indirect.scatter.add.bf16 [tilespmem:s26], [sflag:$0x7], $0x40, s13, s23, $0xb8;
	[tilespmem:$0x17000] =	vst v63  }
0x79: {  	_ =	swait.ge [sflag:s2], $0x2000  }
0x7a: {  	[sflag:s2] =	ssyncset.done $0x0  }
0x7b: {  	s13 =	sadd.s32 $0x280, s12;
	[sflag:s2] =	ssyncadd.s32 $0xFFFFE000  }
0x7c: {  	[tilespmem:s24], [sflag:$0x2] =	stream.indirect.gather [hbm4b:s0+s23], $0x40, s13, s23, $0xb8;
	[tilespmem:$0x17000] =	vst v63  }
0x7d: {  	_ =	swait.ge [sflag:s21], $0x2000  }
0x7e: {  	[sflag:s21] =	ssyncset.done $0x0  }
0x7f: {  	s13 =	sadd.s32 $0x2980, s12;
	[sflag:s21] =	ssyncadd.s32 $0xFFFFE000  }
0x80: {  	[spmem:s3] =	stream.indirect.scatter.add.bf16 [tilespmem:s29], [sflag:$0x8], $0x40, s13, s23, $0xb8;
	[tilespmem:$0x17000] =	vst v63  }
0x81: {  	_ =	swait.ge [sflag:s25], $0x2000  }
0x82: {  	[sflag:s25] =	ssyncset.done $0x0  }
.Ltmp0:
0x83: {  	s13 =	sadd.s32 $0x300, s12;
	[sflag:s25] =	ssyncadd.s32 $0xFFFFE000;
	(pc) =	sbr.rel @p0 .LBB2_2-.Ltmp0, $4  }
0x84: {  	[tilespmem:s26], [sflag:$0x3] =	stream.indirect.gather [hbm4b:s0+s23], $0x40, s13, s23, $0xb8;
	[tilespmem:$0x17000] =	vst v63  }
0x85: {  	_ =	swait.ge [sflag:s28], $0x2000  }
0x86: {  	[sflag:s28] =	ssyncset.done $0x0  }
0x87: {  	s12 =	sadd.s32 $0x380, s12;
	[sflag:s28] =	ssyncadd.s32 $0xFFFFE000  }
0x88: {  	[tilespmem:s29], [sflag:$0x4] =	stream.indirect.gather [hbm4b:s0+s23], $0x40, s12, s23, $0xb8;
	[tilespmem:$0x17000] =	vst v63  }
0x89: {  	_ =	swait.ge [sflag:s22], $0x2000  }
0x8a: {  	[sflag:s22] =	ssyncset.done $0x0  }
0x8b: {  	s11 =	simm.s32 $0x4E00;
	[sflag:s22] =	ssyncadd.s32 $0xFFFFE000  }
0x8c: {  	[spmem:s3] =	stream.indirect.scatter.add.bf16 [tilespmem:s19], [sflag:$0x5], $0x40, s11, s23, $0xb8;
	[tilespmem:$0x17000] =	vst v63  }
0x8d: {  	_ =	swait.ge [sflag:s30], $0x2000  }
0x8e: {  	[sflag:s30] =	ssyncset.done $0x0  }
0x8f: {  	s12 =	simm.s32 $0x4E80;
	[sflag:s30] =	ssyncadd.s32 $0xFFFFE000  }
0x90: {  	[spmem:s3] =	stream.indirect.scatter.add.bf16 [tilespmem:s24], [sflag:$0x6], $0x40, s12, s23, $0xb8;
	[tilespmem:$0x17000] =	vst v63  }
0x91: {  	_ =	swait.ge [sflag:s1], $0x2000  }
0x92: {  	[sflag:s1] =	ssyncset.done $0x0  }
0x93: {  	s13 =	simm.s32 $0x4F00;
	[sflag:s1] =	ssyncadd.s32 $0xFFFFE000  }
0x94: {  	[spmem:s3] =	stream.indirect.scatter.add.bf16 [tilespmem:s26], [sflag:$0x7], $0x40, s13, s23, $0xb8;
	[tilespmem:$0x17000] =	vst v63  }
0x95: {  	_ =	swait.ge [sflag:s21], $0x2000  }
0x96: {  	[sflag:s21] =	ssyncset.done $0x0  }
0x97: {  	s12 =	simm.s32 $0x4F80;
	[sflag:s21] =	ssyncadd.s32 $0xFFFFE000  }
0x98: {  	[spmem:s3] =	stream.indirect.scatter.add.bf16 [tilespmem:s29], [sflag:$0x8], $0x40, s12, s23, $0xb8;
	[tilespmem:$0x17000] =	vst v63  }
0x99: {  	_ =	swait.ge [sflag:s31], $0x2000  }
0x9a: {  	[sflag:s31] =	ssyncset.done $0x0  }
0x9b: {  	[sflag:s31] =	ssyncadd.s32 $0xFFFFE000  }
0x9c: {  	_ =	swait.ge [sflag:s2], $0x2000  }
0x9d: {  	[sflag:s2] =	ssyncset.done $0x0  }
0x9e: {  	[sflag:s2] =	ssyncadd.s32 $0xFFFFE000  }
0x9f: {  	_ =	swait.ge [sflag:s25], $0x2000  }
0xa0: {  	[sflag:s25] =	ssyncset.done $0x0  }
0xa1: {  	[sflag:s25] =	ssyncadd.s32 $0xFFFFE000  }
0xa2: {  	_ =	swait.ge [sflag:s28], $0x2000  }
0xa3: {  	[sflag:s28] =	ssyncset.done $0x0  }
0xa4: {  	[sflag:s28] =	ssyncadd.s32 $0xFFFFE000  }
0xa5: {  	[bflag:$0x0] =	sbarrier.arrive $0xFFFF  }
0xa6: {  	[tilespmem:s19], [sflag:$0x9] =	stream.linear.gather [spmem:s6], $0x2000, $0x38;
	[tilespmem:$0x17000] =	vst v63  }
0xa7: {  	_ =	swait.ge [sflag:s20], $0x2000  }
0xa8: {  	[sflag:s20] =	ssyncset.done $0x0  }
0xa9: {  	s13 =	rddreg [dreg:$0x7];
	[sflag:s20] =	ssyncadd.s32 $0xFFFFE000  }
0xaa: {  	[hbm4b:s13+s4] =	stream.linear.scatter [tilespmem:s19], [sflag:$0x1], $0x2000, $0x38;
	[tilespmem:$0x17000] =	vst v63  }
0xab: {  	_ = 	snop  }
0xac: {  	[tilespmem:s24], [sflag:$0x9] =	stream.linear.gather [spmem:s7], $0x2000, $0x38;
	[tilespmem:$0x17000] =	vst v63  }
0xad: {  	_ =	swait.ge [sflag:s20], $0x2000  }
0xae: {  	[sflag:s20] =	ssyncset.done $0x0  }
0xaf: {  	[sflag:s20] =	ssyncadd.s32 $0xFFFFE000  }
0xb0: {  	[hbm4b:s14+s4] =	stream.linear.scatter [tilespmem:s24], [sflag:$0x2], $0x2000, $0x38;
	[tilespmem:$0x17000] =	vst v63  }
0xb1: {  	_ =	swait.ge [sflag:s22], $0x2000  }
0xb2: {  	[sflag:s22] =	ssyncset.done $0x0  }
0xb3: {  	[sflag:s22] =	ssyncadd.s32 $0xFFFFE000  }
0xb4: {  	[tilespmem:s19], [sflag:$0x9] =	stream.linear.gather [spmem:s8], $0x2000, $0x38;
	[tilespmem:$0x17000] =	vst v63  }
0xb5: {  	_ =	swait.ge [sflag:s20], $0x2000  }
0xb6: {  	[sflag:s20] =	ssyncset.done $0x0  }
0xb7: {  	[sflag:s20] =	ssyncadd.s32 $0xFFFFE000  }
0xb8: {  	[hbm4b:s15+s4] =	stream.linear.scatter [tilespmem:s19], [sflag:$0x1], $0x2000, $0x38;
	[tilespmem:$0x17000] =	vst v63  }
0xb9: {  	_ =	swait.ge [sflag:s30], $0x2000  }
0xba: {  	[sflag:s30] =	ssyncset.done $0x0  }
0xbb: {  	[sflag:s30] =	ssyncadd.s32 $0xFFFFE000  }
0xbc: {  	[tilespmem:s24], [sflag:$0x9] =	stream.linear.gather [spmem:s9], $0x2000, $0x38;
	[tilespmem:$0x17000] =	vst v63  }
0xbd: {  	_ =	swait.ge [sflag:s20], $0x2000  }
0xbe: {  	[sflag:s20] =	ssyncset.done $0x0  }
0xbf: {  	[sflag:s20] =	ssyncadd.s32 $0xFFFFE000  }
0xc0: {  	[hbm4b:s16+s4] =	stream.linear.scatter [tilespmem:s24], [sflag:$0x2], $0x2000, $0x38;
	[tilespmem:$0x17000] =	vst v63  }
0xc1: {  	_ =	swait.ge [sflag:s22], $0x2000  }
0xc2: {  	[sflag:s22] =	ssyncset.done $0x0  }
0xc3: {  	[sflag:s22] =	ssyncadd.s32 $0xFFFFE000  }
0xc4: {  	[tilespmem:s19], [sflag:$0x9] =	stream.linear.gather [spmem:s10], $0x2000, $0x38;
	[tilespmem:$0x17000] =	vst v63  }
0xc5: {  	_ =	swait.ge [sflag:s20], $0x2000  }
0xc6: {  	[sflag:s20] =	ssyncset.done $0x0  }
0xc7: {  	s5 =	sadd.s32 $0x1, s5;
	[sflag:s20] =	ssyncadd.s32 $0xFFFFE000  }
0xc8: {  	[hbm4b:s17+s4] =	stream.linear.scatter [tilespmem:s19], [sflag:$0x1], $0x2000, $0x38;
	[tilespmem:$0x17000] =	vst v63  }
0xc9: {  	p0 =	sne.s32 s5, s18;
	_ =	swait.ge [sflag:s22], $0x2000  }
.Ltmp1:
0xca: {  	[sflag:s22] =	ssyncset.done $0x0;
	(pc) =	sbr.rel @p0 .LBB2_1-.Ltmp1, $4  }
0xcb: {  	[sflag:s22] =	ssyncadd.s32 $0xFFFFE000  }
0xcc: {  	_ =	swait.ge [sflag:s30], $0x2000  }
0xcd: {  	[sflag:s30] =	ssyncset.done $0x0  }
0xce: {  	[sflag:s30] =	ssyncadd.s32 $0xFFFFE000  }
0xcf: {  	_ =	sfence.sel $0x180000  }
0xd0: {  	[bflag:$0x0] =	sbarrier.arrive $0xFFFF  }
0xd1: {  	_ =	strace $0x9000004A  }
0xd2: {  	s0 =	stileid.u32;
	[bflag:$0x2] =	sbarrier.arrive $0xFFFF  }
0xd3: {  	p0 =	sne.s32 s0, $0x0;
	s0 =	rddreg [dreg:$0x3]  }
0xd4: {  	s0 =	sadd.s32 @!p0 $0x100000, s0  }
0xd5: {  	[sflag:s0] =	ssyncadd.tile.s32 @!p0 $0x1;
	_ =	shalt  }
.Lfunc_end2:
_tile_overlayer_lowered:
.L_overlay_start_2:
0xd6: {  	(tag) =	ssettag $0x2  }
0xd7: {  	s0 =	rddreg [dreg:$0x0];
	s2 =	stileid.u32  }
0xd8: {  	s1 =	rddreg [dreg:$0x1];
	p0 =	sne.s32 s2, $0x0  }
0xd9: {  	s3 =	rddreg [dreg:$0x2];
	[bflag:$0x3] =	sbarrier.arrive $0xFFFF;
	s2 =	simm.s32 @!p0 $0x1C09  }
0xda: {  	[timem:s3], [sflag:s2] =	dma.local @!p0 [hbm:s0], s1  }
0xdb: {  	s0 =	simm.s32 @!p0 $0x9  }
0xdc: {  	_ =	swait.ge @!p0 [sflag:s0], s1  }
0xdd: {  	s1 =	ssub.s32 @!p0 $0x0, s1;
	[sflag:s0] =	ssyncset.done @!p0 $0x0  }
0xde: {  	[sflag:s0] =	ssyncadd.s32 @!p0 s1  }
0xdf: {  	[bflag:$0x3] =	sbarrier.arrive $0xFFFF  }
0xe0: {  	_ =	shalt  }

// kernel: kernel.7.cloned.1.call-start
scs
__scs_entry_jumppad:
0x0: {  	(pc) =	sbr.rel $0x88, $3  }
0x1: {  	(tag) =	ssettag $0x0;
	lr =	simm.s32 $0x1  }
0x2: {  	[smem:$0x3F99] =	sst lr;
	_ =	strace $0xD0000000  }
0x3: {  	_ = 	snop  }
0x4: {  	_ = 	snop  }
0x5: {  	_ = 	snop  }
0x6: {  	_ = 	snop  }
0x7: {  	_ = 	snop  }
__scs_overlays_trampoline_lowered:
0x8: {  	[smem:$0x3FA8] =	sst s0  }
0x9: {  	[smem:$0x3FA9] =	sst s1  }
0xa: {  	[smem:$0x3FAA] =	sst s2  }
0xb: {  	[smem:$0x3FAB] =	sst s3  }
0xc: {  	[smem:$0x3FAC] =	sst s4  }
0xd: {  	[smem:$0x3FAD] =	sst s5  }
0xe: {  	[smem:$0x3FAE] =	sst s6  }
0xf: {  	[smem:$0x3FAF] =	sst s7  }
0x10: {  	[smem:$0x3FB0] =	sst s8  }
0x11: {  	[smem:$0x3FB1] =	sst s9;
	s0 =	simm.s32 @!p0 $0x0  }
0x12: {  	s1 =	sld [smem:$0x3F97];
	s0 =	simm.s32 @p0 $0x1  }
0x13: {  	[smem:$0x3FB2] =	sst s0;
	s0 =	simm.s32 @!p1 $0x0  }
0x14: {  	s2 =	sld [smem:$0x3F96];
	s0 =	simm.s32 @p1 $0x1  }
0x15: {  	[smem:$0x3FB3] =	sst s0;
	s0 =	simm.s32 @!p2 $0x0  }
0x16: {  	s3 =	sld [smem:$0x3FDB];
	s0 =	simm.s32 @p2 $0x1  }
0x17: {  	s4 =	simm.s32 $0x1BF5;
	[smem:$0x3FB5] =	sst s0  }
0x18: {  	s0 =	sld [smem:$0x3F98];
	_ =	swait.ge [sflag:s4], $0x0  }
0x19: {  	s7 =	sld [smem:$0x3F99]  }
0x1a: {  	s8 =	sadd.s32 $0xFFFFE003, lr  }
0x1b: {  	s9 =	sadd.s32 $0xFFFFFEF7, lr;
	s5 =	simm.s32 $0xFFFFFFFF;
	p2 =	slt.u32 s8, $0xFFFFF086  }
0x1c: {  	p1 =	slt.u32 s9, $0xF7A;
	s5 =	simm.s32 @!p2 $0x0  }
0x1d: {  	s5 =	simm.s32 @p1 $0x1;
	p0 =	seq.s32 s7, s2  }
0x1e: {  	s7 =	smul.u32 @!p0 $0xF7A, s2;
	p2 =	seq.s32 @!p0 s5, $0x0  }
0x1f: {  	s9 =	smul.u32 $0xF7A, s1;
	s8 =	simm.s32 @!p0 $0x1BF5;
	p2 =	por !p2, p0  }
0x20: {  	[sflag:s8] =	ssyncset.s32 @!p0 $0xFFFFF086;
	s6 =	sadd.s32 @!p0 s3, s7;
	s7 =	simm.s32 @!p0 $0x108  }
0x21: {  	s3 =	sadd.s32 s3, s9;
	s6 =	sadd.s32 @!p0 $0x88, s6;
	s7 =	simm.s32 @p2 $0x1082  }
0x22: {  	[simem:s7], [sflag:s8] =	dma.local @!p0 [hbm:s6], $0xF7A  }
0x23: {  	s9 =	sor.u32 $0xD0000000, s2;
	s6 =	simm.s32 $0x108;
	_ =	swait.ge @!p0 [sflag:s8], $0x0  }
0x24: {  	s3 =	sadd.s32 $0x88, s3;
	s6 =	simm.s32 @!p1 $0x1082;
	[sflag:s4] =	ssyncset.s32 $0xFFFFF086  }
0x25: {  	[simem:s6], [sflag:s4] =	dma.local [hbm:s3], $0xF7A  }
0x26: {  	[smem:$0x3F99] =	sst s1;
	(tag) =	ssettag s2;
	_ =	strace s9  }
0x27: {  	s1 =	sld [smem:$0x3FA9]  }
0x28: {  	s2 =	sld [smem:$0x3FAA]  }
0x29: {  	s4 =	sld [smem:$0x3FAC]  }
0x2a: {  	p0 =	seq.s32 s5, $0x0;
	s5 =	sld [smem:$0x3FAD]  }
0x2b: {  	s6 =	sld [smem:$0x3FAE]  }
0x2c: {  	s7 =	sld [smem:$0x3FAF]  }
0x2d: {  	s3 =	simm.s32 $0x108;
	s8 =	sld [smem:$0x3FB0]  }
0x2e: {  	s3 =	simm.s32 @!p0 $0x1082;
	s9 =	sld [smem:$0x3FB1]  }
0x2f: {  	lr =	sadd.s32 s0, s3;
	s0 =	sld [smem:$0x3FA8]  }
0x30: {  	s3 =	sld [smem:$0x3FAB]  }
0x31: {  	[smem:$0x3FB4] =	sst s10  }
0x32: {  	s10 =	sld [smem:$0x3FB2];
	_ =	sdelay $0x3  }
0x33: {  	p0 =	seq.s32 s10, $0x1;
	s10 =	sld [smem:$0x3FB4];
	_ =	sdelay $0x3  }
0x34: {  	[smem:$0x3FB4] =	sst s10  }
0x35: {  	s10 =	sld [smem:$0x3FB3];
	_ =	sdelay $0x3  }
0x36: {  	p1 =	seq.s32 s10, $0x1;
	s10 =	sld [smem:$0x3FB4];
	_ =	sdelay $0x3  }
0x37: {  	[smem:$0x3FB4] =	sst s10  }
0x38: {  	s10 =	sld [smem:$0x3FB5]  }
0x39: {  	_ = 	snop;
	(pc) =	sbr.ind lr, $3  }
0x3a: {  	_ = 	snop  }
0x3b: {  	_ = 	snop  }
0x3c: {  	p2 =	seq.s32 s10, $0x1;
	s10 =	sld [smem:$0x3FB4]  }
0x3d: {  	_ =	shalt  }
0x3e: {  	_ =	shalt  }
0x3f: {  	_ =	shalt  }
0x40: {  	_ =	shalt  }
0x41: {  	_ =	shalt  }
0x42: {  	_ =	shalt  }
0x43: {  	_ =	shalt  }
0x44: {  	_ =	shalt  }
0x45: {  	_ =	shalt  }
0x46: {  	_ =	shalt  }
0x47: {  	_ =	shalt  }
0x48: {  	_ =	shalt  }
0x49: {  	_ =	shalt  }
0x4a: {  	_ =	shalt  }
0x4b: {  	_ =	shalt  }
0x4c: {  	_ =	shalt  }
0x4d: {  	_ =	shalt  }
0x4e: {  	_ =	shalt  }
0x4f: {  	_ =	shalt  }
0x50: {  	_ =	shalt  }
0x51: {  	_ =	shalt  }
0x52: {  	_ =	shalt  }
0x53: {  	_ =	shalt  }
0x54: {  	_ =	shalt  }
0x55: {  	_ =	shalt  }
0x56: {  	_ =	shalt  }
0x57: {  	_ =	shalt  }
0x58: {  	_ =	shalt  }
0x59: {  	_ =	shalt  }
0x5a: {  	_ =	shalt  }
0x5b: {  	_ =	shalt  }
0x5c: {  	_ =	shalt  }
0x5d: {  	_ =	shalt  }
0x5e: {  	_ =	shalt  }
0x5f: {  	_ =	shalt  }
0x60: {  	_ =	shalt  }
0x61: {  	_ =	shalt  }
0x62: {  	_ =	shalt  }
0x63: {  	_ =	shalt  }
0x64: {  	_ =	shalt  }
0x65: {  	_ =	shalt  }
0x66: {  	_ =	shalt  }
0x67: {  	_ =	shalt  }
0x68: {  	_ =	shalt  }
0x69: {  	_ =	shalt  }
0x6a: {  	_ =	shalt  }
0x6b: {  	_ =	shalt  }
0x6c: {  	_ =	shalt  }
0x6d: {  	_ =	shalt  }
0x6e: {  	_ =	shalt  }
0x6f: {  	_ =	shalt  }
0x70: {  	_ =	shalt  }
0x71: {  	_ =	shalt  }
0x72: {  	_ =	shalt  }
0x73: {  	_ =	shalt  }
0x74: {  	_ =	shalt  }
0x75: {  	_ =	shalt  }
0x76: {  	_ =	shalt  }
0x77: {  	_ =	shalt  }
0x78: {  	_ =	shalt  }
0x79: {  	_ =	shalt  }
0x7a: {  	_ =	shalt  }
0x7b: {  	_ =	shalt  }
0x7c: {  	_ =	shalt  }
0x7d: {  	_ =	shalt  }
0x7e: {  	_ =	shalt  }
0x7f: {  	_ =	shalt  }
0x80: {  	_ =	shalt  }
0x81: {  	_ =	shalt  }
0x82: {  	_ =	shalt  }
0x83: {  	_ =	shalt  }
0x84: {  	_ =	shalt  }
0x85: {  	_ =	shalt  }
0x86: {  	_ =	shalt  }
0x87: {  	_ =	shalt  }
.Lfunc_end0:
.L_simem_size_0:
called_computation_lowered:
.L_overlay_start_0:
0x88: {  	s2 =	sld [smem:$0x3FD9]  }
0x89: {  	s3 =	sld [smem:$0x3FFE];
	_ =	sdelay $0x1  }
0x8a: {  	s1 =	srdreg.scid  }
0x8b: {  	s0 =	sand.u32 $0x1, s1  }
0x8c: {  	s17 =	sshll.u32 s0, $0xA;
	s2 =	sadd.s32 s3, s2  }
0x8d: {  	s2 =	sadd.s32 s2, s17  }
0x8e: {  	[smem:$0x3FC0] =	sst s2  }
0x8f: {  	_ = 	snop  }
0x90: {  	s2 =	sld [smem:$0x3FD0];
	(tm) =	ssettm $0x1  }
0x91: {  	s18 =	sld [smem:$0x3FFB];
	_ =	sdelay $0x3  }
0x92: {  	_ =	strace s18  }
0x93: {  	s3 =	sld [smem:$0x3FFC];
	_ =	sdelay $0x3  }
0x94: {  	_ =	strace s3  }
0x95: {  	s3 =	sld [smem:$0x3FFD];
	_ =	sdelay $0x3  }
0x96: {  	_ =	strace s3  }
0x97: {  	_ =	strace $0x8FFFFFFF  }
0x98: {  	s19 =	sld [smem:$0x3FDB];
	_ =	sdelay $0x1  }
0x99: {  	s4 =	simm.s32 $_scs_section_size  }
0x9a: {  	s5 =	simm.s32 $_size__tile_overlayer_lowered;
	s6 =	simm.s32 $_tile_overlayer_lowered  }
0x9b: {  	s22 =	simm.s32 $0x1BFF;
	s21 =	sshll.u32 s6, $0x1;
	s3 =	sadd.s32 s4, s19  }
0x9c: {  	s7 =	simm.s32 $0x0;
	s20 =	sshll.u32 s5, $0x1;
	s5 =	sadd.s32 s21, s3  }
0x9d: {  	[timem:s7], [sflag:s22] =	dma.local [hbm:s5], s20  }
0x9e: {  	_ =	swait.ge [sflag:s22], s20  }
0x9f: {  	s4 =	ssub.s32 $0x0, s20;
	[sflag:s22] =	ssyncset.done $0x0  }
0xa0: {  	[sflag:s22] =	ssyncadd.s32 s4;
	_ =	sdelay $0x1  }
0xa1: {  	s23 =	simm.s32 $0x1B8B  }
0xa2: {  	_ =	swait.ge [sflag:s23], $0x1  }
0xa3: {  	[sflag:s23] =	ssyncset.done $0x0  }
0xa4: {  	s25 =	simm.s32 $0x1B8E;
	s24 =	sld [smem:$0x3FFE];
	[sflag:s23] =	ssyncadd.s32 $0xFFFFFFFF  }
0xa5: {  	s26 =	simm.s32 $execute0_lowered;
	[smem:$0x3FD2] =	sst s25  }
0xa6: {  	s5 =	sshll.u32 s26, $0x1;
	_ =	strace $0x80000046;
	[dreg:$0x1] =	wrdreg $0xFFFFFFFF  }
0xa7: {  	s28 =	simm.s32 $_size_execute0_lowered;
	s3 =	sadd.s32 s3, s5;
	[dreg:$0x0] =	wrdreg $0x0  }
0xa8: {  	s5 =	sshll.u32 s28, $0x1;
	[dreg:$0x2] =	wrdreg s3  }
0xa9: {  	[dreg:$0x3] =	wrdreg s5  }
0xaa: {  	[dreg:$0x4] =	wrdreg $0xC0  }
0xab: {  	_ =	task [dreg:s7], $0x5FFFF  }
0xac: {  	[dreg:$0x1] =	wrdreg $0xFFFFFFFF  }
0xad: {  	[dreg:$0x0] =	wrdreg $0x60  }
0xae: {  	[dreg:$0x2] =	wrdreg s2  }
0xaf: {  	[dreg:$0x3] =	wrdreg s24  }
0xb0: {  	[dreg:$0x4] =	wrdreg $0xD0000  }
0xb1: {  	[dreg:$0x5] =	wrdreg $0x174000  }
0xb2: {  	[dreg:$0x6] =	wrdreg $0x9  }
0xb3: {  	_ =	task.clear_ibuf [dreg:s7], $0x7FFFF;
	_ =	strace $0x90000046  }
0xb4: {  	s29 =	simm.s32 $0x9;
	_ =	strace $0x80000048  }
0xb5: {  	_ =	swait.ge [sflag:s29], $0x1  }
0xb6: {  	[sflag:s29] =	ssyncadd.s32 $0xFFFFFFFF  }
0xb7: {  	_ =	strace $0x90000048  }
0xb8: {  	_ =	sfence  }
0xb9: {  	s30 =	sld [smem:$0x0];
	_ =	sdelay $0x2  }
0xba: {  	s31 =	sshll.u32 s1, $0xD;
	s1 =	sshrl.u32 s1, $0x2  }
0xbb: {  	s3 =	sand.u32 $0x4000, s31;
	s1 =	sadd.s32 s1, s30  }
0xbc: {  	s0 =	sor.u32 s3, s0;
	s1 =	sshll.u32 s1, $0x11  }
0xbd: {  	s0 =	sor.u32 s1, s0  }
0xbe: {  	s0 =	sadd.s32 $0x8F2B, s0  }
0xbf: {  	[sflag:s0] =	ssyncadd.remote.s32 $0x1  }
0xc0: {  	_ =	sfence.sel $0xFFFF  }
0xc1: {  	[dreg:$0x0] =	wrdreg $0xFFFFFFFF;
	(pc) =	sbr.abs _section_cstart, $3  }
0xc2: {  	[dreg:$0x1] =	wrdreg $0xFFFFFFFF  }
0xc3: {  	_ =	task.clear_ibuf [dreg:s7], $0x2FFFF;
	_ =	strace $0x9FFFFFFF  }
0xc4: {  	(tm) =	ssettm $0x7FFFFFFF  }
0xc5: {  	_ =	shalt  }
tec
execute0_lowered:
.L_overlay_start_1:
0x0: {  	(tag) =	ssettag $0x1  }
0x1: {  	s0 =	srdreg.scid;
	s1 =	rddreg [dreg:$0x0]  }
0x2: {  	s2 =	stileid.u32;
	s4 =	rddreg [dreg:$0x1];
	s11 =	simm.s32 $0x0  }
0x3: {  	s30 =	simm.s32 $0x7;
	s31 =	simm.s32 $0x8;
	s7 =	smul.u32 $0x280, s2  }
0x4: {  	s3 =	sand.u32 $0x1, s0;
	[smem:$0x7FF] =	sst s11;
	s10 =	smul.u32 $0x14000, s2  }
0x5: {  	s6 =	sadd.s32 $0x2D600, s4;
	s8 =	sadd.s32 $0x55600, s4;
	s12 =	smul.u32 $0x140000, s3  }
0x6: {  	s0 =	sshll.u32 s3, $0x4;
	s21 =	ssub.s32 $0x2, s3;
	s3 =	smul.u32 $0x14000, s3  }
0x7: {  	s0 =	sor.u32 s2, s0;
	s9 =	sshrl.u32 s21, $0x1;
	s15 =	sadd.s32 $0x100, s7  }
0x8: {  	s16 =	sadd.s32 $0x180, s7;
	s5 =	smul.u32 $0x500, s0;
	s0 =	ssub.s32 s21, s9  }
0x9: {  	s9 =	smul.u32 $0x1400, s2;
	s2 =	sadd.s32 $0x80, s7;
	s7 =	sadd.s32 $0x200, s7  }
0xa: {  	s17 =	sshll.u32 s15, $0x7;
	s18 =	sshll.u32 s16, $0x7;
	s13 =	sadd.s32 s10, s12  }
0xb: {  	s14 =	sshll.u32 s2, $0x7;
	s19 =	sshll.u32 s7, $0x7;
	s13 =	sshrl.u32 s13, $0x4  }
0xc: {  	s24 =	sadd.s32 s8, s2;
	s25 =	sadd.s32 s12, s17;
	s26 =	sadd.s32 s12, s18  }
0xd: {  	s0 =	smax.u32 s0, $0x1;
	s20 =	sadd.s32 s9, s3;
	s21 =	sadd.s32 s12, s14  }
0xe: {  	s13 =	sadd.s32 s6, s13;
	s3 =	sshrl.u32 s3, $0x3;
	s12 =	sadd.s32 s12, s19  }
0xf: {  	s20 =	sshrl.u32 s20, $0x3;
	s21 =	sshrl.u32 s21, $0x4;
	[dreg:$0x5] =	wrdreg s13  }
0x10: {  	s12 =	sshrl.u32 s12, $0x4;
	s13 =	rddreg [dreg:$0x3];
	s22 =	sadd.s32 s8, s20  }
0x11: {  	s23 =	sadd.s32 s6, s21;
	s20 =	sshrl.u32 s25, $0x4;
	[dreg:$0x6] =	wrdreg s22  }
0x12: {  	s21 =	sshrl.u32 s26, $0x4;
	[dreg:$0x7] =	wrdreg s23;
	s20 =	sadd.s32 s6, s20  }
0x13: {  	s25 =	sadd.s32 $0x2C00, s4;
	s23 =	sadd.s32 s3, s24;
	[dreg:$0x8] =	wrdreg s20  }
0x14: {  	s26 =	sadd.s32 $0x2AE00, s4;
	s22 =	sadd.s32 s8, s15;
	[dreg:$0xb] =	wrdreg s23  }
0x15: {  	s20 =	sadd.s32 s6, s21;
	s6 =	sadd.s32 s6, s12;
	s12 =	rddreg [dreg:$0x2]  }
0x16: {  	s24 =	sadd.s32 s8, s16;
	s8 =	sadd.s32 s8, s7;
	[dreg:$0x9] =	wrdreg s20  }
0x17: {  	s16 =	sshll.u32 s16, $0x3;
	[dreg:$0xa] =	wrdreg s6;
	s6 =	sadd.s32 s3, s22  }
0x18: {  	s21 =	sadd.s32 s9, s13;
	[dreg:$0xc] =	wrdreg s6;
	s6 =	sadd.s32 s3, s24  }
0x19: {  	s9 =	simm.s32 $0x7000;
	s3 =	sadd.s32 s3, s8;
	[dreg:$0xd] =	wrdreg s6  }
0x1a: {  	s8 =	sshll.u32 s2, $0x3;
	[dreg:$0xe] =	wrdreg s3;
	s3 =	sadd.s32 s5, s4  }
0x1b: {  	s4 =	sadd.s32 $0x2AC00, s4;
	s5 =	sshrl.u32 s10, $0x1;
	s6 =	sshrl.u32 s14, $0x1  }
0x1c: {  	s10 =	sshrl.u32 s17, $0x1;
	s14 =	sshll.u32 s15, $0x3;
	s15 =	sshrl.u32 s18, $0x1  }
0x1d: {  	s17 =	sshrl.u32 s19, $0x1;
	_ =	strace $0x80000047;
	[dreg:$0xf] =	wrdreg s25  }
0x1e: {  	s18 =	sshll.u32 s7, $0x3;
	s7 =	simm.s32 $0x2;
	[dreg:$0x10] =	wrdreg s26  }
0x1f: {  	[dreg:$0x11] =	wrdreg s4;
	s20 =	sadd.s32 s5, s12;
	s24 =	sadd.s32 s6, s12  }
0x20: {  	s25 =	sadd.s32 s8, s13;
	s19 =	sadd.s32 $0x20C00, s3;
	[dreg:$0x1b] =	wrdreg s0  }
0x21: {  	s28 =	sadd.s32 s10, s12;
	s3 =	sadd.s32 $0x16C00, s3;
	[dreg:$0x19] =	wrdreg s19  }
0x22: {  	s22 =	sadd.s32 s14, s13;
	s23 =	sadd.s32 s15, s12;
	[dreg:$0x1a] =	wrdreg s3  }
0x23: {  	s26 =	sadd.s32 s16, s13;
	s29 =	sadd.s32 s17, s12;
	[dreg:$0x12] =	wrdreg s22  }
0x24: {  	s2 =	sadd.s32 s18, s13;
	s0 =	simm.s32 $0x5000;
	[dreg:$0x13] =	wrdreg s28  }
0x25: {  	s4 =	simm.s32 $0x18800;
	s5 =	simm.s32 $0x17000;
	[dreg:$0x14] =	wrdreg s23  }
0x26: {  	s6 =	simm.s32 $0x1;
	s8 =	simm.s32 $0x80;
	[dreg:$0x15] =	wrdreg s26  }
0x27: {  	s10 =	simm.s32 $0x9000;
	s14 =	simm.s32 $0xB000;
	[dreg:$0x16] =	wrdreg s29  }
0x28: {  	s15 =	simm.s32 $0x5;
	s16 =	simm.s32 $0x3;
	[dreg:$0x17] =	wrdreg s24  }
0x29: {  	s17 =	simm.s32 $0x6;
	s19 =	simm.s32 $0x0;
	[dreg:$0x18] =	wrdreg s2  }
0x2a: {  	s18 =	simm.s32 $0x4;
	s3 =	simm.s32 $0x9;
	[dreg:$0x1c] =	wrdreg s19  }
.LBB2_1:
0x2b: {  	s19 =	rddreg [dreg:$0xf]  }
0x2c: {  	[tilespmem:s0], [sflag:$0x9] =	stream.linear.gather [hbm4b:s19+s11], $0x2000, $0x38;
	[tilespmem:$0x18C00] =	vst v63  }
0x2d: {  	_ =	swait.ge [sflag:s3], $0x2000  }
0x2e: {  	[sflag:s3] =	ssyncset.done $0x0  }
0x2f: {  	s19 =	rddreg [dreg:$0x10];
	[sflag:s3] =	ssyncadd.s32 $0xFFFFE000  }
0x30: {  	[tilespmem:s4], [sflag:$0x9] =	stream.linear.gather [hbm4b:s19+s11], $0x400, $0x38;
	[tilespmem:$0x18C00] =	vst v63  }
0x31: {  	_ =	swait.ge [sflag:s3], $0x400  }
0x32: {  	[sflag:s3] =	ssyncset.done $0x0  }
0x33: {  	[sflag:s3] =	ssyncadd.s32 $0xFFFFFC00  }
0x34: {  	[spmem:s20] =	stream.linear.scatter [tilespmem:s0], [sflag:$0x1], $0x2000, $0x38;
	[tilespmem:$0x18C00] =	vst v63  }
0x35: {  	_ = 	snop  }
0x36: {  	[spmem:s21] =	stream.linear.scatter [tilespmem:s4], [sflag:$0x2], $0x400, $0x38;
	[tilespmem:$0x18C00] =	vst v63  }
0x37: {  	s19 =	smov.u32 s24  }
0x38: {  	[spmem:s19] =	stream.linear.scatter [tilespmem:s0], [sflag:$0x1], $0x2000, $0x38;
	[tilespmem:$0x18C00] =	vst v63  }
0x39: {  	_ = 	snop  }
0x3a: {  	[spmem:s25] =	stream.linear.scatter [tilespmem:s4], [sflag:$0x2], $0x400, $0x38;
	[tilespmem:$0x18C00] =	vst v63  }
0x3b: {  	_ = 	snop  }
0x3c: {  	[spmem:s28] =	stream.linear.scatter [tilespmem:s0], [sflag:$0x1], $0x2000, $0x38;
	[tilespmem:$0x18C00] =	vst v63  }
0x3d: {  	_ = 	snop  }
0x3e: {  	[spmem:s22] =	stream.linear.scatter [tilespmem:s4], [sflag:$0x2], $0x400, $0x38;
	[tilespmem:$0x18C00] =	vst v63  }
0x3f: {  	s24 =	smov.u32 s20;
	s20 =	smov.u32 s23  }
0x40: {  	[spmem:s20] =	stream.linear.scatter [tilespmem:s0], [sflag:$0x1], $0x2000, $0x38;
	[tilespmem:$0x18C00] =	vst v63  }
0x41: {  	s23 =	smov.u32 s21;
	s21 =	smov.u32 s26  }
0x42: {  	[spmem:s21] =	stream.linear.scatter [tilespmem:s4], [sflag:$0x2], $0x400, $0x38;
	[tilespmem:$0x18C00] =	vst v63  }
0x43: {  	_ = 	snop  }
0x44: {  	[spmem:s29] =	stream.linear.scatter [tilespmem:s0], [sflag:$0x1], $0x2000, $0x38;
	[tilespmem:$0x18C00] =	vst v63  }
0x45: {  	_ = 	snop  }
0x46: {  	[spmem:s2] =	stream.linear.scatter [tilespmem:s4], [sflag:$0x2], $0x400, $0x38;
	[tilespmem:$0x18C00] =	vst v63  }
0x47: {  	s20 =	rddreg [dreg:$0x11]  }
0x48: {  	[tilespmem:s5], [sflag:$0x9] =	stream.linear.gather [hbm4b:s20+s11], $0x400, $0x38;
	[tilespmem:$0x18C00] =	vst v63  }
0x49: {  	_ =	swait.ge [sflag:s3], $0x400  }
0x4a: {  	[sflag:s3] =	ssyncset.done $0x0  }
0x4b: {  	s21 =	rddreg [dreg:$0x19];
	[sflag:s3] =	ssyncadd.s32 $0xFFFFFC00  }
0x4c: {  	[tilespmem:s11], [sflag:$0x9] =	stream.linear.gather [hbm4b:s21+s11], $0x2800, $0x38;
	[tilespmem:$0x18C00] =	vst v63  }
0x4d: {  	_ =	swait.ge [sflag:s3], $0x2800  }
0x4e: {  	s26 =	smov.u32 s25;
	[sflag:s3] =	ssyncset.done $0x0  }
0x4f: {  	s25 =	simm.s32 $0x2800;
	s22 =	rddreg [dreg:$0x1a];
	[sflag:s3] =	ssyncadd.s32 $0xFFFFD800  }
0x50: {  	[tilespmem:s25], [sflag:$0x9] =	stream.linear.gather [hbm4b:s22+s11], $0x2800, $0x38;
	[tilespmem:$0x18C00] =	vst v63  }
0x51: {  	_ =	swait.ge [sflag:s3], $0x2800  }
0x52: {  	[sflag:s3] =	ssyncset.done $0x0  }
0x53: {  	[sflag:s3] =	ssyncadd.s32 $0xFFFFD800  }
0x54: {  	_ =	swait.ge [sflag:s6], $0x2000  }
0x55: {  	[sflag:s6] =	ssyncset.done $0x0  }
0x56: {  	[sflag:s6] =	ssyncadd.s32 $0xFFFFE000  }
0x57: {  	_ =	swait.ge [sflag:s7], $0x400  }
0x58: {  	[sflag:s7] =	ssyncset.done $0x0  }
0x59: {  	[sflag:s7] =	ssyncadd.s32 $0xFFFFFC00  }
0x5a: {  	_ =	swait.ge [sflag:s6], $0x2000  }
0x5b: {  	[sflag:s6] =	ssyncset.done $0x0  }
0x5c: {  	[sflag:s6] =	ssyncadd.s32 $0xFFFFE000  }
0x5d: {  	_ =	swait.ge [sflag:s7], $0x400  }
0x5e: {  	[sflag:s7] =	ssyncset.done $0x0  }
0x5f: {  	[sflag:s7] =	ssyncadd.s32 $0xFFFFFC00  }
0x60: {  	_ =	swait.ge [sflag:s6], $0x2000  }
0x61: {  	[sflag:s6] =	ssyncset.done $0x0  }
0x62: {  	[sflag:s6] =	ssyncadd.s32 $0xFFFFE000  }
0x63: {  	_ =	swait.ge [sflag:s7], $0x400  }
0x64: {  	[sflag:s7] =	ssyncset.done $0x0  }
0x65: {  	[sflag:s7] =	ssyncadd.s32 $0xFFFFFC00  }
0x66: {  	_ =	swait.ge [sflag:s6], $0x2000  }
0x67: {  	[sflag:s6] =	ssyncset.done $0x0  }
0x68: {  	[sflag:s6] =	ssyncadd.s32 $0xFFFFE000  }
0x69: {  	_ =	swait.ge [sflag:s7], $0x400  }
0x6a: {  	[sflag:s7] =	ssyncset.done $0x0  }
0x6b: {  	[sflag:s7] =	ssyncadd.s32 $0xFFFFFC00  }
0x6c: {  	_ =	swait.ge [sflag:s6], $0x2000  }
0x6d: {  	[sflag:s6] =	ssyncset.done $0x0  }
0x6e: {  	[sflag:s6] =	ssyncadd.s32 $0xFFFFE000  }
0x6f: {  	_ =	swait.ge [sflag:s7], $0x400  }
0x70: {  	[sflag:s7] =	ssyncset.done $0x0  }
0x71: {  	[sflag:s7] =	ssyncadd.s32 $0xFFFFFC00  }
0x72: {  	[bflag:$0x0] =	sbarrier.arrive $0xFFFF  }
0x73: {  	[tilespmem:s0], [sflag:$0x1] =	stream.indirect.gather [hbm4b:s1+s8], $0x40, s11, s8, $0xb8;
	[tilespmem:$0x18C00] =	vst v63  }
0x74: {  	_ = 	snop  }
0x75: {  	[tilespmem:s9], [sflag:$0x2] =	stream.indirect.gather [hbm4b:s1+s8], $0x40, s8, s8, $0xb8;
	[tilespmem:$0x18C00] =	vst v63  }
0x76: {  	s28 =	simm.s32 $0x100  }
0x77: {  	[tilespmem:s10], [sflag:$0x3] =	stream.indirect.gather [hbm4b:s1+s8], $0x40, s28, s8, $0xb8;
	[tilespmem:$0x18C00] =	vst v63  }
0x78: {  	s29 =	simm.s32 $0x180  }
0x79: {  	[tilespmem:s14], [sflag:$0x4] =	stream.indirect.gather [hbm4b:s1+s8], $0x40, s29, s8, $0xb8;
	[tilespmem:$0x18C00] =	vst v63  }
0x7a: {  	_ =	swait.ge [sflag:s6], $0x2000  }
0x7b: {  	[sflag:s6] =	ssyncset.done $0x0  }
0x7c: {  	s11 =	simm.s32 $0x2800;
	[sflag:s6] =	ssyncadd.s32 $0xFFFFE000  }
0x7d: {  	[spmem:s12] =	stream.indirect.scatter.add.bf16 [tilespmem:s0], [sflag:$0x5], $0x40, s11, s8, $0xb8;
	[tilespmem:$0x18C00] =	vst v63  }
0x7e: {  	_ = 	snop  }
0x7f: {  	[spmem:s13] =	stream.indirect.scatter.add.f32 [tilespmem:s5], [sflag:$0x9], $0x8, s11, s8, $0xb8;
	[tilespmem:$0x18C00] =	vst v63  }
0x80: {  	_ =	swait.ge [sflag:s3], $0x400  }
0x81: {  	[sflag:s3] =	ssyncset.done $0x0  }
0x82: {  	[sflag:s3] =	ssyncadd.s32 $0xFFFFFC00  }
0x83: {  	_ =	swait.ge [sflag:s7], $0x2000  }
0x84: {  	[sflag:s7] =	ssyncset.done $0x0  }
0x85: {  	s20 =	simm.s32 $0x2880;
	[sflag:s7] =	ssyncadd.s32 $0xFFFFE000  }
0x86: {  	[spmem:s12] =	stream.indirect.scatter.add.bf16 [tilespmem:s9], [sflag:$0x6], $0x40, s20, s8, $0xb8;
	[tilespmem:$0x18C00] =	vst v63  }
0x87: {  	_ = 	snop  }
0x88: {  	[spmem:s13] =	stream.indirect.scatter.add.f32 [tilespmem:s5], [sflag:$0x9], $0x8, s20, s8, $0xb8;
	[tilespmem:$0x18C00] =	vst v63  }
0x89: {  	_ =	swait.ge [sflag:s3], $0x400  }
0x8a: {  	[sflag:s3] =	ssyncset.done $0x0  }
0x8b: {  	[sflag:s3] =	ssyncadd.s32 $0xFFFFFC00  }
0x8c: {  	_ =	swait.ge [sflag:s15], $0x2000  }
0x8d: {  	[sflag:s15] =	ssyncset.done $0x0  }
0x8e: {  	s21 =	simm.s32 $0x200;
	[sflag:s15] =	ssyncadd.s32 $0xFFFFE000  }
0x8f: {  	[tilespmem:s0], [sflag:$0x1] =	stream.indirect.gather [hbm4b:s1+s8], $0x40, s21, s8, $0xb8;
	[tilespmem:$0x18C00] =	vst v63  }
0x90: {  	_ =	swait.ge [sflag:s16], $0x2000  }
0x91: {  	[sflag:s16] =	ssyncset.done $0x0  }
0x92: {  	s22 =	simm.s32 $0x2900;
	[sflag:s16] =	ssyncadd.s32 $0xFFFFE000  }
0x93: {  	[spmem:s12] =	stream.indirect.scatter.add.bf16 [tilespmem:s10], [sflag:$0x7], $0x40, s22, s8, $0xb8;
	[tilespmem:$0x18C00] =	vst v63  }
0x94: {  	_ = 	snop  }
0x95: {  	[spmem:s13] =	stream.indirect.scatter.add.f32 [tilespmem:s5], [sflag:$0x9], $0x8, s22, s8, $0xb8;
	[tilespmem:$0x18C00] =	vst v63  }
0x96: {  	_ =	swait.ge [sflag:s3], $0x400  }
0x97: {  	[sflag:s3] =	ssyncset.done $0x0  }
0x98: {  	[sflag:s3] =	ssyncadd.s32 $0xFFFFFC00  }
0x99: {  	_ =	swait.ge [sflag:s17], $0x2000  }
0x9a: {  	[sflag:s17] =	ssyncset.done $0x0  }
0x9b: {  	s25 =	simm.s32 $0x280;
	[sflag:s17] =	ssyncadd.s32 $0xFFFFE000  }
0x9c: {  	[tilespmem:s9], [sflag:$0x2] =	stream.indirect.gather [hbm4b:s1+s8], $0x40, s25, s8, $0xb8;
	[tilespmem:$0x18C00] =	vst v63  }
0x9d: {  	_ =	swait.ge [sflag:s18], $0x2000  }
0x9e: {  	[sflag:s18] =	ssyncset.done $0x0  }
0x9f: {  	s28 =	simm.s32 $0x2980;
	[sflag:s18] =	ssyncadd.s32 $0xFFFFE000  }
0xa0: {  	[spmem:s12] =	stream.indirect.scatter.add.bf16 [tilespmem:s14], [sflag:$0x8], $0x40, s28, s8, $0xb8;
	[tilespmem:$0x18C00] =	vst v63  }
0xa1: {  	_ = 	snop  }
0xa2: {  	[spmem:s13] =	stream.indirect.scatter.add.f32 [tilespmem:s5], [sflag:$0x9], $0x8, s28, s8, $0xb8;
	[tilespmem:$0x18C00] =	vst v63  }
0xa3: {  	_ =	swait.ge [sflag:s3], $0x400  }
0xa4: {  	[sflag:s3] =	ssyncset.done $0x0  }
0xa5: {  	[sflag:s3] =	ssyncadd.s32 $0xFFFFFC00  }
0xa6: {  	_ =	swait.ge [sflag:s30], $0x2000  }
0xa7: {  	[sflag:s30] =	ssyncset.done $0x0  }
0xa8: {  	s29 =	simm.s32 $0x300;
	[sflag:s30] =	ssyncadd.s32 $0xFFFFE000  }
0xa9: {  	[tilespmem:s10], [sflag:$0x3] =	stream.indirect.gather [hbm4b:s1+s8], $0x40, s29, s8, $0xb8;
	[tilespmem:$0x18C00] =	vst v63  }
0xaa: {  	_ =	swait.ge [sflag:s31], $0x2000  }
0xab: {  	s19 =	simm.s32 $0x800;
	[sflag:s31] =	ssyncset.done $0x0  }
0xac: {  	s2 =	simm.s32 $0x0;
	s20 =	simm.s32 $0x380;
	[sflag:s31] =	ssyncadd.s32 $0xFFFFE000  }
.LBB2_2:
0xad: {  	[tilespmem:s14], [sflag:$0x4] =	stream.indirect.gather [hbm4b:s1+s8], $0x40, s20, s8, $0xb8;
	[tilespmem:$0x18C00] =	vst v63  }
0xae: {  	s20 =	smov.u32 s19  }
0xaf: {  	p0 =	sne.s32 s19, $0x9000;
	s19 =	sadd.s32 $0x800, s19;
	_ =	swait.ge [sflag:s6], $0x2000  }
0xb0: {  	s20 =	sshra.s32 s20, $0x2;
	[sflag:s6] =	ssyncset.done $0x0  }
0xb1: {  	s21 =	sadd.s32 $0x2800, s20;
	[sflag:s6] =	ssyncadd.s32 $0xFFFFE000  }
0xb2: {  	[spmem:s12] =	stream.indirect.scatter.add.bf16 [tilespmem:s0], [sflag:$0x5], $0x40, s21, s8, $0xb8;
	[tilespmem:$0x18C00] =	vst v63  }
0xb3: {  	_ = 	snop  }
0xb4: {  	[spmem:s13] =	stream.indirect.scatter.add.f32 [tilespmem:s5], [sflag:$0x9], $0x8, s21, s8, $0xb8;
	[tilespmem:$0x18C00] =	vst v63  }
0xb5: {  	_ =	swait.ge [sflag:s3], $0x400  }
0xb6: {  	[sflag:s3] =	ssyncset.done $0x0  }
0xb7: {  	[sflag:s3] =	ssyncadd.s32 $0xFFFFFC00  }
0xb8: {  	_ =	swait.ge [sflag:s7], $0x2000  }
0xb9: {  	[sflag:s7] =	ssyncset.done $0x0  }
0xba: {  	s21 =	sadd.s32 $0x2880, s20;
	[sflag:s7] =	ssyncadd.s32 $0xFFFFE000  }
0xbb: {  	[spmem:s12] =	stream.indirect.scatter.add.bf16 [tilespmem:s9], [sflag:$0x6], $0x40, s21, s8, $0xb8;
	[tilespmem:$0x18C00] =	vst v63  }
0xbc: {  	_ = 	snop  }
0xbd: {  	[spmem:s13] =	stream.indirect.scatter.add.f32 [tilespmem:s5], [sflag:$0x9], $0x8, s21, s8, $0xb8;
	[tilespmem:$0x18C00] =	vst v63  }
0xbe: {  	_ =	swait.ge [sflag:s3], $0x400  }
0xbf: {  	[sflag:s3] =	ssyncset.done $0x0  }
0xc0: {  	[sflag:s3] =	ssyncadd.s32 $0xFFFFFC00  }
0xc1: {  	_ =	swait.ge [sflag:s15], $0x2000  }
0xc2: {  	[sflag:s15] =	ssyncset.done $0x0  }
0xc3: {  	s21 =	sadd.s32 $0x200, s20;
	[sflag:s15] =	ssyncadd.s32 $0xFFFFE000  }
0xc4: {  	[tilespmem:s0], [sflag:$0x1] =	stream.indirect.gather [hbm4b:s1+s8], $0x40, s21, s8, $0xb8;
	[tilespmem:$0x18C00] =	vst v63  }
0xc5: {  	_ =	swait.ge [sflag:s16], $0x2000  }
0xc6: {  	[sflag:s16] =	ssyncset.done $0x0  }
0xc7: {  	s21 =	sadd.s32 $0x2900, s20;
	[sflag:s16] =	ssyncadd.s32 $0xFFFFE000  }
0xc8: {  	[spmem:s12] =	stream.indirect.scatter.add.bf16 [tilespmem:s10], [sflag:$0x7], $0x40, s21, s8, $0xb8;
	[tilespmem:$0x18C00] =	vst v63  }
0xc9: {  	_ = 	snop  }
0xca: {  	[spmem:s13] =	stream.indirect.scatter.add.f32 [tilespmem:s5], [sflag:$0x9], $0x8, s21, s8, $0xb8;
	[tilespmem:$0x18C00] =	vst v63  }
0xcb: {  	_ =	swait.ge [sflag:s3], $0x400  }
0xcc: {  	[sflag:s3] =	ssyncset.done $0x0  }
0xcd: {  	[sflag:s3] =	ssyncadd.s32 $0xFFFFFC00  }
0xce: {  	_ =	swait.ge [sflag:s17], $0x2000  }
0xcf: {  	[sflag:s17] =	ssyncset.done $0x0  }
0xd0: {  	s21 =	sadd.s32 $0x280, s20;
	[sflag:s17] =	ssyncadd.s32 $0xFFFFE000  }
0xd1: {  	[tilespmem:s9], [sflag:$0x2] =	stream.indirect.gather [hbm4b:s1+s8], $0x40, s21, s8, $0xb8;
	[tilespmem:$0x18C00] =	vst v63  }
0xd2: {  	_ =	swait.ge [sflag:s18], $0x2000  }
0xd3: {  	[sflag:s18] =	ssyncset.done $0x0  }
0xd4: {  	s21 =	sadd.s32 $0x2980, s20;
	[sflag:s18] =	ssyncadd.s32 $0xFFFFE000  }
0xd5: {  	[spmem:s12] =	stream.indirect.scatter.add.bf16 [tilespmem:s14], [sflag:$0x8], $0x40, s21, s8, $0xb8;
	[tilespmem:$0x18C00] =	vst v63  }
0xd6: {  	_ = 	snop  }
0xd7: {  	[spmem:s13] =	stream.indirect.scatter.add.f32 [tilespmem:s5], [sflag:$0x9], $0x8, s21, s8, $0xb8;
	[tilespmem:$0x18C00] =	vst v63  }
0xd8: {  	_ =	swait.ge [sflag:s3], $0x400  }
0xd9: {  	[sflag:s3] =	ssyncset.done $0x0  }
0xda: {  	[sflag:s3] =	ssyncadd.s32 $0xFFFFFC00  }
0xdb: {  	_ =	swait.ge [sflag:s30], $0x2000  }
0xdc: {  	[sflag:s30] =	ssyncset.done $0x0  }
.Ltmp0:
0xdd: {  	s21 =	sadd.s32 $0x300, s20;
	[sflag:s30] =	ssyncadd.s32 $0xFFFFE000;
	(pc) =	sbr.rel @p0 .LBB2_2-.Ltmp0, $4  }
0xde: {  	[tilespmem:s10], [sflag:$0x3] =	stream.indirect.gather [hbm4b:s1+s8], $0x40, s21, s8, $0xb8;
	[tilespmem:$0x18C00] =	vst v63  }
0xdf: {  	_ =	swait.ge [sflag:s31], $0x2000  }
0xe0: {  	[sflag:s31] =	ssyncset.done $0x0  }
0xe1: {  	s20 =	sadd.s32 $0x380, s20;
	[sflag:s31] =	ssyncadd.s32 $0xFFFFE000  }
0xe2: {  	[tilespmem:s14], [sflag:$0x4] =	stream.indirect.gather [hbm4b:s1+s8], $0x40, s20, s8, $0xb8;
	[tilespmem:$0x18C00] =	vst v63  }
0xe3: {  	_ =	swait.ge [sflag:s6], $0x2000  }
0xe4: {  	[sflag:s6] =	ssyncset.done $0x0  }
0xe5: {  	s11 =	simm.s32 $0x4E00;
	[sflag:s6] =	ssyncadd.s32 $0xFFFFE000  }
0xe6: {  	[spmem:s12] =	stream.indirect.scatter.add.bf16 [tilespmem:s0], [sflag:$0x5], $0x40, s11, s8, $0xb8;
	[tilespmem:$0x18C00] =	vst v63  }
0xe7: {  	_ = 	snop  }
0xe8: {  	[spmem:s13] =	stream.indirect.scatter.add.f32 [tilespmem:s5], [sflag:$0x9], $0x8, s11, s8, $0xb8;
	[tilespmem:$0x18C00] =	vst v63  }
0xe9: {  	_ =	swait.ge [sflag:s3], $0x400  }
0xea: {  	[sflag:s3] =	ssyncset.done $0x0  }
0xeb: {  	[sflag:s3] =	ssyncadd.s32 $0xFFFFFC00  }
0xec: {  	_ =	swait.ge [sflag:s7], $0x2000  }
0xed: {  	[sflag:s7] =	ssyncset.done $0x0  }
0xee: {  	s20 =	simm.s32 $0x4E80;
	[sflag:s7] =	ssyncadd.s32 $0xFFFFE000  }
0xef: {  	[spmem:s12] =	stream.indirect.scatter.add.bf16 [tilespmem:s9], [sflag:$0x6], $0x40, s20, s8, $0xb8;
	[tilespmem:$0x18C00] =	vst v63  }
0xf0: {  	_ = 	snop  }
0xf1: {  	[spmem:s13] =	stream.indirect.scatter.add.f32 [tilespmem:s5], [sflag:$0x9], $0x8, s20, s8, $0xb8;
	[tilespmem:$0x18C00] =	vst v63  }
0xf2: {  	_ =	swait.ge [sflag:s3], $0x400  }
0xf3: {  	[sflag:s3] =	ssyncset.done $0x0  }
0xf4: {  	[sflag:s3] =	ssyncadd.s32 $0xFFFFFC00  }
0xf5: {  	_ =	swait.ge [sflag:s16], $0x2000  }
0xf6: {  	[sflag:s16] =	ssyncset.done $0x0  }
0xf7: {  	s21 =	simm.s32 $0x4F00;
	[sflag:s16] =	ssyncadd.s32 $0xFFFFE000  }
0xf8: {  	[spmem:s12] =	stream.indirect.scatter.add.bf16 [tilespmem:s10], [sflag:$0x7], $0x40, s21, s8, $0xb8;
	[tilespmem:$0x18C00] =	vst v63  }
0xf9: {  	_ = 	snop  }
0xfa: {  	[spmem:s13] =	stream.indirect.scatter.add.f32 [tilespmem:s5], [sflag:$0x9], $0x8, s21, s8, $0xb8;
	[tilespmem:$0x18C00] =	vst v63  }
0xfb: {  	_ =	swait.ge [sflag:s3], $0x400  }
0xfc: {  	[sflag:s3] =	ssyncset.done $0x0  }
0xfd: {  	[sflag:s3] =	ssyncadd.s32 $0xFFFFFC00  }
0xfe: {  	_ =	swait.ge [sflag:s18], $0x2000  }
0xff: {  	[sflag:s18] =	ssyncset.done $0x0  }
0x100: {  	s22 =	simm.s32 $0x4F80;
	[sflag:s18] =	ssyncadd.s32 $0xFFFFE000  }
0x101: {  	[spmem:s12] =	stream.indirect.scatter.add.bf16 [tilespmem:s14], [sflag:$0x8], $0x40, s22, s8, $0xb8;
	[tilespmem:$0x18C00] =	vst v63  }
0x102: {  	_ = 	snop  }
0x103: {  	[spmem:s13] =	stream.indirect.scatter.add.f32 [tilespmem:s5], [sflag:$0x9], $0x8, s22, s8, $0xb8;
	[tilespmem:$0x18C00] =	vst v63  }
0x104: {  	_ =	swait.ge [sflag:s3], $0x400  }
0x105: {  	[sflag:s3] =	ssyncset.done $0x0  }
0x106: {  	[sflag:s3] =	ssyncadd.s32 $0xFFFFFC00  }
0x107: {  	_ =	swait.ge [sflag:s15], $0x2000  }
0x108: {  	[sflag:s15] =	ssyncset.done $0x0  }
0x109: {  	[sflag:s15] =	ssyncadd.s32 $0xFFFFE000  }
0x10a: {  	_ =	swait.ge [sflag:s17], $0x2000  }
0x10b: {  	[sflag:s17] =	ssyncset.done $0x0  }
0x10c: {  	[sflag:s17] =	ssyncadd.s32 $0xFFFFE000  }
0x10d: {  	_ =	swait.ge [sflag:s30], $0x2000  }
0x10e: {  	[sflag:s30] =	ssyncset.done $0x0  }
0x10f: {  	[sflag:s30] =	ssyncadd.s32 $0xFFFFE000  }
0x110: {  	_ =	swait.ge [sflag:s31], $0x2000  }
0x111: {  	[sflag:s31] =	ssyncset.done $0x0  }
0x112: {  	[sflag:s31] =	ssyncadd.s32 $0xFFFFE000  }
0x113: {  	[bflag:$0x0] =	sbarrier.arrive $0xFFFF  }
0x114: {  	[tilespmem:s0], [sflag:$0x9] =	stream.linear.gather [spmem:s24], $0x2000, $0x38;
	[tilespmem:$0x18C00] =	vst v63  }
0x115: {  	_ =	swait.ge [sflag:s3], $0x2000  }
0x116: {  	[sflag:s3] =	ssyncset.done $0x0  }
0x117: {  	s19 =	rddreg [dreg:$0x5];
	[sflag:s3] =	ssyncadd.s32 $0xFFFFE000  }
0x118: {  	[hbm4b:s19+s2] =	stream.linear.scatter [tilespmem:s0], [sflag:$0x1], $0x2000, $0x38;
	[tilespmem:$0x18C00] =	vst v63  }
0x119: {  	_ = 	snop  }
0x11a: {  	[tilespmem:s4], [sflag:$0x9] =	stream.linear.gather [spmem:s23], $0x400, $0x38;
	[tilespmem:$0x18C00] =	vst v63  }
0x11b: {  	_ =	swait.ge [sflag:s3], $0x400  }
0x11c: {  	[sflag:s3] =	ssyncset.done $0x0  }
0x11d: {  	s20 =	smov.u32 s24;
	s24 =	rddreg [dreg:$0x6];
	[sflag:s3] =	ssyncadd.s32 $0xFFFFFC00  }
0x11e: {  	[hbm4b:s24+s2] =	stream.linear.scatter [tilespmem:s4], [sflag:$0x9], $0x400, $0x38;
	[tilespmem:$0x18C00] =	vst v63  }
0x11f: {  	_ =	swait.ge [sflag:s3], $0x400  }
0x120: {  	[sflag:s3] =	ssyncset.done $0x0  }
0x121: {  	s24 =	rddreg [dreg:$0x17];
	[sflag:s3] =	ssyncadd.s32 $0xFFFFFC00  }
0x122: {  	[tilespmem:s9], [sflag:$0x9] =	stream.linear.gather [spmem:s24], $0x2000, $0x38;
	[tilespmem:$0x18C00] =	vst v63  }
0x123: {  	_ =	swait.ge [sflag:s3], $0x2000  }
0x124: {  	[sflag:s3] =	ssyncset.done $0x0  }
0x125: {  	s25 =	rddreg [dreg:$0x7];
	[sflag:s3] =	ssyncadd.s32 $0xFFFFE000  }
0x126: {  	[hbm4b:s25+s2] =	stream.linear.scatter [tilespmem:s9], [sflag:$0x2], $0x2000, $0x38;
	[tilespmem:$0x18C00] =	vst v63  }
0x127: {  	_ = 	snop  }
0x128: {  	[tilespmem:s4], [sflag:$0x9] =	stream.linear.gather [spmem:s26], $0x400, $0x38;
	[tilespmem:$0x18C00] =	vst v63  }
0x129: {  	_ =	swait.ge [sflag:s3], $0x400  }
0x12a: {  	[sflag:s3] =	ssyncset.done $0x0  }
0x12b: {  	s11 =	rddreg [dreg:$0xb];
	[sflag:s3] =	ssyncadd.s32 $0xFFFFFC00  }
0x12c: {  	[hbm4b:s11+s2] =	stream.linear.scatter [tilespmem:s4], [sflag:$0x9], $0x400, $0x38;
	[tilespmem:$0x18C00] =	vst v63  }
0x12d: {  	_ =	swait.ge [sflag:s3], $0x400  }
0x12e: {  	[sflag:s3] =	ssyncset.done $0x0  }
0x12f: {  	[sflag:s3] =	ssyncadd.s32 $0xFFFFFC00  }
0x130: {  	_ =	swait.ge [sflag:s6], $0x2000  }
0x131: {  	[sflag:s6] =	ssyncset.done $0x0  }
0x132: {  	s28 =	rddreg [dreg:$0x13];
	[sflag:s6] =	ssyncadd.s32 $0xFFFFE000  }
0x133: {  	[tilespmem:s0], [sflag:$0x9] =	stream.linear.gather [spmem:s28], $0x2000, $0x38;
	[tilespmem:$0x18C00] =	vst v63  }
0x134: {  	_ =	swait.ge [sflag:s3], $0x2000  }
0x135: {  	[sflag:s3] =	ssyncset.done $0x0  }
0x136: {  	s22 =	rddreg [dreg:$0x8];
	[sflag:s3] =	ssyncadd.s32 $0xFFFFE000  }
0x137: {  	[hbm4b:s22+s2] =	stream.linear.scatter [tilespmem:s0], [sflag:$0x1], $0x2000, $0x38;
	[tilespmem:$0x18C00] =	vst v63  }
0x138: {  	s22 =	rddreg [dreg:$0x12]  }
0x139: {  	[tilespmem:s4], [sflag:$0x9] =	stream.linear.gather [spmem:s22], $0x400, $0x38;
	[tilespmem:$0x18C00] =	vst v63  }
0x13a: {  	_ =	swait.ge [sflag:s3], $0x400  }
0x13b: {  	[sflag:s3] =	ssyncset.done $0x0  }
0x13c: {  	s21 =	smov.u32 s23;
	s23 =	rddreg [dreg:$0xc];
	[sflag:s3] =	ssyncadd.s32 $0xFFFFFC00  }
0x13d: {  	[hbm4b:s23+s2] =	stream.linear.scatter [tilespmem:s4], [sflag:$0x9], $0x400, $0x38;
	[tilespmem:$0x18C00] =	vst v63  }
0x13e: {  	_ =	swait.ge [sflag:s3], $0x400  }
0x13f: {  	[sflag:s3] =	ssyncset.done $0x0  }
0x140: {  	[sflag:s3] =	ssyncadd.s32 $0xFFFFFC00  }
0x141: {  	_ =	swait.ge [sflag:s7], $0x2000  }
0x142: {  	[sflag:s7] =	ssyncset.done $0x0  }
0x143: {  	s23 =	rddreg [dreg:$0x14];
	[sflag:s7] =	ssyncadd.s32 $0xFFFFE000  }
0x144: {  	[tilespmem:s9], [sflag:$0x9] =	stream.linear.gather [spmem:s23], $0x2000, $0x38;
	[tilespmem:$0x18C00] =	vst v63  }
0x145: {  	_ =	swait.ge [sflag:s3], $0x2000  }
0x146: {  	[sflag:s3] =	ssyncset.done $0x0  }
0x147: {  	s25 =	smov.u32 s26;
	s26 =	rddreg [dreg:$0x9];
	[sflag:s3] =	ssyncadd.s32 $0xFFFFE000  }
0x148: {  	[hbm4b:s26+s2] =	stream.linear.scatter [tilespmem:s9], [sflag:$0x2], $0x2000, $0x38;
	[tilespmem:$0x18C00] =	vst v63  }
0x149: {  	s26 =	rddreg [dreg:$0x15]  }
0x14a: {  	[tilespmem:s4], [sflag:$0x9] =	stream.linear.gather [spmem:s26], $0x400, $0x38;
	[tilespmem:$0x18C00] =	vst v63  }
0x14b: {  	_ =	swait.ge [sflag:s3], $0x400  }
0x14c: {  	[sflag:s3] =	ssyncset.done $0x0  }
0x14d: {  	s11 =	rddreg [dreg:$0xd];
	[sflag:s3] =	ssyncadd.s32 $0xFFFFFC00  }
0x14e: {  	[hbm4b:s11+s2] =	stream.linear.scatter [tilespmem:s4], [sflag:$0x9], $0x400, $0x38;
	[tilespmem:$0x18C00] =	vst v63  }
0x14f: {  	_ =	swait.ge [sflag:s3], $0x400  }
0x150: {  	[sflag:s3] =	ssyncset.done $0x0  }
0x151: {  	[sflag:s3] =	ssyncadd.s32 $0xFFFFFC00  }
0x152: {  	_ =	swait.ge [sflag:s6], $0x2000  }
0x153: {  	[sflag:s6] =	ssyncset.done $0x0  }
0x154: {  	s29 =	rddreg [dreg:$0x16];
	[sflag:s6] =	ssyncadd.s32 $0xFFFFE000  }
0x155: {  	[tilespmem:s0], [sflag:$0x9] =	stream.linear.gather [spmem:s29], $0x2000, $0x38;
	[tilespmem:$0x18C00] =	vst v63  }
0x156: {  	_ =	swait.ge [sflag:s3], $0x2000  }
0x157: {  	[sflag:s3] =	ssyncset.done $0x0  }
0x158: {  	s11 =	rddreg [dreg:$0xa];
	[sflag:s3] =	ssyncadd.s32 $0xFFFFE000  }
0x159: {  	[hbm4b:s11+s2] =	stream.linear.scatter [tilespmem:s0], [sflag:$0x1], $0x2000, $0x38;
	[tilespmem:$0x18C00] =	vst v63  }
0x15a: {  	s2 =	rddreg [dreg:$0x18]  }
0x15b: {  	[tilespmem:s4], [sflag:$0x9] =	stream.linear.gather [spmem:s2], $0x400, $0x38;
	[tilespmem:$0x18C00] =	vst v63  }
0x15c: {  	_ =	swait.ge [sflag:s3], $0x400  }
0x15d: {  	[sflag:s3] =	ssyncset.done $0x0  }
0x15e: {  	s11 =	simm.s32 $0x0;
	s19 =	rddreg [dreg:$0xe];
	[sflag:s3] =	ssyncadd.s32 $0xFFFFFC00  }
0x15f: {  	[hbm4b:s19+s11] =	stream.linear.scatter [tilespmem:s4], [sflag:$0x9], $0x400, $0x38;
	[tilespmem:$0x18C00] =	vst v63  }
0x160: {  	_ =	swait.ge [sflag:s3], $0x400  }
0x161: {  	[sflag:s3] =	ssyncset.done $0x0  }
0x162: {  	[sflag:s3] =	ssyncadd.s32 $0xFFFFFC00  }
0x163: {  	_ =	swait.ge [sflag:s6], $0x2000  }
0x164: {  	[sflag:s6] =	ssyncset.done $0x0  }
0x165: {  	[sflag:s6] =	ssyncadd.s32 $0xFFFFE000  }
0x166: {  	_ =	swait.ge [sflag:s7], $0x2000  }
0x167: {  	s19 =	rddreg [dreg:$0x1c]  }
0x168: {  	s4 =	sadd.s32 $0x1, s19;
	s19 =	rddreg [dreg:$0x1b]  }
0x169: {  	p0 =	sne.s32 s4, s19  }
.Ltmp1:
0x16a: {  	_ = 	snop;
	(pc) =	sbr.rel @p0 .LBB2_1-.Ltmp1, $3  }
0x16b: {  	_ =	sdelay $0x1  }
0x16c: {  	[sflag:s7] =	ssyncset.done $0x0  }
0x16d: {  	[sflag:s7] =	ssyncadd.s32 $0xFFFFE000;
	[dreg:$0x1c] =	wrdreg s4;
	s4 =	simm.s32 $0x18800  }
0x16e: {  	_ =	sfence.sel $0x180000  }
0x16f: {  	[bflag:$0x0] =	sbarrier.arrive $0xFFFF  }
0x170: {  	_ =	strace $0x90000047  }
0x171: {  	s0 =	stileid.u32;
	[bflag:$0x2] =	sbarrier.arrive $0xFFFF  }
0x172: {  	p0 =	sne.s32 s0, $0x0;
	s0 =	rddreg [dreg:$0x4]  }
0x173: {  	s0 =	sadd.s32 @!p0 $0x100000, s0  }
0x174: {  	[sflag:s0] =	ssyncadd.tile.s32 @!p0 $0x1;
	_ =	shalt  }
.Lfunc_end2:
_tile_overlayer_lowered:
.L_overlay_start_2:
0x175: {  	(tag) =	ssettag $0x2  }
0x176: {  	s0 =	rddreg [dreg:$0x0];
	s2 =	stileid.u32  }
0x177: {  	s1 =	rddreg [dreg:$0x1];
	p0 =	sne.s32 s2, $0x0  }
0x178: {  	s3 =	rddreg [dreg:$0x2];
	[bflag:$0x3] =	sbarrier.arrive $0xFFFF;
	s2 =	simm.s32 @!p0 $0x1C09  }
0x179: {  	[timem:s3], [sflag:s2] =	dma.local @!p0 [hbm:s0], s1  }
0x17a: {  	s0 =	simm.s32 @!p0 $0x9  }
0x17b: {  	_ =	swait.ge @!p0 [sflag:s0], s1  }
0x17c: {  	s1 =	ssub.s32 @!p0 $0x0, s1;
	[sflag:s0] =	ssyncset.done @!p0 $0x0  }
0x17d: {  	[sflag:s0] =	ssyncadd.s32 @!p0 s1  }
0x17e: {  	[bflag:$0x3] =	sbarrier.arrive $0xFFFF  }
0x17f: {  	_ =	shalt  }

</sc_bundles>
